<compile_context>
chip_gen: v7x
topology: tpu7x:2x2x1
jax: 0.10.2.dev20260603
libtpu: 0.0.44.dev20260713+nightly
codegen_flags: <defaults>
</compile_context>

<pallas_src>
import functools

import jax
import jax.numpy as jnp
from jax import lax
from jax.experimental import pallas as pl
from jax.experimental.pallas import tpu as pltpu
from jax.experimental.pallas import tpu_sc as plsc

N_NODES = 10000
N_EDGES = 320000
D = 128
N_CLASSES = 40

NC = 2
NS = 16
NW = NC * NS
LANES = 16

NPAD = 10240
CHUNK = 64
GW = 60
NBUF = 4
K0 = 300
K1 = 13
EPW_PAD = (K0 + K1) * CHUNK * NS // NW
EPAD = NS * (K0 + K1) * CHUNK
PAD_SRC = N_NODES + 8
PAD_DST = NPAD - 1
ROWS_PER_TILE = NPAD // NS


def _sc_mesh():
    return plsc.VectorSubcoreMesh(
        core_axis_name="c", subcore_axis_name="s", num_cores=NC, num_subcores=NS
    )


def _sc_degrees(dst_flat):

    @functools.partial(
        pl.kernel,
        out_type=jax.ShapeDtypeStruct((NW, NPAD), jnp.float32),
        mesh=_sc_mesh(),
        scratch_types=[
            pltpu.VMEM((EPW_PAD,), jnp.int32),
            pltpu.VMEM((NPAD,), jnp.float32),
        ],
        compiler_params=pltpu.CompilerParams(needs_layout_passes=False),
    )
    def k(dst_hbm, out_hbm, idx_v, acc_v):
        wid = lax.axis_index("s") * jnp.int32(NC) + lax.axis_index("c")
        pltpu.sync_copy(dst_hbm.at[pl.ds(wid * jnp.int32(EPW_PAD), EPW_PAD)], idx_v)

        zeros = jnp.zeros((LANES,), jnp.float32)
        lanes32 = jnp.int32(LANES)

        def zbody(i, carry):
            acc_v[pl.ds(i * lanes32, LANES)] = zeros
            return carry

        lax.fori_loop(jnp.int32(0), jnp.int32(NPAD // LANES), zbody, jnp.int32(0))

        ones = jnp.ones((LANES,), jnp.float32)

        def sbody(i, carry):
            idx = idx_v[pl.ds(i * lanes32, LANES)]
            plsc.addupdate_scatter(acc_v, [idx], ones)
            return carry

        lax.fori_loop(jnp.int32(0), jnp.int32(EPW_PAD // LANES), sbody, jnp.int32(0))
        pltpu.sync_copy(acc_v, out_hbm.at[wid])

    return k(dst_flat)


def _sc_layer(x, src_w, dst_w, zero_rows):

    @functools.partial(
        pl.kernel,
        out_type=jax.ShapeDtypeStruct((NC, NPAD, D), jnp.float32),
        mesh=_sc_mesh(),
        scratch_types=[
            pltpu.VMEM((GW, CHUNK), jnp.int32),
            pltpu.VMEM((GW, CHUNK), jnp.int32),
        ] + [pltpu.VMEM((CHUNK, D), jnp.float32) for _ in range(NBUF)]
        + [
            pltpu.VMEM_SHARED((NPAD, D), jnp.float32),
        ] + [pltpu.SemaphoreType.DMA for _ in range(NBUF)],
    )
    def k(x_hbm, src_hbm, dst_hbm, zero_hbm, out_hbm,
          sidx, didx, *rest):
        bufs = rest[:NBUF]
        acc = rest[NBUF]
        sems = rest[NBUF + 1:]
        cid = lax.axis_index("c")
        sid = lax.axis_index("s")
        wid = cid * jnp.int32(NS) + sid
        rbase = sid * jnp.int32(ROWS_PER_TILE)
        pltpu.sync_copy(zero_hbm, rest[0])

        def zfill(r, carry):
            pltpu.sync_copy(
                rest[0],
                acc.at[pl.ds(rbase + r * jnp.int32(CHUNK), CHUNK)])
            return carry

        lax.fori_loop(jnp.int32(0), jnp.int32(ROWS_PER_TILE // CHUNK),
                      zfill, jnp.int32(0))
        plsc.subcore_barrier()

        def gather(j, b):
            pltpu.make_async_copy(x_hbm.at[sidx.at[j]], bufs[b], sems[b]).start()

        def wait(b):
            pltpu.make_async_copy(x_hbm.at[sidx.at[jnp.int32(0)]],
                                  bufs[b], sems[b]).wait()

        def scatter(j, b):
            pltpu.sync_copy(bufs[b], acc.at[didx.at[j]], add=True)

        glimit = lax.select(cid == jnp.int32(0), jnp.int32(GW), jnp.int32(K1))
        ntrip = lax.select(cid == jnp.int32(0),
                           jnp.int32(GW // NBUF),
                           jnp.int32((K1 + NBUF - 1) // NBUF))
        ngroups = lax.select(cid == jnp.int32(0),
                             jnp.int32(K0 // GW), jnp.int32(1))

        def group(g, carry):
            pltpu.sync_copy(src_hbm.at[wid, g], sidx)
            pltpu.sync_copy(dst_hbm.at[wid, g], didx)
            for b in range(NBUF - 1):
                gather(jnp.int32(b), b)

            def body(i, carry2):
                j0 = i * jnp.int32(NBUF)
                for b in range(NBUF):
                    j = j0 + jnp.int32(b)
                    jpre = j + jnp.int32(NBUF - 1)

                    @pl.when(jpre < glimit)
                    def _():
                        gather(jpre, (b + NBUF - 1) % NBUF)

                    @pl.when(j < glimit)
                    def _():
                        wait(b)
                        scatter(j, b)
                return carry2

            lax.fori_loop(jnp.int32(0), ntrip, body, jnp.int32(0))
            return carry

        lax.fori_loop(jnp.int32(0), ngroups, group, jnp.int32(0))
        plsc.subcore_barrier()
        pltpu.sync_copy(acc.at[pl.ds(rbase, ROWS_PER_TILE)],
                        out_hbm.at[cid, pl.ds(rbase, ROWS_PER_TILE)])

    return k(x, src_w, dst_w, zero_rows)


_BLK = 1024


def _tc_norm_scale(parts, h_pad):

    def body(p_ref, h_ref, norm_ref, x0_ref):
        degs = jnp.sum(p_ref[...], axis=0)
        n = lax.rsqrt(jnp.maximum(degs, 1.0))
        norm_ref[...] = n[:, None]
        x0_ref[...] = h_ref[...] * n[:, None]

    return pl.pallas_call(
        body,
        grid=(NPAD // _BLK,),
        in_specs=[
            pl.BlockSpec((NW, _BLK), lambda i: (jnp.int32(0), i)),
            pl.BlockSpec((_BLK, D), lambda i: (i, jnp.int32(0))),
        ],
        out_specs=[
            pl.BlockSpec((_BLK, 1), lambda i: (i, jnp.int32(0))),
            pl.BlockSpec((_BLK, D), lambda i: (i, jnp.int32(0))),
        ],
        out_shape=[
            jax.ShapeDtypeStruct((NPAD, 1), jnp.float32),
            jax.ShapeDtypeStruct((NPAD, D), jnp.float32),
        ],
    )(parts, h_pad)


def _tc_mid(p, norm):

    def body(p_ref, n_ref, o_ref):
        n = n_ref[...]
        o_ref[...] = (p_ref[0] + p_ref[1]) * (n * n)

    return pl.pallas_call(
        body,
        grid=(NPAD // _BLK,),
        in_specs=[
            pl.BlockSpec((NC, _BLK, D), lambda i: (jnp.int32(0), i, jnp.int32(0))),
            pl.BlockSpec((_BLK, 1), lambda i: (i, jnp.int32(0))),
        ],
        out_specs=pl.BlockSpec((_BLK, D), lambda i: (i, jnp.int32(0))),
        out_shape=jax.ShapeDtypeStruct((NPAD, D), jnp.float32),
    )(p, norm)


def _tc_final(p, norm, W1, b1, W2, b2):

    def body(p_ref, n_ref, w1_ref, b1_ref, w2_ref, b2_ref, o_ref):
        h2 = (p_ref[0] + p_ref[1]) * n_ref[...]
        t = jnp.dot(h2, w1_ref[...], preferred_element_type=jnp.float32)
        t = t + b1_ref[...]
        o = jnp.dot(t, w2_ref[...], preferred_element_type=jnp.float32)
        o_ref[...] = o + b2_ref[...]

    blk = 1000
    return pl.pallas_call(
        body,
        grid=(N_NODES // blk,),
        in_specs=[
            pl.BlockSpec((NC, blk, D), lambda i: (jnp.int32(0), i, jnp.int32(0))),
            pl.BlockSpec((blk, 1), lambda i: (i, jnp.int32(0))),
            pl.BlockSpec((D, D), lambda i: (jnp.int32(0), jnp.int32(0))),
            pl.BlockSpec((D,), lambda i: (jnp.int32(0),)),
            pl.BlockSpec((D, N_CLASSES), lambda i: (jnp.int32(0), jnp.int32(0))),
            pl.BlockSpec((N_CLASSES,), lambda i: (jnp.int32(0),)),
        ],
        out_specs=pl.BlockSpec((blk, N_CLASSES), lambda i: (i, jnp.int32(0))),
        out_shape=jax.ShapeDtypeStruct((N_NODES, N_CLASSES), jnp.float32),
    )(p, norm, W1, b1, W2, b2)


def _to_workers(flat, pad_chunks_value):
    a = flat[: NS * K0 * CHUNK].reshape(NS, K0, CHUNK)
    b = flat[NS * K0 * CHUNK:].reshape(NS, K1, CHUNK)
    b = jnp.concatenate(
        [b, jnp.full((NS, K0 - K1, CHUNK), pad_chunks_value, jnp.int32)], axis=1
    )
    return jnp.concatenate([a, b], axis=0).reshape(NW, K0 // GW, GW, CHUNK)


def kernel(h, e, edge_index, W1, b1, W2, b2):
    src = edge_index[0].astype(jnp.int32)
    dst = edge_index[1].astype(jnp.int32)
    src_f = jnp.concatenate([src, jnp.full((EPAD - N_EDGES,), PAD_SRC, jnp.int32)])
    dst_f = jnp.concatenate([dst, jnp.full((EPAD - N_EDGES,), PAD_DST, jnp.int32)])
    src_w = _to_workers(src_f, PAD_SRC)
    dst_w = _to_workers(dst_f, PAD_DST)
    zero_rows = jnp.zeros((CHUNK, D), jnp.float32)

    h_pad = jnp.concatenate(
        [h.astype(jnp.float32), jnp.zeros((NPAD - N_NODES, D), jnp.float32)]
    )
    parts = _sc_degrees(dst_f)
    norm, x0 = _tc_norm_scale(parts, h_pad)
    p1 = _sc_layer(x0, src_w, dst_w, zero_rows)
    x1 = _tc_mid(p1, norm)
    p2 = _sc_layer(x1, src_w, dst_w, zero_rows)
    return _tc_final(p2, norm, W1.astype(jnp.float32), b1.astype(jnp.float32),
                     W2.astype(jnp.float32), b2.astype(jnp.float32))

# --- scband reference (transcript-rebuilt; emitter-appended) ---
"""Pipeline reference for scband-simple-gcnnet-8418135900215 (READ-ONLY COPY).

The authoritative reference and input builder live on the scoring server;
editing this copy changes nothing except your own understanding.
"""

import jax
jax.config.update('jax_enable_x64', True)
import jax.numpy as jnp
import numpy as np

N_NODES = 10000
N_EDGES = 320000
IN_DIM = 128
HID_DIM = 128
N_CLASSES = 40
N_LAYERS = 2


def setup_inputs(seed: int = 0) -> dict:
    key = jax.random.key(seed)
    k1, k2, k3, k4, k5 = jax.random.split(key, 5)
    h = jax.random.normal(k1, (N_NODES, IN_DIM), dtype=jnp.float32)
    e = jax.random.normal(k2, (N_EDGES, 4), dtype=jnp.float32)
    edge_index = jax.random.randint(k3, (2, N_EDGES), 0, N_NODES, dtype=jnp.int64)
    # MLP readout params (MultiLinearLayer, num_layers=2, activation=None, bias=True)
    W1 = jax.random.normal(k4, (IN_DIM, HID_DIM), dtype=jnp.float32) * 0.05
    b1 = jnp.zeros((HID_DIM,), dtype=jnp.float32)
    W2 = jax.random.normal(k5, (HID_DIM, N_CLASSES), dtype=jnp.float32) * 0.05
    b2 = jnp.zeros((N_CLASSES,), dtype=jnp.float32)
    return {"h": h, "e": e, "edge_index": edge_index, "W1": W1, "b1": b1, "W2": W2, "b2": b2}


def reference(h, e, edge_index, W1, b1, W2, b2):
    # in_feat_dropout = 0.0 -> identity (eval mode)
    src = edge_index[0]
    dst = edge_index[1]
    # symmetric GCN normalization based on in-degree, clamped to min 1
    degs = jax.ops.segment_sum(jnp.ones((N_EDGES,), dtype=jnp.float32), dst, num_segments=N_NODES)
    degs = jnp.clip(degs, 1.0, None)
    norm = jnp.power(degs, -0.5)[:, None]
    for _ in range(N_LAYERS):
        h = h * norm
        # update_all(fn.copy_u('h','m'), fn.sum('m','h')): gather src feats, scatter-add to dst
        m = jnp.take(h, src, axis=0)
        h = jax.ops.segment_sum(m, dst, num_segments=N_NODES)
        h = h * norm
    # MultiLinearLayer readout: Linear(in->hid) -> Linear(hid->n_classes), activation=None
    h = h @ W1 + b1
    h = h @ W2 + b2
    return h

if __name__ == "__main__":
    import jax
    _d = setup_inputs()
    print(jax.jit(kernel)(*tuple(_d.values())))

</pallas_src>

<mosaic_0001>
#map = affine_map<(d0, d1) -> (0, 0)>
#map1 = affine_map<(d0, d1) -> (0, 0, 0, 0)>
#map2 = affine_map<(d0, d1) -> (0, 0, 0)>
module attributes {stable_mosaic.version = 14 : i64} {
  func.func @k(%arg0: i32, %arg1: i32, %arg2: memref<10240x128xf32, #tpu.memory_space<hbm>>, %arg3: memref<32x5x60x64xi32, #tpu.memory_space<hbm>>, %arg4: memref<32x5x60x64xi32, #tpu.memory_space<hbm>>, %arg5: memref<64x128xf32, #tpu.memory_space<hbm>>, %arg6: memref<2x10240x128xf32, #tpu.memory_space<hbm>>, %arg7: memref<60x64xi32, #tpu.memory_space<vmem>>, %arg8: memref<60x64xi32, #tpu.memory_space<vmem>>, %arg9: memref<64x128xf32, #tpu.memory_space<vmem>>, %arg10: memref<64x128xf32, #tpu.memory_space<vmem>>, %arg11: memref<64x128xf32, #tpu.memory_space<vmem>>, %arg12: memref<64x128xf32, #tpu.memory_space<vmem>>, %arg13: memref<10240x128xf32, #tpu.memory_space<vmem_shared>>, %arg14: memref<!tpu.dma_semaphore, #tpu.memory_space<semaphore_mem>>, %arg15: memref<!tpu.dma_semaphore, #tpu.memory_space<semaphore_mem>>, %arg16: memref<!tpu.dma_semaphore, #tpu.memory_space<semaphore_mem>>, %arg17: memref<!tpu.dma_semaphore, #tpu.memory_space<semaphore_mem>>) attributes {dimension_semantics = [#tpu.dimension_semantics<core_parallel>, #tpu.dimension_semantics<subcore_parallel>], iteration_bounds = array<i64: 2, 16>, scalar_prefetch = 0 : i64, scratch_operands = 11 : i64, tpu.core_type = #tpu.core_type<sc_vector_subcore>, window_params = [{transform_indices = #map}, {transform_indices = #map1}, {transform_indices = #map1}, {transform_indices = #map}, {transform_indices = #map2}]} {
    %mul3A = arith.constant 16 : i32
    %mul3A_0 = arith.muli %arg0, %mul3A : i32
    %add3A = arith.addi %mul3A_0, %arg1 : i32
    %mul3A_1 = arith.constant 640 : i32
    %mul3A_2 = arith.muli %arg1, %mul3A_1 : i32
    "tpu.region"() ({
      %run_scoped3A = tpu.sem_alloc : memref<!tpu.dma_semaphore, #tpu.memory_space<semaphore_mem>>
      tpu.enqueue_dma source(%arg5 : memref<64x128xf32, #tpu.memory_space<hbm>>) target(%arg9 : memref<64x128xf32, #tpu.memory_space<vmem>>) target_semaphore(%run_scoped3A : memref<!tpu.dma_semaphore, #tpu.memory_space<semaphore_mem>>)
      tpu.wait_dma2 semaphore(%run_scoped3A : memref<!tpu.dma_semaphore, #tpu.memory_space<semaphore_mem>>) src(%arg5 : memref<64x128xf32, #tpu.memory_space<hbm>>) dst(%arg9 : memref<64x128xf32, #tpu.memory_space<vmem>>)
      tpu.yield
    }) : () -> ()
    %while3A = arith.constant 0 : i32
    %while3A_3 = arith.constant 0 : i32
    %while3A_4 = arith.constant 10 : i32
    %while3A_5 = arith.subi %while3A_4, %while3A_3 : i32
    %while3A_6 = arith.addi %while3A_3, %while3A_5 : i32
    %while3A_7 = arith.constant 1 : i32
    %while3A_8 = arith.divsi %while3A_5, %while3A_7 : i32
    %while3A_9 = arith.muli %while3A_8, %while3A_7 : i32
    %while3A_10 = arith.addi %while3A_3, %while3A_9 : i32
    %while3A_11 = arith.constant 1 : i32
    scf.for %while3A_37 = %while3A_3 to %while3A_10 step %while3A_11  : i32 {
      %mul3A_38 = arith.constant 64 : i32
      %mul3A_39 = arith.muli %while3A_37, %mul3A_38 : i32
      %add3A_40 = arith.addi %mul3A_2, %mul3A_39 : i32
      "tpu.region"() ({
        %run_scoped3A = tpu.sem_alloc : memref<!tpu.dma_semaphore, #tpu.memory_space<semaphore_mem>>
        %dma_start3A = arith.constant 0 : i32
        %dma_start3A_41 = tpu.memref_slice %arg13[%add3A_40, %dma_start3A] : memref<10240x128xf32, #tpu.memory_space<vmem_shared>> -> memref<64x128xf32, #tpu.memory_space<vmem_shared>>
        %dma_start3A_42 = arith.constant 0 : i32
        %dma_start3A_43 = tpu.memref_slice %arg13[%add3A_40, %dma_start3A_42] : memref<10240x128xf32, #tpu.memory_space<vmem_shared>> -> memref<64x128xf32, #tpu.memory_space<vmem_shared>>
        tpu.enqueue_dma source(%arg9 : memref<64x128xf32, #tpu.memory_space<vmem>>) target(%dma_start3A_43 : memref<64x128xf32, #tpu.memory_space<vmem_shared>>) target_semaphore(%run_scoped3A : memref<!tpu.dma_semaphore, #tpu.memory_space<semaphore_mem>>)
        %dma_wait3A = arith.constant 0 : i32
        %dma_wait3A_44 = tpu.memref_slice %arg13[%add3A_40, %dma_wait3A] : memref<10240x128xf32, #tpu.memory_space<vmem_shared>> -> memref<64x128xf32, #tpu.memory_space<vmem_shared>>
        %dma_wait3A_45 = arith.constant 0 : i32
        %dma_wait3A_46 = tpu.memref_slice %arg13[%add3A_40, %dma_wait3A_45] : memref<10240x128xf32, #tpu.memory_space<vmem_shared>> -> memref<64x128xf32, #tpu.memory_space<vmem_shared>>
        tpu.wait_dma2 semaphore(%run_scoped3A : memref<!tpu.dma_semaphore, #tpu.memory_space<semaphore_mem>>) src(%arg9 : memref<64x128xf32, #tpu.memory_space<vmem>>) dst(%dma_wait3A_46 : memref<64x128xf32, #tpu.memory_space<vmem_shared>>)
        tpu.yield
      }) : () -> ()
    }
    %while3A_12 = arith.constant 1 : i32
    scf.for %while3A_37 = %while3A_10 to %while3A_6 step %while3A_12  : i32 {
      %mul3A_38 = arith.constant 64 : i32
      %mul3A_39 = arith.muli %while3A_37, %mul3A_38 : i32
      %add3A_40 = arith.addi %mul3A_2, %mul3A_39 : i32
      "tpu.region"() ({
        %run_scoped3A = tpu.sem_alloc : memref<!tpu.dma_semaphore, #tpu.memory_space<semaphore_mem>>
        %dma_start3A = arith.constant 0 : i32
        %dma_start3A_41 = tpu.memref_slice %arg13[%add3A_40, %dma_start3A] : memref<10240x128xf32, #tpu.memory_space<vmem_shared>> -> memref<64x128xf32, #tpu.memory_space<vmem_shared>>
        %dma_start3A_42 = arith.constant 0 : i32
        %dma_start3A_43 = tpu.memref_slice %arg13[%add3A_40, %dma_start3A_42] : memref<10240x128xf32, #tpu.memory_space<vmem_shared>> -> memref<64x128xf32, #tpu.memory_space<vmem_shared>>
        tpu.enqueue_dma source(%arg9 : memref<64x128xf32, #tpu.memory_space<vmem>>) target(%dma_start3A_43 : memref<64x128xf32, #tpu.memory_space<vmem_shared>>) target_semaphore(%run_scoped3A : memref<!tpu.dma_semaphore, #tpu.memory_space<semaphore_mem>>)
        %dma_wait3A = arith.constant 0 : i32
        %dma_wait3A_44 = tpu.memref_slice %arg13[%add3A_40, %dma_wait3A] : memref<10240x128xf32, #tpu.memory_space<vmem_shared>> -> memref<64x128xf32, #tpu.memory_space<vmem_shared>>
        %dma_wait3A_45 = arith.constant 0 : i32
        %dma_wait3A_46 = tpu.memref_slice %arg13[%add3A_40, %dma_wait3A_45] : memref<10240x128xf32, #tpu.memory_space<vmem_shared>> -> memref<64x128xf32, #tpu.memory_space<vmem_shared>>
        tpu.wait_dma2 semaphore(%run_scoped3A : memref<!tpu.dma_semaphore, #tpu.memory_space<semaphore_mem>>) src(%arg9 : memref<64x128xf32, #tpu.memory_space<vmem>>) dst(%dma_wait3A_46 : memref<64x128xf32, #tpu.memory_space<vmem_shared>>)
        tpu.yield
      }) : () -> ()
    }
    %barrier3A = arith.constant 0 : index
    tpu.barrier barrier_id(%barrier3A)
    %eq3A = arith.constant 0 : i32
    %eq3A_13 = arith.cmpi eq, %arg0, %eq3A : i32
    %select_n3A = arith.constant 13 : i32
    %select_n3A_14 = arith.constant 60 : i32
    %select_n3A_15 = arith.select %eq3A_13, %select_n3A_14, %select_n3A : i32
    %eq3A_16 = arith.constant 0 : i32
    %eq3A_17 = arith.cmpi eq, %arg0, %eq3A_16 : i32
    %select_n3A_18 = arith.constant 4 : i32
    %select_n3A_19 = arith.constant 15 : i32
    %select_n3A_20 = arith.select %eq3A_17, %select_n3A_19, %select_n3A_18 : i32
    %eq3A_21 = arith.constant 0 : i32
    %eq3A_22 = arith.cmpi eq, %arg0, %eq3A_21 : i32
    %select_n3A_23 = arith.constant 1 : i32
    %select_n3A_24 = arith.constant 5 : i32
    %select_n3A_25 = arith.select %eq3A_22, %select_n3A_24, %select_n3A_23 : i32
    %while3A_26 = arith.constant 0 : i32
    %while3A_27 = arith.constant 0 : i32
    %while3A_28 = arith.subi %select_n3A_25, %while3A_27 : i32
    %while3A_29 = arith.addi %while3A_27, %while3A_28 : i32
    %while3A_30 = arith.constant 1 : i32
    %while3A_31 = arith.divsi %while3A_28, %while3A_30 : i32
    %while3A_32 = arith.muli %while3A_31, %while3A_30 : i32
    %while3A_33 = arith.addi %while3A_27, %while3A_32 : i32
    %while3A_34 = arith.constant 1 : i32
    scf.for %while3A_37 = %while3A_27 to %while3A_33 step %while3A_34  : i32 {
      "tpu.region"() ({
        %run_scoped3A = tpu.sem_alloc : memref<!tpu.dma_semaphore, #tpu.memory_space<semaphore_mem>>
        %dma_start3A_68 = arith.constant 0 : i32
        %dma_start3A_69 = arith.constant 0 : i32
        %dma_start3A_70 = tpu.memref_slice %arg3[%add3A, %while3A_37, %dma_start3A_68, %dma_start3A_69] : memref<32x5x60x64xi32, #tpu.memory_space<hbm>> -> memref<1x1x60x64xi32, #tpu.memory_space<hbm>>
        %dma_start3A_71 = tpu.memref_squeeze %dma_start3A_70 : memref<1x1x60x64xi32, #tpu.memory_space<hbm>> -> memref<60x64xi32, #tpu.memory_space<hbm>>
        %dma_start3A_72 = arith.constant 0 : i32
        %dma_start3A_73 = arith.constant 0 : i32
        %dma_start3A_74 = tpu.memref_slice %arg3[%add3A, %while3A_37, %dma_start3A_72, %dma_start3A_73] : memref<32x5x60x64xi32, #tpu.memory_space<hbm>> -> memref<1x1x60x64xi32, #tpu.memory_space<hbm>>
        %dma_start3A_75 = tpu.memref_squeeze %dma_start3A_74 : memref<1x1x60x64xi32, #tpu.memory_space<hbm>> -> memref<60x64xi32, #tpu.memory_space<hbm>>
        tpu.enqueue_dma source(%dma_start3A_75 : memref<60x64xi32, #tpu.memory_space<hbm>>) target(%arg7 : memref<60x64xi32, #tpu.memory_space<vmem>>) target_semaphore(%run_scoped3A : memref<!tpu.dma_semaphore, #tpu.memory_space<semaphore_mem>>)
        %dma_wait3A = arith.constant 0 : i32
        %dma_wait3A_76 = arith.constant 0 : i32
        %dma_wait3A_77 = tpu.memref_slice %arg3[%add3A, %while3A_37, %dma_wait3A, %dma_wait3A_76] : memref<32x5x60x64xi32, #tpu.memory_space<hbm>> -> memref<1x1x60x64xi32, #tpu.memory_space<hbm>>
        %dma_wait3A_78 = tpu.memref_squeeze %dma_wait3A_77 : memref<1x1x60x64xi32, #tpu.memory_space<hbm>> -> memref<60x64xi32, #tpu.memory_space<hbm>>
        %dma_wait3A_79 = arith.constant 0 : i32
        %dma_wait3A_80 = arith.constant 0 : i32
        %dma_wait3A_81 = tpu.memref_slice %arg3[%add3A, %while3A_37, %dma_wait3A_79, %dma_wait3A_80] : memref<32x5x60x64xi32, #tpu.memory_space<hbm>> -> memref<1x1x60x64xi32, #tpu.memory_space<hbm>>
        %dma_wait3A_82 = tpu.memref_squeeze %dma_wait3A_81 : memref<1x1x60x64xi32, #tpu.memory_space<hbm>> -> memref<60x64xi32, #tpu.memory_space<hbm>>
        tpu.wait_dma2 semaphore(%run_scoped3A : memref<!tpu.dma_semaphore, #tpu.memory_space<semaphore_mem>>) src(%dma_wait3A_82 : memref<60x64xi32, #tpu.memory_space<hbm>>) dst(%arg7 : memref<60x64xi32, #tpu.memory_space<vmem>>)
        tpu.yield
      }) : () -> ()
      "tpu.region"() ({
        %run_scoped3A = tpu.sem_alloc : memref<!tpu.dma_semaphore, #tpu.memory_space<semaphore_mem>>
        %dma_start3A_68 = arith.constant 0 : i32
        %dma_start3A_69 = arith.constant 0 : i32
        %dma_start3A_70 = tpu.memref_slice %arg4[%add3A, %while3A_37, %dma_start3A_68, %dma_start3A_69] : memref<32x5x60x64xi32, #tpu.memory_space<hbm>> -> memref<1x1x60x64xi32, #tpu.memory_space<hbm>>
        %dma_start3A_71 = tpu.memref_squeeze %dma_start3A_70 : memref<1x1x60x64xi32, #tpu.memory_space<hbm>> -> memref<60x64xi32, #tpu.memory_space<hbm>>
        %dma_start3A_72 = arith.constant 0 : i32
        %dma_start3A_73 = arith.constant 0 : i32
        %dma_start3A_74 = tpu.memref_slice %arg4[%add3A, %while3A_37, %dma_start3A_72, %dma_start3A_73] : memref<32x5x60x64xi32, #tpu.memory_space<hbm>> -> memref<1x1x60x64xi32, #tpu.memory_space<hbm>>
        %dma_start3A_75 = tpu.memref_squeeze %dma_start3A_74 : memref<1x1x60x64xi32, #tpu.memory_space<hbm>> -> memref<60x64xi32, #tpu.memory_space<hbm>>
        tpu.enqueue_dma source(%dma_start3A_75 : memref<60x64xi32, #tpu.memory_space<hbm>>) target(%arg8 : memref<60x64xi32, #tpu.memory_space<vmem>>) target_semaphore(%run_scoped3A : memref<!tpu.dma_semaphore, #tpu.memory_space<semaphore_mem>>)
        %dma_wait3A = arith.constant 0 : i32
        %dma_wait3A_76 = arith.constant 0 : i32
        %dma_wait3A_77 = tpu.memref_slice %arg4[%add3A, %while3A_37, %dma_wait3A, %dma_wait3A_76] : memref<32x5x60x64xi32, #tpu.memory_space<hbm>> -> memref<1x1x60x64xi32, #tpu.memory_space<hbm>>
        %dma_wait3A_78 = tpu.memref_squeeze %dma_wait3A_77 : memref<1x1x60x64xi32, #tpu.memory_space<hbm>> -> memref<60x64xi32, #tpu.memory_space<hbm>>
        %dma_wait3A_79 = arith.constant 0 : i32
        %dma_wait3A_80 = arith.constant 0 : i32
        %dma_wait3A_81 = tpu.memref_slice %arg4[%add3A, %while3A_37, %dma_wait3A_79, %dma_wait3A_80] : memref<32x5x60x64xi32, #tpu.memory_space<hbm>> -> memref<1x1x60x64xi32, #tpu.memory_space<hbm>>
        %dma_wait3A_82 = tpu.memref_squeeze %dma_wait3A_81 : memref<1x1x60x64xi32, #tpu.memory_space<hbm>> -> memref<60x64xi32, #tpu.memory_space<hbm>>
        tpu.wait_dma2 semaphore(%run_scoped3A : memref<!tpu.dma_semaphore, #tpu.memory_space<semaphore_mem>>) src(%dma_wait3A_82 : memref<60x64xi32, #tpu.memory_space<hbm>>) dst(%arg8 : memref<60x64xi32, #tpu.memory_space<vmem>>)
        tpu.yield
      }) : () -> ()
      %dma_start3A = arith.constant 0 : i32
      %dma_start3A_38 = arith.constant 0 : i32
      %dma_start3A_39 = tpu.memref_slice %arg7[%dma_start3A, %dma_start3A_38] : memref<60x64xi32, #tpu.memory_space<vmem>> -> memref<1x64xi32, #tpu.memory_space<vmem>>
      %dma_start3A_40 = tpu.memref_squeeze %dma_start3A_39 : memref<1x64xi32, #tpu.memory_space<vmem>> -> memref<64xi32, #tpu.memory_space<vmem>>
      %dma_start3A_41 = arith.constant 0 : i32
      %dma_start3A_42 = arith.constant 0 : i32
      %dma_start3A_43 = tpu.memref_slice %arg2[%dma_start3A_41, %dma_start3A_42] : memref<10240x128xf32, #tpu.memory_space<hbm>> -> memref<10240x128xf32, #tpu.memory_space<hbm>>
      tpu.enqueue_indirect_dma source(%dma_start3A_43 : memref<10240x128xf32, #tpu.memory_space<hbm>>) target(%arg9 : memref<64x128xf32, #tpu.memory_space<vmem>>) offsets(%dma_start3A_40 : memref<64xi32, #tpu.memory_space<vmem>>) semaphore(%arg14 : memref<!tpu.dma_semaphore, #tpu.memory_space<semaphore_mem>>)
      %dma_start3A_44 = arith.constant 1 : i32
      %dma_start3A_45 = arith.constant 0 : i32
      %dma_start3A_46 = tpu.memref_slice %arg7[%dma_start3A_44, %dma_start3A_45] : memref<60x64xi32, #tpu.memory_space<vmem>> -> memref<1x64xi32, #tpu.memory_space<vmem>>
      %dma_start3A_47 = tpu.memref_squeeze %dma_start3A_46 : memref<1x64xi32, #tpu.memory_space<vmem>> -> memref<64xi32, #tpu.memory_space<vmem>>
      %dma_start3A_48 = arith.constant 0 : i32
      %dma_start3A_49 = arith.constant 0 : i32
      %dma_start3A_50 = tpu.memref_slice %arg2[%dma_start3A_48, %dma_start3A_49] : memref<10240x128xf32, #tpu.memory_space<hbm>> -> memref<10240x128xf32, #tpu.memory_space<hbm>>
      tpu.enqueue_indirect_dma source(%dma_start3A_50 : memref<10240x128xf32, #tpu.memory_space<hbm>>) target(%arg10 : memref<64x128xf32, #tpu.memory_space<vmem>>) offsets(%dma_start3A_47 : memref<64xi32, #tpu.memory_space<vmem>>) semaphore(%arg15 : memref<!tpu.dma_semaphore, #tpu.memory_space<semaphore_mem>>)
      %dma_start3A_51 = arith.constant 2 : i32
      %dma_start3A_52 = arith.constant 0 : i32
      %dma_start3A_53 = tpu.memref_slice %arg7[%dma_start3A_51, %dma_start3A_52] : memref<60x64xi32, #tpu.memory_space<vmem>> -> memref<1x64xi32, #tpu.memory_space<vmem>>
      %dma_start3A_54 = tpu.memref_squeeze %dma_start3A_53 : memref<1x64xi32, #tpu.memory_space<vmem>> -> memref<64xi32, #tpu.memory_space<vmem>>
      %dma_start3A_55 = arith.constant 0 : i32
      %dma_start3A_56 = arith.constant 0 : i32
      %dma_start3A_57 = tpu.memref_slice %arg2[%dma_start3A_55, %dma_start3A_56] : memref<10240x128xf32, #tpu.memory_space<hbm>> -> memref<10240x128xf32, #tpu.memory_space<hbm>>
      tpu.enqueue_indirect_dma source(%dma_start3A_57 : memref<10240x128xf32, #tpu.memory_space<hbm>>) target(%arg11 : memref<64x128xf32, #tpu.memory_space<vmem>>) offsets(%dma_start3A_54 : memref<64xi32, #tpu.memory_space<vmem>>) semaphore(%arg16 : memref<!tpu.dma_semaphore, #tpu.memory_space<semaphore_mem>>)
      %while3A_58 = arith.constant 0 : i32
      %while3A_59 = arith.constant 0 : i32
      %while3A_60 = arith.subi %select_n3A_20, %while3A_59 : i32
      %while3A_61 = arith.addi %while3A_59, %while3A_60 : i32
      %while3A_62 = arith.constant 1 : i32
      %while3A_63 = arith.divsi %while3A_60, %while3A_62 : i32
      %while3A_64 = arith.muli %while3A_63, %while3A_62 : i32
      %while3A_65 = arith.addi %while3A_59, %while3A_64 : i32
      %while3A_66 = arith.constant 1 : i32
      scf.for %while3A_68 = %while3A_59 to %while3A_65 step %while3A_66  : i32 {
        %mul3A_69 = arith.constant 4 : i32
        %mul3A_70 = arith.muli %while3A_68, %mul3A_69 : i32
        %add3A_71 = arith.constant 0 : i32
        %add3A_72 = arith.addi %mul3A_70, %add3A_71 : i32
        %add3A_73 = arith.constant 3 : i32
        %add3A_74 = arith.addi %add3A_72, %add3A_73 : i32
        %lt3A = arith.cmpi slt, %add3A_74, %select_n3A_15 : i32
        %convert_element_type3A = arith.extui %lt3A : i1 to i32
        %cond3A = arith.constant 0 : i32
        %cond3A_75 = arith.cmpi ne, %convert_element_type3A, %cond3A : i32
        scf.if %cond3A_75 {
          %dma_start3A_116 = arith.constant 0 : i32
          %dma_start3A_117 = tpu.memref_slice %arg7[%add3A_74, %dma_start3A_116] : memref<60x64xi32, #tpu.memory_space<vmem>> -> memref<1x64xi32, #tpu.memory_space<vmem>>
          %dma_start3A_118 = tpu.memref_squeeze %dma_start3A_117 : memref<1x64xi32, #tpu.memory_space<vmem>> -> memref<64xi32, #tpu.memory_space<vmem>>
          %dma_start3A_119 = arith.constant 0 : i32
          %dma_start3A_120 = arith.constant 0 : i32
          %dma_start3A_121 = tpu.memref_slice %arg2[%dma_start3A_119, %dma_start3A_120] : memref<10240x128xf32, #tpu.memory_space<hbm>> -> memref<10240x128xf32, #tpu.memory_space<hbm>>
          tpu.enqueue_indirect_dma source(%dma_start3A_121 : memref<10240x128xf32, #tpu.memory_space<hbm>>) target(%arg12 : memref<64x128xf32, #tpu.memory_space<vmem>>) offsets(%dma_start3A_118 : memref<64xi32, #tpu.memory_space<vmem>>) semaphore(%arg17 : memref<!tpu.dma_semaphore, #tpu.memory_space<semaphore_mem>>)
        } else {
        }
        %lt3A_76 = arith.cmpi slt, %add3A_72, %select_n3A_15 : i32
        %convert_element_type3A_77 = arith.extui %lt3A_76 : i1 to i32
        %cond3A_78 = arith.constant 0 : i32
        %cond3A_79 = arith.cmpi ne, %convert_element_type3A_77, %cond3A_78 : i32
        scf.if %cond3A_79 {
          %dma_wait3A = arith.constant 0 : i32
          %dma_wait3A_116 = arith.constant 0 : i32
          %dma_wait3A_117 = tpu.memref_slice %arg7[%dma_wait3A, %dma_wait3A_116] : memref<60x64xi32, #tpu.memory_space<vmem>> -> memref<1x64xi32, #tpu.memory_space<vmem>>
          %dma_wait3A_118 = tpu.memref_squeeze %dma_wait3A_117 : memref<1x64xi32, #tpu.memory_space<vmem>> -> memref<64xi32, #tpu.memory_space<vmem>>
          %dma_wait3A_119 = arith.constant 0 : i32
          %dma_wait3A_120 = arith.constant 0 : i32
          %dma_wait3A_121 = tpu.memref_slice %arg2[%dma_wait3A_119, %dma_wait3A_120] : memref<10240x128xf32, #tpu.memory_space<hbm>> -> memref<10240x128xf32, #tpu.memory_space<hbm>>
          tpu.wait_indirect_dma semaphore(%arg14 : memref<!tpu.dma_semaphore, #tpu.memory_space<semaphore_mem>>) src(%dma_wait3A_121 : memref<10240x128xf32, #tpu.memory_space<hbm>>) dst(%arg9 : memref<64x128xf32, #tpu.memory_space<vmem>>)
          "tpu.region"() ({
            %run_scoped3A = tpu.sem_alloc : memref<!tpu.dma_semaphore, #tpu.memory_space<semaphore_mem>>
            %dma_start3A_122 = arith.constant 0 : i32
            %dma_start3A_123 = tpu.memref_slice %arg8[%add3A_72, %dma_start3A_122] : memref<60x64xi32, #tpu.memory_space<vmem>> -> memref<1x64xi32, #tpu.memory_space<vmem>>
            %dma_start3A_124 = tpu.memref_squeeze %dma_start3A_123 : memref<1x64xi32, #tpu.memory_space<vmem>> -> memref<64xi32, #tpu.memory_space<vmem>>
            %dma_start3A_125 = arith.constant 0 : i32
            %dma_start3A_126 = arith.constant 0 : i32
            %dma_start3A_127 = tpu.memref_slice %arg13[%dma_start3A_125, %dma_start3A_126] : memref<10240x128xf32, #tpu.memory_space<vmem_shared>> -> memref<10240x128xf32, #tpu.memory_space<vmem_shared>>
            tpu.enqueue_indirect_dma source(%arg9 : memref<64x128xf32, #tpu.memory_space<vmem>>) target(%dma_start3A_127 : memref<10240x128xf32, #tpu.memory_space<vmem_shared>>) offsets(%dma_start3A_124 : memref<64xi32, #tpu.memory_space<vmem>>) semaphore(%run_scoped3A : memref<!tpu.dma_semaphore, #tpu.memory_space<semaphore_mem>>) {add = true}
            %dma_wait3A_128 = arith.constant 0 : i32
            %dma_wait3A_129 = tpu.memref_slice %arg8[%add3A_72, %dma_wait3A_128] : memref<60x64xi32, #tpu.memory_space<vmem>> -> memref<1x64xi32, #tpu.memory_space<vmem>>
            %dma_wait3A_130 = tpu.memref_squeeze %dma_wait3A_129 : memref<1x64xi32, #tpu.memory_space<vmem>> -> memref<64xi32, #tpu.memory_space<vmem>>
            %dma_wait3A_131 = arith.constant 0 : i32
            %dma_wait3A_132 = arith.constant 0 : i32
            %dma_wait3A_133 = tpu.memref_slice %arg13[%dma_wait3A_131, %dma_wait3A_132] : memref<10240x128xf32, #tpu.memory_space<vmem_shared>> -> memref<10240x128xf32, #tpu.memory_space<vmem_shared>>
            tpu.wait_indirect_dma semaphore(%run_scoped3A : memref<!tpu.dma_semaphore, #tpu.memory_space<semaphore_mem>>) src(%arg9 : memref<64x128xf32, #tpu.memory_space<vmem>>) dst(%dma_wait3A_133 : memref<10240x128xf32, #tpu.memory_space<vmem_shared>>)
            tpu.yield
          }) : () -> ()
        } else {
        }
        %add3A_80 = arith.constant 1 : i32
        %add3A_81 = arith.addi %mul3A_70, %add3A_80 : i32
        %add3A_82 = arith.constant 3 : i32
        %add3A_83 = arith.addi %add3A_81, %add3A_82 : i32
        %lt3A_84 = arith.cmpi slt, %add3A_83, %select_n3A_15 : i32
        %convert_element_type3A_85 = arith.extui %lt3A_84 : i1 to i32
        %cond3A_86 = arith.constant 0 : i32
        %cond3A_87 = arith.cmpi ne, %convert_element_type3A_85, %cond3A_86 : i32
        scf.if %cond3A_87 {
          %dma_start3A_116 = arith.constant 0 : i32
          %dma_start3A_117 = tpu.memref_slice %arg7[%add3A_83, %dma_start3A_116] : memref<60x64xi32, #tpu.memory_space<vmem>> -> memref<1x64xi32, #tpu.memory_space<vmem>>
          %dma_start3A_118 = tpu.memref_squeeze %dma_start3A_117 : memref<1x64xi32, #tpu.memory_space<vmem>> -> memref<64xi32, #tpu.memory_space<vmem>>
          %dma_start3A_119 = arith.constant 0 : i32
          %dma_start3A_120 = arith.constant 0 : i32
          %dma_start3A_121 = tpu.memref_slice %arg2[%dma_start3A_119, %dma_start3A_120] : memref<10240x128xf32, #tpu.memory_space<hbm>> -> memref<10240x128xf32, #tpu.memory_space<hbm>>
          tpu.enqueue_indirect_dma source(%dma_start3A_121 : memref<10240x128xf32, #tpu.memory_space<hbm>>) target(%arg9 : memref<64x128xf32, #tpu.memory_space<vmem>>) offsets(%dma_start3A_118 : memref<64xi32, #tpu.memory_space<vmem>>) semaphore(%arg14 : memref<!tpu.dma_semaphore, #tpu.memory_space<semaphore_mem>>)
        } else {
        }
        %lt3A_88 = arith.cmpi slt, %add3A_81, %select_n3A_15 : i32
        %convert_element_type3A_89 = arith.extui %lt3A_88 : i1 to i32
        %cond3A_90 = arith.constant 0 : i32
        %cond3A_91 = arith.cmpi ne, %convert_element_type3A_89, %cond3A_90 : i32
        scf.if %cond3A_91 {
          %dma_wait3A = arith.constant 0 : i32
          %dma_wait3A_116 = arith.constant 0 : i32
          %dma_wait3A_117 = tpu.memref_slice %arg7[%dma_wait3A, %dma_wait3A_116] : memref<60x64xi32, #tpu.memory_space<vmem>> -> memref<1x64xi32, #tpu.memory_space<vmem>>
          %dma_wait3A_118 = tpu.memref_squeeze %dma_wait3A_117 : memref<1x64xi32, #tpu.memory_space<vmem>> -> memref<64xi32, #tpu.memory_space<vmem>>
          %dma_wait3A_119 = arith.constant 0 : i32
          %dma_wait3A_120 = arith.constant 0 : i32
          %dma_wait3A_121 = tpu.memref_slice %arg2[%dma_wait3A_119, %dma_wait3A_120] : memref<10240x128xf32, #tpu.memory_space<hbm>> -> memref<10240x128xf32, #tpu.memory_space<hbm>>
          tpu.wait_indirect_dma semaphore(%arg15 : memref<!tpu.dma_semaphore, #tpu.memory_space<semaphore_mem>>) src(%dma_wait3A_121 : memref<10240x128xf32, #tpu.memory_space<hbm>>) dst(%arg10 : memref<64x128xf32, #tpu.memory_space<vmem>>)
          "tpu.region"() ({
            %run_scoped3A = tpu.sem_alloc : memref<!tpu.dma_semaphore, #tpu.memory_space<semaphore_mem>>
            %dma_start3A_122 = arith.constant 0 : i32
            %dma_start3A_123 = tpu.memref_slice %arg8[%add3A_81, %dma_start3A_122] : memref<60x64xi32, #tpu.memory_space<vmem>> -> memref<1x64xi32, #tpu.memory_space<vmem>>
            %dma_start3A_124 = tpu.memref_squeeze %dma_start3A_123 : memref<1x64xi32, #tpu.memory_space<vmem>> -> memref<64xi32, #tpu.memory_space<vmem>>
            %dma_start3A_125 = arith.constant 0 : i32
            %dma_start3A_126 = arith.constant 0 : i32
            %dma_start3A_127 = tpu.memref_slice %arg13[%dma_start3A_125, %dma_start3A_126] : memref<10240x128xf32, #tpu.memory_space<vmem_shared>> -> memref<10240x128xf32, #tpu.memory_space<vmem_shared>>
            tpu.enqueue_indirect_dma source(%arg10 : memref<64x128xf32, #tpu.memory_space<vmem>>) target(%dma_start3A_127 : memref<10240x128xf32, #tpu.memory_space<vmem_shared>>) offsets(%dma_start3A_124 : memref<64xi32, #tpu.memory_space<vmem>>) semaphore(%run_scoped3A : memref<!tpu.dma_semaphore, #tpu.memory_space<semaphore_mem>>) {add = true}
            %dma_wait3A_128 = arith.constant 0 : i32
            %dma_wait3A_129 = tpu.memref_slice %arg8[%add3A_81, %dma_wait3A_128] : memref<60x64xi32, #tpu.memory_space<vmem>> -> memref<1x64xi32, #tpu.memory_space<vmem>>
            %dma_wait3A_130 = tpu.memref_squeeze %dma_wait3A_129 : memref<1x64xi32, #tpu.memory_space<vmem>> -> memref<64xi32, #tpu.memory_space<vmem>>
            %dma_wait3A_131 = arith.constant 0 : i32
            %dma_wait3A_132 = arith.constant 0 : i32
            %dma_wait3A_133 = tpu.memref_slice %arg13[%dma_wait3A_131, %dma_wait3A_132] : memref<10240x128xf32, #tpu.memory_space<vmem_shared>> -> memref<10240x128xf32, #tpu.memory_space<vmem_shared>>
            tpu.wait_indirect_dma semaphore(%run_scoped3A : memref<!tpu.dma_semaphore, #tpu.memory_space<semaphore_mem>>) src(%arg10 : memref<64x128xf32, #tpu.memory_space<vmem>>) dst(%dma_wait3A_133 : memref<10240x128xf32, #tpu.memory_space<vmem_shared>>)
            tpu.yield
          }) : () -> ()
        } else {
        }
        %add3A_92 = arith.constant 2 : i32
        %add3A_93 = arith.addi %mul3A_70, %add3A_92 : i32
        %add3A_94 = arith.constant 3 : i32
        %add3A_95 = arith.addi %add3A_93, %add3A_94 : i32
        %lt3A_96 = arith.cmpi slt, %add3A_95, %select_n3A_15 : i32
        %convert_element_type3A_97 = arith.extui %lt3A_96 : i1 to i32
        %cond3A_98 = arith.constant 0 : i32
        %cond3A_99 = arith.cmpi ne, %convert_element_type3A_97, %cond3A_98 : i32
        scf.if %cond3A_99 {
          %dma_start3A_116 = arith.constant 0 : i32
          %dma_start3A_117 = tpu.memref_slice %arg7[%add3A_95, %dma_start3A_116] : memref<60x64xi32, #tpu.memory_space<vmem>> -> memref<1x64xi32, #tpu.memory_space<vmem>>
          %dma_start3A_118 = tpu.memref_squeeze %dma_start3A_117 : memref<1x64xi32, #tpu.memory_space<vmem>> -> memref<64xi32, #tpu.memory_space<vmem>>
          %dma_start3A_119 = arith.constant 0 : i32
          %dma_start3A_120 = arith.constant 0 : i32
          %dma_start3A_121 = tpu.memref_slice %arg2[%dma_start3A_119, %dma_start3A_120] : memref<10240x128xf32, #tpu.memory_space<hbm>> -> memref<10240x128xf32, #tpu.memory_space<hbm>>
          tpu.enqueue_indirect_dma source(%dma_start3A_121 : memref<10240x128xf32, #tpu.memory_space<hbm>>) target(%arg10 : memref<64x128xf32, #tpu.memory_space<vmem>>) offsets(%dma_start3A_118 : memref<64xi32, #tpu.memory_space<vmem>>) semaphore(%arg15 : memref<!tpu.dma_semaphore, #tpu.memory_space<semaphore_mem>>)
        } else {
        }
        %lt3A_100 = arith.cmpi slt, %add3A_93, %select_n3A_15 : i32
        %convert_element_type3A_101 = arith.extui %lt3A_100 : i1 to i32
        %cond3A_102 = arith.constant 0 : i32
        %cond3A_103 = arith.cmpi ne, %convert_element_type3A_101, %cond3A_102 : i32
        scf.if %cond3A_103 {
          %dma_wait3A = arith.constant 0 : i32
          %dma_wait3A_116 = arith.constant 0 : i32
          %dma_wait3A_117 = tpu.memref_slice %arg7[%dma_wait3A, %dma_wait3A_116] : memref<60x64xi32, #tpu.memory_space<vmem>> -> memref<1x64xi32, #tpu.memory_space<vmem>>
          %dma_wait3A_118 = tpu.memref_squeeze %dma_wait3A_117 : memref<1x64xi32, #tpu.memory_space<vmem>> -> memref<64xi32, #tpu.memory_space<vmem>>
          %dma_wait3A_119 = arith.constant 0 : i32
          %dma_wait3A_120 = arith.constant 0 : i32
          %dma_wait3A_121 = tpu.memref_slice %arg2[%dma_wait3A_119, %dma_wait3A_120] : memref<10240x128xf32, #tpu.memory_space<hbm>> -> memref<10240x128xf32, #tpu.memory_space<hbm>>
          tpu.wait_indirect_dma semaphore(%arg16 : memref<!tpu.dma_semaphore, #tpu.memory_space<semaphore_mem>>) src(%dma_wait3A_121 : memref<10240x128xf32, #tpu.memory_space<hbm>>) dst(%arg11 : memref<64x128xf32, #tpu.memory_space<vmem>>)
          "tpu.region"() ({
            %run_scoped3A = tpu.sem_alloc : memref<!tpu.dma_semaphore, #tpu.memory_space<semaphore_mem>>
            %dma_start3A_122 = arith.constant 0 : i32
            %dma_start3A_123 = tpu.memref_slice %arg8[%add3A_93, %dma_start3A_122] : memref<60x64xi32, #tpu.memory_space<vmem>> -> memref<1x64xi32, #tpu.memory_space<vmem>>
            %dma_start3A_124 = tpu.memref_squeeze %dma_start3A_123 : memref<1x64xi32, #tpu.memory_space<vmem>> -> memref<64xi32, #tpu.memory_space<vmem>>
            %dma_start3A_125 = arith.constant 0 : i32
            %dma_start3A_126 = arith.constant 0 : i32
            %dma_start3A_127 = tpu.memref_slice %arg13[%dma_start3A_125, %dma_start3A_126] : memref<10240x128xf32, #tpu.memory_space<vmem_shared>> -> memref<10240x128xf32, #tpu.memory_space<vmem_shared>>
            tpu.enqueue_indirect_dma source(%arg11 : memref<64x128xf32, #tpu.memory_space<vmem>>) target(%dma_start3A_127 : memref<10240x128xf32, #tpu.memory_space<vmem_shared>>) offsets(%dma_start3A_124 : memref<64xi32, #tpu.memory_space<vmem>>) semaphore(%run_scoped3A : memref<!tpu.dma_semaphore, #tpu.memory_space<semaphore_mem>>) {add = true}
            %dma_wait3A_128 = arith.constant 0 : i32
            %dma_wait3A_129 = tpu.memref_slice %arg8[%add3A_93, %dma_wait3A_128] : memref<60x64xi32, #tpu.memory_space<vmem>> -> memref<1x64xi32, #tpu.memory_space<vmem>>
            %dma_wait3A_130 = tpu.memref_squeeze %dma_wait3A_129 : memref<1x64xi32, #tpu.memory_space<vmem>> -> memref<64xi32, #tpu.memory_space<vmem>>
            %dma_wait3A_131 = arith.constant 0 : i32
            %dma_wait3A_132 = arith.constant 0 : i32
            %dma_wait3A_133 = tpu.memref_slice %arg13[%dma_wait3A_131, %dma_wait3A_132] : memref<10240x128xf32, #tpu.memory_space<vmem_shared>> -> memref<10240x128xf32, #tpu.memory_space<vmem_shared>>
            tpu.wait_indirect_dma semaphore(%run_scoped3A : memref<!tpu.dma_semaphore, #tpu.memory_space<semaphore_mem>>) src(%arg11 : memref<64x128xf32, #tpu.memory_space<vmem>>) dst(%dma_wait3A_133 : memref<10240x128xf32, #tpu.memory_space<vmem_shared>>)
            tpu.yield
          }) : () -> ()
        } else {
        }
        %add3A_104 = arith.constant 3 : i32
        %add3A_105 = arith.addi %mul3A_70, %add3A_104 : i32
        %add3A_106 = arith.constant 3 : i32
        %add3A_107 = arith.addi %add3A_105, %add3A_106 : i32
        %lt3A_108 = arith.cmpi slt, %add3A_107, %select_n3A_15 : i32
        %convert_element_type3A_109 = arith.extui %lt3A_108 : i1 to i32
        %cond3A_110 = arith.constant 0 : i32
        %cond3A_111 = arith.cmpi ne, %convert_element_type3A_109, %cond3A_110 : i32
        scf.if %cond3A_111 {
          %dma_start3A_116 = arith.constant 0 : i32
          %dma_start3A_117 = tpu.memref_slice %arg7[%add3A_107, %dma_start3A_116] : memref<60x64xi32, #tpu.memory_space<vmem>> -> memref<1x64xi32, #tpu.memory_space<vmem>>
          %dma_start3A_118 = tpu.memref_squeeze %dma_start3A_117 : memref<1x64xi32, #tpu.memory_space<vmem>> -> memref<64xi32, #tpu.memory_space<vmem>>
          %dma_start3A_119 = arith.constant 0 : i32
          %dma_start3A_120 = arith.constant 0 : i32
          %dma_start3A_121 = tpu.memref_slice %arg2[%dma_start3A_119, %dma_start3A_120] : memref<10240x128xf32, #tpu.memory_space<hbm>> -> memref<10240x128xf32, #tpu.memory_space<hbm>>
          tpu.enqueue_indirect_dma source(%dma_start3A_121 : memref<10240x128xf32, #tpu.memory_space<hbm>>) target(%arg11 : memref<64x128xf32, #tpu.memory_space<vmem>>) offsets(%dma_start3A_118 : memref<64xi32, #tpu.memory_space<vmem>>) semaphore(%arg16 : memref<!tpu.dma_semaphore, #tpu.memory_space<semaphore_mem>>)
        } else {
        }
        %lt3A_112 = arith.cmpi slt, %add3A_105, %select_n3A_15 : i32
        %convert_element_type3A_113 = arith.extui %lt3A_112 : i1 to i32
        %cond3A_114 = arith.constant 0 : i32
        %cond3A_115 = arith.cmpi ne, %convert_element_type3A_113, %cond3A_114 : i32
        scf.if %cond3A_115 {
          %dma_wait3A = arith.constant 0 : i32
          %dma_wait3A_116 = arith.constant 0 : i32
          %dma_wait3A_117 = tpu.memref_slice %arg7[%dma_wait3A, %dma_wait3A_116] : memref<60x64xi32, #tpu.memory_space<vmem>> -> memref<1x64xi32, #tpu.memory_space<vmem>>
          %dma_wait3A_118 = tpu.memref_squeeze %dma_wait3A_117 : memref<1x64xi32, #tpu.memory_space<vmem>> -> memref<64xi32, #tpu.memory_space<vmem>>
          %dma_wait3A_119 = arith.constant 0 : i32
          %dma_wait3A_120 = arith.constant 0 : i32
          %dma_wait3A_121 = tpu.memref_slice %arg2[%dma_wait3A_119, %dma_wait3A_120] : memref<10240x128xf32, #tpu.memory_space<hbm>> -> memref<10240x128xf32, #tpu.memory_space<hbm>>
          tpu.wait_indirect_dma semaphore(%arg17 : memref<!tpu.dma_semaphore, #tpu.memory_space<semaphore_mem>>) src(%dma_wait3A_121 : memref<10240x128xf32, #tpu.memory_space<hbm>>) dst(%arg12 : memref<64x128xf32, #tpu.memory_space<vmem>>)
          "tpu.region"() ({
            %run_scoped3A = tpu.sem_alloc : memref<!tpu.dma_semaphore, #tpu.memory_space<semaphore_mem>>
            %dma_start3A_122 = arith.constant 0 : i32
            %dma_start3A_123 = tpu.memref_slice %arg8[%add3A_105, %dma_start3A_122] : memref<60x64xi32, #tpu.memory_space<vmem>> -> memref<1x64xi32, #tpu.memory_space<vmem>>
            %dma_start3A_124 = tpu.memref_squeeze %dma_start3A_123 : memref<1x64xi32, #tpu.memory_space<vmem>> -> memref<64xi32, #tpu.memory_space<vmem>>
            %dma_start3A_125 = arith.constant 0 : i32
            %dma_start3A_126 = arith.constant 0 : i32
            %dma_start3A_127 = tpu.memref_slice %arg13[%dma_start3A_125, %dma_start3A_126] : memref<10240x128xf32, #tpu.memory_space<vmem_shared>> -> memref<10240x128xf32, #tpu.memory_space<vmem_shared>>
            tpu.enqueue_indirect_dma source(%arg12 : memref<64x128xf32, #tpu.memory_space<vmem>>) target(%dma_start3A_127 : memref<10240x128xf32, #tpu.memory_space<vmem_shared>>) offsets(%dma_start3A_124 : memref<64xi32, #tpu.memory_space<vmem>>) semaphore(%run_scoped3A : memref<!tpu.dma_semaphore, #tpu.memory_space<semaphore_mem>>) {add = true}
            %dma_wait3A_128 = arith.constant 0 : i32
            %dma_wait3A_129 = tpu.memref_slice %arg8[%add3A_105, %dma_wait3A_128] : memref<60x64xi32, #tpu.memory_space<vmem>> -> memref<1x64xi32, #tpu.memory_space<vmem>>
            %dma_wait3A_130 = tpu.memref_squeeze %dma_wait3A_129 : memref<1x64xi32, #tpu.memory_space<vmem>> -> memref<64xi32, #tpu.memory_space<vmem>>
            %dma_wait3A_131 = arith.constant 0 : i32
            %dma_wait3A_132 = arith.constant 0 : i32
            %dma_wait3A_133 = tpu.memref_slice %arg13[%dma_wait3A_131, %dma_wait3A_132] : memref<10240x128xf32, #tpu.memory_space<vmem_shared>> -> memref<10240x128xf32, #tpu.memory_space<vmem_shared>>
            tpu.wait_indirect_dma semaphore(%run_scoped3A : memref<!tpu.dma_semaphore, #tpu.memory_space<semaphore_mem>>) src(%arg12 : memref<64x128xf32, #tpu.memory_space<vmem>>) dst(%dma_wait3A_133 : memref<10240x128xf32, #tpu.memory_space<vmem_shared>>)
            tpu.yield
          }) : () -> ()
        } else {
        }
      }
      %while3A_67 = arith.constant 1 : i32
      scf.for %while3A_68 = %while3A_65 to %while3A_61 step %while3A_67  : i32 {
        %mul3A_69 = arith.constant 4 : i32
        %mul3A_70 = arith.muli %while3A_68, %mul3A_69 : i32
        %add3A_71 = arith.constant 0 : i32
        %add3A_72 = arith.addi %mul3A_70, %add3A_71 : i32
        %add3A_73 = arith.constant 3 : i32
        %add3A_74 = arith.addi %add3A_72, %add3A_73 : i32
        %lt3A = arith.cmpi slt, %add3A_74, %select_n3A_15 : i32
        %convert_element_type3A = arith.extui %lt3A : i1 to i32
        %cond3A = arith.constant 0 : i32
        %cond3A_75 = arith.cmpi ne, %convert_element_type3A, %cond3A : i32
        scf.if %cond3A_75 {
          %dma_start3A_116 = arith.constant 0 : i32
          %dma_start3A_117 = tpu.memref_slice %arg7[%add3A_74, %dma_start3A_116] : memref<60x64xi32, #tpu.memory_space<vmem>> -> memref<1x64xi32, #tpu.memory_space<vmem>>
          %dma_start3A_118 = tpu.memref_squeeze %dma_start3A_117 : memref<1x64xi32, #tpu.memory_space<vmem>> -> memref<64xi32, #tpu.memory_space<vmem>>
          %dma_start3A_119 = arith.constant 0 : i32
          %dma_start3A_120 = arith.constant 0 : i32
          %dma_start3A_121 = tpu.memref_slice %arg2[%dma_start3A_119, %dma_start3A_120] : memref<10240x128xf32, #tpu.memory_space<hbm>> -> memref<10240x128xf32, #tpu.memory_space<hbm>>
          tpu.enqueue_indirect_dma source(%dma_start3A_121 : memref<10240x128xf32, #tpu.memory_space<hbm>>) target(%arg12 : memref<64x128xf32, #tpu.memory_space<vmem>>) offsets(%dma_start3A_118 : memref<64xi32, #tpu.memory_space<vmem>>) semaphore(%arg17 : memref<!tpu.dma_semaphore, #tpu.memory_space<semaphore_mem>>)
        } else {
        }
        %lt3A_76 = arith.cmpi slt, %add3A_72, %select_n3A_15 : i32
        %convert_element_type3A_77 = arith.extui %lt3A_76 : i1 to i32
        %cond3A_78 = arith.constant 0 : i32
        %cond3A_79 = arith.cmpi ne, %convert_element_type3A_77, %cond3A_78 : i32
        scf.if %cond3A_79 {
          %dma_wait3A = arith.constant 0 : i32
          %dma_wait3A_116 = arith.constant 0 : i32
          %dma_wait3A_117 = tpu.memref_slice %arg7[%dma_wait3A, %dma_wait3A_116] : memref<60x64xi32, #tpu.memory_space<vmem>> -> memref<1x64xi32, #tpu.memory_space<vmem>>
          %dma_wait3A_118 = tpu.memref_squeeze %dma_wait3A_117 : memref<1x64xi32, #tpu.memory_space<vmem>> -> memref<64xi32, #tpu.memory_space<vmem>>
          %dma_wait3A_119 = arith.constant 0 : i32
          %dma_wait3A_120 = arith.constant 0 : i32
          %dma_wait3A_121 = tpu.memref_slice %arg2[%dma_wait3A_119, %dma_wait3A_120] : memref<10240x128xf32, #tpu.memory_space<hbm>> -> memref<10240x128xf32, #tpu.memory_space<hbm>>
          tpu.wait_indirect_dma semaphore(%arg14 : memref<!tpu.dma_semaphore, #tpu.memory_space<semaphore_mem>>) src(%dma_wait3A_121 : memref<10240x128xf32, #tpu.memory_space<hbm>>) dst(%arg9 : memref<64x128xf32, #tpu.memory_space<vmem>>)
          "tpu.region"() ({
            %run_scoped3A = tpu.sem_alloc : memref<!tpu.dma_semaphore, #tpu.memory_space<semaphore_mem>>
            %dma_start3A_122 = arith.constant 0 : i32
            %dma_start3A_123 = tpu.memref_slice %arg8[%add3A_72, %dma_start3A_122] : memref<60x64xi32, #tpu.memory_space<vmem>> -> memref<1x64xi32, #tpu.memory_space<vmem>>
            %dma_start3A_124 = tpu.memref_squeeze %dma_start3A_123 : memref<1x64xi32, #tpu.memory_space<vmem>> -> memref<64xi32, #tpu.memory_space<vmem>>
            %dma_start3A_125 = arith.constant 0 : i32
            %dma_start3A_126 = arith.constant 0 : i32
            %dma_start3A_127 = tpu.memref_slice %arg13[%dma_start3A_125, %dma_start3A_126] : memref<10240x128xf32, #tpu.memory_space<vmem_shared>> -> memref<10240x128xf32, #tpu.memory_space<vmem_shared>>
            tpu.enqueue_indirect_dma source(%arg9 : memref<64x128xf32, #tpu.memory_space<vmem>>) target(%dma_start3A_127 : memref<10240x128xf32, #tpu.memory_space<vmem_shared>>) offsets(%dma_start3A_124 : memref<64xi32, #tpu.memory_space<vmem>>) semaphore(%run_scoped3A : memref<!tpu.dma_semaphore, #tpu.memory_space<semaphore_mem>>) {add = true}
            %dma_wait3A_128 = arith.constant 0 : i32
            %dma_wait3A_129 = tpu.memref_slice %arg8[%add3A_72, %dma_wait3A_128] : memref<60x64xi32, #tpu.memory_space<vmem>> -> memref<1x64xi32, #tpu.memory_space<vmem>>
            %dma_wait3A_130 = tpu.memref_squeeze %dma_wait3A_129 : memref<1x64xi32, #tpu.memory_space<vmem>> -> memref<64xi32, #tpu.memory_space<vmem>>
            %dma_wait3A_131 = arith.constant 0 : i32
            %dma_wait3A_132 = arith.constant 0 : i32
            %dma_wait3A_133 = tpu.memref_slice %arg13[%dma_wait3A_131, %dma_wait3A_132] : memref<10240x128xf32, #tpu.memory_space<vmem_shared>> -> memref<10240x128xf32, #tpu.memory_space<vmem_shared>>
            tpu.wait_indirect_dma semaphore(%run_scoped3A : memref<!tpu.dma_semaphore, #tpu.memory_space<semaphore_mem>>) src(%arg9 : memref<64x128xf32, #tpu.memory_space<vmem>>) dst(%dma_wait3A_133 : memref<10240x128xf32, #tpu.memory_space<vmem_shared>>)
            tpu.yield
          }) : () -> ()
        } else {
        }
        %add3A_80 = arith.constant 1 : i32
        %add3A_81 = arith.addi %mul3A_70, %add3A_80 : i32
        %add3A_82 = arith.constant 3 : i32
        %add3A_83 = arith.addi %add3A_81, %add3A_82 : i32
        %lt3A_84 = arith.cmpi slt, %add3A_83, %select_n3A_15 : i32
        %convert_element_type3A_85 = arith.extui %lt3A_84 : i1 to i32
        %cond3A_86 = arith.constant 0 : i32
        %cond3A_87 = arith.cmpi ne, %convert_element_type3A_85, %cond3A_86 : i32
        scf.if %cond3A_87 {
          %dma_start3A_116 = arith.constant 0 : i32
          %dma_start3A_117 = tpu.memref_slice %arg7[%add3A_83, %dma_start3A_116] : memref<60x64xi32, #tpu.memory_space<vmem>> -> memref<1x64xi32, #tpu.memory_space<vmem>>
          %dma_start3A_118 = tpu.memref_squeeze %dma_start3A_117 : memref<1x64xi32, #tpu.memory_space<vmem>> -> memref<64xi32, #tpu.memory_space<vmem>>
          %dma_start3A_119 = arith.constant 0 : i32
          %dma_start3A_120 = arith.constant 0 : i32
          %dma_start3A_121 = tpu.memref_slice %arg2[%dma_start3A_119, %dma_start3A_120] : memref<10240x128xf32, #tpu.memory_space<hbm>> -> memref<10240x128xf32, #tpu.memory_space<hbm>>
          tpu.enqueue_indirect_dma source(%dma_start3A_121 : memref<10240x128xf32, #tpu.memory_space<hbm>>) target(%arg9 : memref<64x128xf32, #tpu.memory_space<vmem>>) offsets(%dma_start3A_118 : memref<64xi32, #tpu.memory_space<vmem>>) semaphore(%arg14 : memref<!tpu.dma_semaphore, #tpu.memory_space<semaphore_mem>>)
        } else {
        }
        %lt3A_88 = arith.cmpi slt, %add3A_81, %select_n3A_15 : i32
        %convert_element_type3A_89 = arith.extui %lt3A_88 : i1 to i32
        %cond3A_90 = arith.constant 0 : i32
        %cond3A_91 = arith.cmpi ne, %convert_element_type3A_89, %cond3A_90 : i32
        scf.if %cond3A_91 {
          %dma_wait3A = arith.constant 0 : i32
          %dma_wait3A_116 = arith.constant 0 : i32
          %dma_wait3A_117 = tpu.memref_slice %arg7[%dma_wait3A, %dma_wait3A_116] : memref<60x64xi32, #tpu.memory_space<vmem>> -> memref<1x64xi32, #tpu.memory_space<vmem>>
          %dma_wait3A_118 = tpu.memref_squeeze %dma_wait3A_117 : memref<1x64xi32, #tpu.memory_space<vmem>> -> memref<64xi32, #tpu.memory_space<vmem>>
          %dma_wait3A_119 = arith.constant 0 : i32
          %dma_wait3A_120 = arith.constant 0 : i32
          %dma_wait3A_121 = tpu.memref_slice %arg2[%dma_wait3A_119, %dma_wait3A_120] : memref<10240x128xf32, #tpu.memory_space<hbm>> -> memref<10240x128xf32, #tpu.memory_space<hbm>>
          tpu.wait_indirect_dma semaphore(%arg15 : memref<!tpu.dma_semaphore, #tpu.memory_space<semaphore_mem>>) src(%dma_wait3A_121 : memref<10240x128xf32, #tpu.memory_space<hbm>>) dst(%arg10 : memref<64x128xf32, #tpu.memory_space<vmem>>)
          "tpu.region"() ({
            %run_scoped3A = tpu.sem_alloc : memref<!tpu.dma_semaphore, #tpu.memory_space<semaphore_mem>>
            %dma_start3A_122 = arith.constant 0 : i32
            %dma_start3A_123 = tpu.memref_slice %arg8[%add3A_81, %dma_start3A_122] : memref<60x64xi32, #tpu.memory_space<vmem>> -> memref<1x64xi32, #tpu.memory_space<vmem>>
            %dma_start3A_124 = tpu.memref_squeeze %dma_start3A_123 : memref<1x64xi32, #tpu.memory_space<vmem>> -> memref<64xi32, #tpu.memory_space<vmem>>
            %dma_start3A_125 = arith.constant 0 : i32
            %dma_start3A_126 = arith.constant 0 : i32
            %dma_start3A_127 = tpu.memref_slice %arg13[%dma_start3A_125, %dma_start3A_126] : memref<10240x128xf32, #tpu.memory_space<vmem_shared>> -> memref<10240x128xf32, #tpu.memory_space<vmem_shared>>
            tpu.enqueue_indirect_dma source(%arg10 : memref<64x128xf32, #tpu.memory_space<vmem>>) target(%dma_start3A_127 : memref<10240x128xf32, #tpu.memory_space<vmem_shared>>) offsets(%dma_start3A_124 : memref<64xi32, #tpu.memory_space<vmem>>) semaphore(%run_scoped3A : memref<!tpu.dma_semaphore, #tpu.memory_space<semaphore_mem>>) {add = true}
            %dma_wait3A_128 = arith.constant 0 : i32
            %dma_wait3A_129 = tpu.memref_slice %arg8[%add3A_81, %dma_wait3A_128] : memref<60x64xi32, #tpu.memory_space<vmem>> -> memref<1x64xi32, #tpu.memory_space<vmem>>
            %dma_wait3A_130 = tpu.memref_squeeze %dma_wait3A_129 : memref<1x64xi32, #tpu.memory_space<vmem>> -> memref<64xi32, #tpu.memory_space<vmem>>
            %dma_wait3A_131 = arith.constant 0 : i32
            %dma_wait3A_132 = arith.constant 0 : i32
            %dma_wait3A_133 = tpu.memref_slice %arg13[%dma_wait3A_131, %dma_wait3A_132] : memref<10240x128xf32, #tpu.memory_space<vmem_shared>> -> memref<10240x128xf32, #tpu.memory_space<vmem_shared>>
            tpu.wait_indirect_dma semaphore(%run_scoped3A : memref<!tpu.dma_semaphore, #tpu.memory_space<semaphore_mem>>) src(%arg10 : memref<64x128xf32, #tpu.memory_space<vmem>>) dst(%dma_wait3A_133 : memref<10240x128xf32, #tpu.memory_space<vmem_shared>>)
            tpu.yield
          }) : () -> ()
        } else {
        }
        %add3A_92 = arith.constant 2 : i32
        %add3A_93 = arith.addi %mul3A_70, %add3A_92 : i32
        %add3A_94 = arith.constant 3 : i32
        %add3A_95 = arith.addi %add3A_93, %add3A_94 : i32
        %lt3A_96 = arith.cmpi slt, %add3A_95, %select_n3A_15 : i32
        %convert_element_type3A_97 = arith.extui %lt3A_96 : i1 to i32
        %cond3A_98 = arith.constant 0 : i32
        %cond3A_99 = arith.cmpi ne, %convert_element_type3A_97, %cond3A_98 : i32
        scf.if %cond3A_99 {
          %dma_start3A_116 = arith.constant 0 : i32
          %dma_start3A_117 = tpu.memref_slice %arg7[%add3A_95, %dma_start3A_116] : memref<60x64xi32, #tpu.memory_space<vmem>> -> memref<1x64xi32, #tpu.memory_space<vmem>>
          %dma_start3A_118 = tpu.memref_squeeze %dma_start3A_117 : memref<1x64xi32, #tpu.memory_space<vmem>> -> memref<64xi32, #tpu.memory_space<vmem>>
          %dma_start3A_119 = arith.constant 0 : i32
          %dma_start3A_120 = arith.constant 0 : i32
          %dma_start3A_121 = tpu.memref_slice %arg2[%dma_start3A_119, %dma_start3A_120] : memref<10240x128xf32, #tpu.memory_space<hbm>> -> memref<10240x128xf32, #tpu.memory_space<hbm>>
          tpu.enqueue_indirect_dma source(%dma_start3A_121 : memref<10240x128xf32, #tpu.memory_space<hbm>>) target(%arg10 : memref<64x128xf32, #tpu.memory_space<vmem>>) offsets(%dma_start3A_118 : memref<64xi32, #tpu.memory_space<vmem>>) semaphore(%arg15 : memref<!tpu.dma_semaphore, #tpu.memory_space<semaphore_mem>>)
        } else {
        }
        %lt3A_100 = arith.cmpi slt, %add3A_93, %select_n3A_15 : i32
        %convert_element_type3A_101 = arith.extui %lt3A_100 : i1 to i32
        %cond3A_102 = arith.constant 0 : i32
        %cond3A_103 = arith.cmpi ne, %convert_element_type3A_101, %cond3A_102 : i32
        scf.if %cond3A_103 {
          %dma_wait3A = arith.constant 0 : i32
          %dma_wait3A_116 = arith.constant 0 : i32
          %dma_wait3A_117 = tpu.memref_slice %arg7[%dma_wait3A, %dma_wait3A_116] : memref<60x64xi32, #tpu.memory_space<vmem>> -> memref<1x64xi32, #tpu.memory_space<vmem>>
          %dma_wait3A_118 = tpu.memref_squeeze %dma_wait3A_117 : memref<1x64xi32, #tpu.memory_space<vmem>> -> memref<64xi32, #tpu.memory_space<vmem>>
          %dma_wait3A_119 = arith.constant 0 : i32
          %dma_wait3A_120 = arith.constant 0 : i32
          %dma_wait3A_121 = tpu.memref_slice %arg2[%dma_wait3A_119, %dma_wait3A_120] : memref<10240x128xf32, #tpu.memory_space<hbm>> -> memref<10240x128xf32, #tpu.memory_space<hbm>>
          tpu.wait_indirect_dma semaphore(%arg16 : memref<!tpu.dma_semaphore, #tpu.memory_space<semaphore_mem>>) src(%dma_wait3A_121 : memref<10240x128xf32, #tpu.memory_space<hbm>>) dst(%arg11 : memref<64x128xf32, #tpu.memory_space<vmem>>)
          "tpu.region"() ({
            %run_scoped3A = tpu.sem_alloc : memref<!tpu.dma_semaphore, #tpu.memory_space<semaphore_mem>>
            %dma_start3A_122 = arith.constant 0 : i32
            %dma_start3A_123 = tpu.memref_slice %arg8[%add3A_93, %dma_start3A_122] : memref<60x64xi32, #tpu.memory_space<vmem>> -> memref<1x64xi32, #tpu.memory_space<vmem>>
            %dma_start3A_124 = tpu.memref_squeeze %dma_start3A_123 : memref<1x64xi32, #tpu.memory_space<vmem>> -> memref<64xi32, #tpu.memory_space<vmem>>
            %dma_start3A_125 = arith.constant 0 : i32
            %dma_start3A_126 = arith.constant 0 : i32
            %dma_start3A_127 = tpu.memref_slice %arg13[%dma_start3A_125, %dma_start3A_126] : memref<10240x128xf32, #tpu.memory_space<vmem_shared>> -> memref<10240x128xf32, #tpu.memory_space<vmem_shared>>
            tpu.enqueue_indirect_dma source(%arg11 : memref<64x128xf32, #tpu.memory_space<vmem>>) target(%dma_start3A_127 : memref<10240x128xf32, #tpu.memory_space<vmem_shared>>) offsets(%dma_start3A_124 : memref<64xi32, #tpu.memory_space<vmem>>) semaphore(%run_scoped3A : memref<!tpu.dma_semaphore, #tpu.memory_space<semaphore_mem>>) {add = true}
            %dma_wait3A_128 = arith.constant 0 : i32
            %dma_wait3A_129 = tpu.memref_slice %arg8[%add3A_93, %dma_wait3A_128] : memref<60x64xi32, #tpu.memory_space<vmem>> -> memref<1x64xi32, #tpu.memory_space<vmem>>
            %dma_wait3A_130 = tpu.memref_squeeze %dma_wait3A_129 : memref<1x64xi32, #tpu.memory_space<vmem>> -> memref<64xi32, #tpu.memory_space<vmem>>
            %dma_wait3A_131 = arith.constant 0 : i32
            %dma_wait3A_132 = arith.constant 0 : i32
            %dma_wait3A_133 = tpu.memref_slice %arg13[%dma_wait3A_131, %dma_wait3A_132] : memref<10240x128xf32, #tpu.memory_space<vmem_shared>> -> memref<10240x128xf32, #tpu.memory_space<vmem_shared>>
            tpu.wait_indirect_dma semaphore(%run_scoped3A : memref<!tpu.dma_semaphore, #tpu.memory_space<semaphore_mem>>) src(%arg11 : memref<64x128xf32, #tpu.memory_space<vmem>>) dst(%dma_wait3A_133 : memref<10240x128xf32, #tpu.memory_space<vmem_shared>>)
            tpu.yield
          }) : () -> ()
        } else {
        }
        %add3A_104 = arith.constant 3 : i32
        %add3A_105 = arith.addi %mul3A_70, %add3A_104 : i32
        %add3A_106 = arith.constant 3 : i32
        %add3A_107 = arith.addi %add3A_105, %add3A_106 : i32
        %lt3A_108 = arith.cmpi slt, %add3A_107, %select_n3A_15 : i32
        %convert_element_type3A_109 = arith.extui %lt3A_108 : i1 to i32
        %cond3A_110 = arith.constant 0 : i32
        %cond3A_111 = arith.cmpi ne, %convert_element_type3A_109, %cond3A_110 : i32
        scf.if %cond3A_111 {
          %dma_start3A_116 = arith.constant 0 : i32
          %dma_start3A_117 = tpu.memref_slice %arg7[%add3A_107, %dma_start3A_116] : memref<60x64xi32, #tpu.memory_space<vmem>> -> memref<1x64xi32, #tpu.memory_space<vmem>>
          %dma_start3A_118 = tpu.memref_squeeze %dma_start3A_117 : memref<1x64xi32, #tpu.memory_space<vmem>> -> memref<64xi32, #tpu.memory_space<vmem>>
          %dma_start3A_119 = arith.constant 0 : i32
          %dma_start3A_120 = arith.constant 0 : i32
          %dma_start3A_121 = tpu.memref_slice %arg2[%dma_start3A_119, %dma_start3A_120] : memref<10240x128xf32, #tpu.memory_space<hbm>> -> memref<10240x128xf32, #tpu.memory_space<hbm>>
          tpu.enqueue_indirect_dma source(%dma_start3A_121 : memref<10240x128xf32, #tpu.memory_space<hbm>>) target(%arg11 : memref<64x128xf32, #tpu.memory_space<vmem>>) offsets(%dma_start3A_118 : memref<64xi32, #tpu.memory_space<vmem>>) semaphore(%arg16 : memref<!tpu.dma_semaphore, #tpu.memory_space<semaphore_mem>>)
        } else {
        }
        %lt3A_112 = arith.cmpi slt, %add3A_105, %select_n3A_15 : i32
        %convert_element_type3A_113 = arith.extui %lt3A_112 : i1 to i32
        %cond3A_114 = arith.constant 0 : i32
        %cond3A_115 = arith.cmpi ne, %convert_element_type3A_113, %cond3A_114 : i32
        scf.if %cond3A_115 {
          %dma_wait3A = arith.constant 0 : i32
          %dma_wait3A_116 = arith.constant 0 : i32
          %dma_wait3A_117 = tpu.memref_slice %arg7[%dma_wait3A, %dma_wait3A_116] : memref<60x64xi32, #tpu.memory_space<vmem>> -> memref<1x64xi32, #tpu.memory_space<vmem>>
          %dma_wait3A_118 = tpu.memref_squeeze %dma_wait3A_117 : memref<1x64xi32, #tpu.memory_space<vmem>> -> memref<64xi32, #tpu.memory_space<vmem>>
          %dma_wait3A_119 = arith.constant 0 : i32
          %dma_wait3A_120 = arith.constant 0 : i32
          %dma_wait3A_121 = tpu.memref_slice %arg2[%dma_wait3A_119, %dma_wait3A_120] : memref<10240x128xf32, #tpu.memory_space<hbm>> -> memref<10240x128xf32, #tpu.memory_space<hbm>>
          tpu.wait_indirect_dma semaphore(%arg17 : memref<!tpu.dma_semaphore, #tpu.memory_space<semaphore_mem>>) src(%dma_wait3A_121 : memref<10240x128xf32, #tpu.memory_space<hbm>>) dst(%arg12 : memref<64x128xf32, #tpu.memory_space<vmem>>)
          "tpu.region"() ({
            %run_scoped3A = tpu.sem_alloc : memref<!tpu.dma_semaphore, #tpu.memory_space<semaphore_mem>>
            %dma_start3A_122 = arith.constant 0 : i32
            %dma_start3A_123 = tpu.memref_slice %arg8[%add3A_105, %dma_start3A_122] : memref<60x64xi32, #tpu.memory_space<vmem>> -> memref<1x64xi32, #tpu.memory_space<vmem>>
            %dma_start3A_124 = tpu.memref_squeeze %dma_start3A_123 : memref<1x64xi32, #tpu.memory_space<vmem>> -> memref<64xi32, #tpu.memory_space<vmem>>
            %dma_start3A_125 = arith.constant 0 : i32
            %dma_start3A_126 = arith.constant 0 : i32
            %dma_start3A_127 = tpu.memref_slice %arg13[%dma_start3A_125, %dma_start3A_126] : memref<10240x128xf32, #tpu.memory_space<vmem_shared>> -> memref<10240x128xf32, #tpu.memory_space<vmem_shared>>
            tpu.enqueue_indirect_dma source(%arg12 : memref<64x128xf32, #tpu.memory_space<vmem>>) target(%dma_start3A_127 : memref<10240x128xf32, #tpu.memory_space<vmem_shared>>) offsets(%dma_start3A_124 : memref<64xi32, #tpu.memory_space<vmem>>) semaphore(%run_scoped3A : memref<!tpu.dma_semaphore, #tpu.memory_space<semaphore_mem>>) {add = true}
            %dma_wait3A_128 = arith.constant 0 : i32
            %dma_wait3A_129 = tpu.memref_slice %arg8[%add3A_105, %dma_wait3A_128] : memref<60x64xi32, #tpu.memory_space<vmem>> -> memref<1x64xi32, #tpu.memory_space<vmem>>
            %dma_wait3A_130 = tpu.memref_squeeze %dma_wait3A_129 : memref<1x64xi32, #tpu.memory_space<vmem>> -> memref<64xi32, #tpu.memory_space<vmem>>
            %dma_wait3A_131 = arith.constant 0 : i32
            %dma_wait3A_132 = arith.constant 0 : i32
            %dma_wait3A_133 = tpu.memref_slice %arg13[%dma_wait3A_131, %dma_wait3A_132] : memref<10240x128xf32, #tpu.memory_space<vmem_shared>> -> memref<10240x128xf32, #tpu.memory_space<vmem_shared>>
            tpu.wait_indirect_dma semaphore(%run_scoped3A : memref<!tpu.dma_semaphore, #tpu.memory_space<semaphore_mem>>) src(%arg12 : memref<64x128xf32, #tpu.memory_space<vmem>>) dst(%dma_wait3A_133 : memref<10240x128xf32, #tpu.memory_space<vmem_shared>>)
            tpu.yield
          }) : () -> ()
        } else {
        }
      }
    }
    %while3A_35 = arith.constant 1 : i32
    scf.for %while3A_37 = %while3A_33 to %while3A_29 step %while3A_35  : i32 {
      "tpu.region"() ({
        %run_scoped3A = tpu.sem_alloc : memref<!tpu.dma_semaphore, #tpu.memory_space<semaphore_mem>>
        %dma_start3A_68 = arith.constant 0 : i32
        %dma_start3A_69 = arith.constant 0 : i32
        %dma_start3A_70 = tpu.memref_slice %arg3[%add3A, %while3A_37, %dma_start3A_68, %dma_start3A_69] : memref<32x5x60x64xi32, #tpu.memory_space<hbm>> -> memref<1x1x60x64xi32, #tpu.memory_space<hbm>>
        %dma_start3A_71 = tpu.memref_squeeze %dma_start3A_70 : memref<1x1x60x64xi32, #tpu.memory_space<hbm>> -> memref<60x64xi32, #tpu.memory_space<hbm>>
        %dma_start3A_72 = arith.constant 0 : i32
        %dma_start3A_73 = arith.constant 0 : i32
        %dma_start3A_74 = tpu.memref_slice %arg3[%add3A, %while3A_37, %dma_start3A_72, %dma_start3A_73] : memref<32x5x60x64xi32, #tpu.memory_space<hbm>> -> memref<1x1x60x64xi32, #tpu.memory_space<hbm>>
        %dma_start3A_75 = tpu.memref_squeeze %dma_start3A_74 : memref<1x1x60x64xi32, #tpu.memory_space<hbm>> -> memref<60x64xi32, #tpu.memory_space<hbm>>
        tpu.enqueue_dma source(%dma_start3A_75 : memref<60x64xi32, #tpu.memory_space<hbm>>) target(%arg7 : memref<60x64xi32, #tpu.memory_space<vmem>>) target_semaphore(%run_scoped3A : memref<!tpu.dma_semaphore, #tpu.memory_space<semaphore_mem>>)
        %dma_wait3A = arith.constant 0 : i32
        %dma_wait3A_76 = arith.constant 0 : i32
        %dma_wait3A_77 = tpu.memref_slice %arg3[%add3A, %while3A_37, %dma_wait3A, %dma_wait3A_76] : memref<32x5x60x64xi32, #tpu.memory_space<hbm>> -> memref<1x1x60x64xi32, #tpu.memory_space<hbm>>
        %dma_wait3A_78 = tpu.memref_squeeze %dma_wait3A_77 : memref<1x1x60x64xi32, #tpu.memory_space<hbm>> -> memref<60x64xi32, #tpu.memory_space<hbm>>
        %dma_wait3A_79 = arith.constant 0 : i32
        %dma_wait3A_80 = arith.constant 0 : i32
        %dma_wait3A_81 = tpu.memref_slice %arg3[%add3A, %while3A_37, %dma_wait3A_79, %dma_wait3A_80] : memref<32x5x60x64xi32, #tpu.memory_space<hbm>> -> memref<1x1x60x64xi32, #tpu.memory_space<hbm>>
        %dma_wait3A_82 = tpu.memref_squeeze %dma_wait3A_81 : memref<1x1x60x64xi32, #tpu.memory_space<hbm>> -> memref<60x64xi32, #tpu.memory_space<hbm>>
        tpu.wait_dma2 semaphore(%run_scoped3A : memref<!tpu.dma_semaphore, #tpu.memory_space<semaphore_mem>>) src(%dma_wait3A_82 : memref<60x64xi32, #tpu.memory_space<hbm>>) dst(%arg7 : memref<60x64xi32, #tpu.memory_space<vmem>>)
        tpu.yield
      }) : () -> ()
      "tpu.region"() ({
        %run_scoped3A = tpu.sem_alloc : memref<!tpu.dma_semaphore, #tpu.memory_space<semaphore_mem>>
        %dma_start3A_68 = arith.constant 0 : i32
        %dma_start3A_69 = arith.constant 0 : i32
        %dma_start3A_70 = tpu.memref_slice %arg4[%add3A, %while3A_37, %dma_start3A_68, %dma_start3A_69] : memref<32x5x60x64xi32, #tpu.memory_space<hbm>> -> memref<1x1x60x64xi32, #tpu.memory_space<hbm>>
        %dma_start3A_71 = tpu.memref_squeeze %dma_start3A_70 : memref<1x1x60x64xi32, #tpu.memory_space<hbm>> -> memref<60x64xi32, #tpu.memory_space<hbm>>
        %dma_start3A_72 = arith.constant 0 : i32
        %dma_start3A_73 = arith.constant 0 : i32
        %dma_start3A_74 = tpu.memref_slice %arg4[%add3A, %while3A_37, %dma_start3A_72, %dma_start3A_73] : memref<32x5x60x64xi32, #tpu.memory_space<hbm>> -> memref<1x1x60x64xi32, #tpu.memory_space<hbm>>
        %dma_start3A_75 = tpu.memref_squeeze %dma_start3A_74 : memref<1x1x60x64xi32, #tpu.memory_space<hbm>> -> memref<60x64xi32, #tpu.memory_space<hbm>>
        tpu.enqueue_dma source(%dma_start3A_75 : memref<60x64xi32, #tpu.memory_space<hbm>>) target(%arg8 : memref<60x64xi32, #tpu.memory_space<vmem>>) target_semaphore(%run_scoped3A : memref<!tpu.dma_semaphore, #tpu.memory_space<semaphore_mem>>)
        %dma_wait3A = arith.constant 0 : i32
        %dma_wait3A_76 = arith.constant 0 : i32
        %dma_wait3A_77 = tpu.memref_slice %arg4[%add3A, %while3A_37, %dma_wait3A, %dma_wait3A_76] : memref<32x5x60x64xi32, #tpu.memory_space<hbm>> -> memref<1x1x60x64xi32, #tpu.memory_space<hbm>>
        %dma_wait3A_78 = tpu.memref_squeeze %dma_wait3A_77 : memref<1x1x60x64xi32, #tpu.memory_space<hbm>> -> memref<60x64xi32, #tpu.memory_space<hbm>>
        %dma_wait3A_79 = arith.constant 0 : i32
        %dma_wait3A_80 = arith.constant 0 : i32
        %dma_wait3A_81 = tpu.memref_slice %arg4[%add3A, %while3A_37, %dma_wait3A_79, %dma_wait3A_80] : memref<32x5x60x64xi32, #tpu.memory_space<hbm>> -> memref<1x1x60x64xi32, #tpu.memory_space<hbm>>
        %dma_wait3A_82 = tpu.memref_squeeze %dma_wait3A_81 : memref<1x1x60x64xi32, #tpu.memory_space<hbm>> -> memref<60x64xi32, #tpu.memory_space<hbm>>
        tpu.wait_dma2 semaphore(%run_scoped3A : memref<!tpu.dma_semaphore, #tpu.memory_space<semaphore_mem>>) src(%dma_wait3A_82 : memref<60x64xi32, #tpu.memory_space<hbm>>) dst(%arg8 : memref<60x64xi32, #tpu.memory_space<vmem>>)
        tpu.yield
      }) : () -> ()
      %dma_start3A = arith.constant 0 : i32
      %dma_start3A_38 = arith.constant 0 : i32
      %dma_start3A_39 = tpu.memref_slice %arg7[%dma_start3A, %dma_start3A_38] : memref<60x64xi32, #tpu.memory_space<vmem>> -> memref<1x64xi32, #tpu.memory_space<vmem>>
      %dma_start3A_40 = tpu.memref_squeeze %dma_start3A_39 : memref<1x64xi32, #tpu.memory_space<vmem>> -> memref<64xi32, #tpu.memory_space<vmem>>
      %dma_start3A_41 = arith.constant 0 : i32
      %dma_start3A_42 = arith.constant 0 : i32
      %dma_start3A_43 = tpu.memref_slice %arg2[%dma_start3A_41, %dma_start3A_42] : memref<10240x128xf32, #tpu.memory_space<hbm>> -> memref<10240x128xf32, #tpu.memory_space<hbm>>
      tpu.enqueue_indirect_dma source(%dma_start3A_43 : memref<10240x128xf32, #tpu.memory_space<hbm>>) target(%arg9 : memref<64x128xf32, #tpu.memory_space<vmem>>) offsets(%dma_start3A_40 : memref<64xi32, #tpu.memory_space<vmem>>) semaphore(%arg14 : memref<!tpu.dma_semaphore, #tpu.memory_space<semaphore_mem>>)
      %dma_start3A_44 = arith.constant 1 : i32
      %dma_start3A_45 = arith.constant 0 : i32
      %dma_start3A_46 = tpu.memref_slice %arg7[%dma_start3A_44, %dma_start3A_45] : memref<60x64xi32, #tpu.memory_space<vmem>> -> memref<1x64xi32, #tpu.memory_space<vmem>>
      %dma_start3A_47 = tpu.memref_squeeze %dma_start3A_46 : memref<1x64xi32, #tpu.memory_space<vmem>> -> memref<64xi32, #tpu.memory_space<vmem>>
      %dma_start3A_48 = arith.constant 0 : i32
      %dma_start3A_49 = arith.constant 0 : i32
      %dma_start3A_50 = tpu.memref_slice %arg2[%dma_start3A_48, %dma_start3A_49] : memref<10240x128xf32, #tpu.memory_space<hbm>> -> memref<10240x128xf32, #tpu.memory_space<hbm>>
      tpu.enqueue_indirect_dma source(%dma_start3A_50 : memref<10240x128xf32, #tpu.memory_space<hbm>>) target(%arg10 : memref<64x128xf32, #tpu.memory_space<vmem>>) offsets(%dma_start3A_47 : memref<64xi32, #tpu.memory_space<vmem>>) semaphore(%arg15 : memref<!tpu.dma_semaphore, #tpu.memory_space<semaphore_mem>>)
      %dma_start3A_51 = arith.constant 2 : i32
      %dma_start3A_52 = arith.constant 0 : i32
      %dma_start3A_53 = tpu.memref_slice %arg7[%dma_start3A_51, %dma_start3A_52] : memref<60x64xi32, #tpu.memory_space<vmem>> -> memref<1x64xi32, #tpu.memory_space<vmem>>
      %dma_start3A_54 = tpu.memref_squeeze %dma_start3A_53 : memref<1x64xi32, #tpu.memory_space<vmem>> -> memref<64xi32, #tpu.memory_space<vmem>>
      %dma_start3A_55 = arith.constant 0 : i32
      %dma_start3A_56 = arith.constant 0 : i32
      %dma_start3A_57 = tpu.memref_slice %arg2[%dma_start3A_55, %dma_start3A_56] : memref<10240x128xf32, #tpu.memory_space<hbm>> -> memref<10240x128xf32, #tpu.memory_space<hbm>>
      tpu.enqueue_indirect_dma source(%dma_start3A_57 : memref<10240x128xf32, #tpu.memory_space<hbm>>) target(%arg11 : memref<64x128xf32, #tpu.memory_space<vmem>>) offsets(%dma_start3A_54 : memref<64xi32, #tpu.memory_space<vmem>>) semaphore(%arg16 : memref<!tpu.dma_semaphore, #tpu.memory_space<semaphore_mem>>)
      %while3A_58 = arith.constant 0 : i32
      %while3A_59 = arith.constant 0 : i32
      %while3A_60 = arith.subi %select_n3A_20, %while3A_59 : i32
      %while3A_61 = arith.addi %while3A_59, %while3A_60 : i32
      %while3A_62 = arith.constant 1 : i32
      %while3A_63 = arith.divsi %while3A_60, %while3A_62 : i32
      %while3A_64 = arith.muli %while3A_63, %while3A_62 : i32
      %while3A_65 = arith.addi %while3A_59, %while3A_64 : i32
      %while3A_66 = arith.constant 1 : i32
      scf.for %while3A_68 = %while3A_59 to %while3A_65 step %while3A_66  : i32 {
        %mul3A_69 = arith.constant 4 : i32
        %mul3A_70 = arith.muli %while3A_68, %mul3A_69 : i32
        %add3A_71 = arith.constant 0 : i32
        %add3A_72 = arith.addi %mul3A_70, %add3A_71 : i32
        %add3A_73 = arith.constant 3 : i32
        %add3A_74 = arith.addi %add3A_72, %add3A_73 : i32
        %lt3A = arith.cmpi slt, %add3A_74, %select_n3A_15 : i32
        %convert_element_type3A = arith.extui %lt3A : i1 to i32
        %cond3A = arith.constant 0 : i32
        %cond3A_75 = arith.cmpi ne, %convert_element_type3A, %cond3A : i32
        scf.if %cond3A_75 {
          %dma_start3A_116 = arith.constant 0 : i32
          %dma_start3A_117 = tpu.memref_slice %arg7[%add3A_74, %dma_start3A_116] : memref<60x64xi32, #tpu.memory_space<vmem>> -> memref<1x64xi32, #tpu.memory_space<vmem>>
          %dma_start3A_118 = tpu.memref_squeeze %dma_start3A_117 : memref<1x64xi32, #tpu.memory_space<vmem>> -> memref<64xi32, #tpu.memory_space<vmem>>
          %dma_start3A_119 = arith.constant 0 : i32
          %dma_start3A_120 = arith.constant 0 : i32
          %dma_start3A_121 = tpu.memref_slice %arg2[%dma_start3A_119, %dma_start3A_120] : memref<10240x128xf32, #tpu.memory_space<hbm>> -> memref<10240x128xf32, #tpu.memory_space<hbm>>
          tpu.enqueue_indirect_dma source(%dma_start3A_121 : memref<10240x128xf32, #tpu.memory_space<hbm>>) target(%arg12 : memref<64x128xf32, #tpu.memory_space<vmem>>) offsets(%dma_start3A_118 : memref<64xi32, #tpu.memory_space<vmem>>) semaphore(%arg17 : memref<!tpu.dma_semaphore, #tpu.memory_space<semaphore_mem>>)
        } else {
        }
        %lt3A_76 = arith.cmpi slt, %add3A_72, %select_n3A_15 : i32
        %convert_element_type3A_77 = arith.extui %lt3A_76 : i1 to i32
        %cond3A_78 = arith.constant 0 : i32
        %cond3A_79 = arith.cmpi ne, %convert_element_type3A_77, %cond3A_78 : i32
        scf.if %cond3A_79 {
          %dma_wait3A = arith.constant 0 : i32
          %dma_wait3A_116 = arith.constant 0 : i32
          %dma_wait3A_117 = tpu.memref_slice %arg7[%dma_wait3A, %dma_wait3A_116] : memref<60x64xi32, #tpu.memory_space<vmem>> -> memref<1x64xi32, #tpu.memory_space<vmem>>
          %dma_wait3A_118 = tpu.memref_squeeze %dma_wait3A_117 : memref<1x64xi32, #tpu.memory_space<vmem>> -> memref<64xi32, #tpu.memory_space<vmem>>
          %dma_wait3A_119 = arith.constant 0 : i32
          %dma_wait3A_120 = arith.constant 0 : i32
          %dma_wait3A_121 = tpu.memref_slice %arg2[%dma_wait3A_119, %dma_wait3A_120] : memref<10240x128xf32, #tpu.memory_space<hbm>> -> memref<10240x128xf32, #tpu.memory_space<hbm>>
          tpu.wait_indirect_dma semaphore(%arg14 : memref<!tpu.dma_semaphore, #tpu.memory_space<semaphore_mem>>) src(%dma_wait3A_121 : memref<10240x128xf32, #tpu.memory_space<hbm>>) dst(%arg9 : memref<64x128xf32, #tpu.memory_space<vmem>>)
          "tpu.region"() ({
            %run_scoped3A = tpu.sem_alloc : memref<!tpu.dma_semaphore, #tpu.memory_space<semaphore_mem>>
            %dma_start3A_122 = arith.constant 0 : i32
            %dma_start3A_123 = tpu.memref_slice %arg8[%add3A_72, %dma_start3A_122] : memref<60x64xi32, #tpu.memory_space<vmem>> -> memref<1x64xi32, #tpu.memory_space<vmem>>
            %dma_start3A_124 = tpu.memref_squeeze %dma_start3A_123 : memref<1x64xi32, #tpu.memory_space<vmem>> -> memref<64xi32, #tpu.memory_space<vmem>>
            %dma_start3A_125 = arith.constant 0 : i32
            %dma_start3A_126 = arith.constant 0 : i32
            %dma_start3A_127 = tpu.memref_slice %arg13[%dma_start3A_125, %dma_start3A_126] : memref<10240x128xf32, #tpu.memory_space<vmem_shared>> -> memref<10240x128xf32, #tpu.memory_space<vmem_shared>>
            tpu.enqueue_indirect_dma source(%arg9 : memref<64x128xf32, #tpu.memory_space<vmem>>) target(%dma_start3A_127 : memref<10240x128xf32, #tpu.memory_space<vmem_shared>>) offsets(%dma_start3A_124 : memref<64xi32, #tpu.memory_space<vmem>>) semaphore(%run_scoped3A : memref<!tpu.dma_semaphore, #tpu.memory_space<semaphore_mem>>) {add = true}
            %dma_wait3A_128 = arith.constant 0 : i32
            %dma_wait3A_129 = tpu.memref_slice %arg8[%add3A_72, %dma_wait3A_128] : memref<60x64xi32, #tpu.memory_space<vmem>> -> memref<1x64xi32, #tpu.memory_space<vmem>>
            %dma_wait3A_130 = tpu.memref_squeeze %dma_wait3A_129 : memref<1x64xi32, #tpu.memory_space<vmem>> -> memref<64xi32, #tpu.memory_space<vmem>>
            %dma_wait3A_131 = arith.constant 0 : i32
            %dma_wait3A_132 = arith.constant 0 : i32
            %dma_wait3A_133 = tpu.memref_slice %arg13[%dma_wait3A_131, %dma_wait3A_132] : memref<10240x128xf32, #tpu.memory_space<vmem_shared>> -> memref<10240x128xf32, #tpu.memory_space<vmem_shared>>
            tpu.wait_indirect_dma semaphore(%run_scoped3A : memref<!tpu.dma_semaphore, #tpu.memory_space<semaphore_mem>>) src(%arg9 : memref<64x128xf32, #tpu.memory_space<vmem>>) dst(%dma_wait3A_133 : memref<10240x128xf32, #tpu.memory_space<vmem_shared>>)
            tpu.yield
          }) : () -> ()
        } else {
        }
        %add3A_80 = arith.constant 1 : i32
        %add3A_81 = arith.addi %mul3A_70, %add3A_80 : i32
        %add3A_82 = arith.constant 3 : i32
        %add3A_83 = arith.addi %add3A_81, %add3A_82 : i32
        %lt3A_84 = arith.cmpi slt, %add3A_83, %select_n3A_15 : i32
        %convert_element_type3A_85 = arith.extui %lt3A_84 : i1 to i32
        %cond3A_86 = arith.constant 0 : i32
        %cond3A_87 = arith.cmpi ne, %convert_element_type3A_85, %cond3A_86 : i32
        scf.if %cond3A_87 {
          %dma_start3A_116 = arith.constant 0 : i32
          %dma_start3A_117 = tpu.memref_slice %arg7[%add3A_83, %dma_start3A_116] : memref<60x64xi32, #tpu.memory_space<vmem>> -> memref<1x64xi32, #tpu.memory_space<vmem>>
          %dma_start3A_118 = tpu.memref_squeeze %dma_start3A_117 : memref<1x64xi32, #tpu.memory_space<vmem>> -> memref<64xi32, #tpu.memory_space<vmem>>
          %dma_start3A_119 = arith.constant 0 : i32
          %dma_start3A_120 = arith.constant 0 : i32
          %dma_start3A_121 = tpu.memref_slice %arg2[%dma_start3A_119, %dma_start3A_120] : memref<10240x128xf32, #tpu.memory_space<hbm>> -> memref<10240x128xf32, #tpu.memory_space<hbm>>
          tpu.enqueue_indirect_dma source(%dma_start3A_121 : memref<10240x128xf32, #tpu.memory_space<hbm>>) target(%arg9 : memref<64x128xf32, #tpu.memory_space<vmem>>) offsets(%dma_start3A_118 : memref<64xi32, #tpu.memory_space<vmem>>) semaphore(%arg14 : memref<!tpu.dma_semaphore, #tpu.memory_space<semaphore_mem>>)
        } else {
        }
        %lt3A_88 = arith.cmpi slt, %add3A_81, %select_n3A_15 : i32
        %convert_element_type3A_89 = arith.extui %lt3A_88 : i1 to i32
        %cond3A_90 = arith.constant 0 : i32
        %cond3A_91 = arith.cmpi ne, %convert_element_type3A_89, %cond3A_90 : i32
        scf.if %cond3A_91 {
          %dma_wait3A = arith.constant 0 : i32
          %dma_wait3A_116 = arith.constant 0 : i32
          %dma_wait3A_117 = tpu.memref_slice %arg7[%dma_wait3A, %dma_wait3A_116] : memref<60x64xi32, #tpu.memory_space<vmem>> -> memref<1x64xi32, #tpu.memory_space<vmem>>
          %dma_wait3A_118 = tpu.memref_squeeze %dma_wait3A_117 : memref<1x64xi32, #tpu.memory_space<vmem>> -> memref<64xi32, #tpu.memory_space<vmem>>
          %dma_wait3A_119 = arith.constant 0 : i32
          %dma_wait3A_120 = arith.constant 0 : i32
          %dma_wait3A_121 = tpu.memref_slice %arg2[%dma_wait3A_119, %dma_wait3A_120] : memref<10240x128xf32, #tpu.memory_space<hbm>> -> memref<10240x128xf32, #tpu.memory_space<hbm>>
          tpu.wait_indirect_dma semaphore(%arg15 : memref<!tpu.dma_semaphore, #tpu.memory_space<semaphore_mem>>) src(%dma_wait3A_121 : memref<10240x128xf32, #tpu.memory_space<hbm>>) dst(%arg10 : memref<64x128xf32, #tpu.memory_space<vmem>>)
          "tpu.region"() ({
            %run_scoped3A = tpu.sem_alloc : memref<!tpu.dma_semaphore, #tpu.memory_space<semaphore_mem>>
            %dma_start3A_122 = arith.constant 0 : i32
            %dma_start3A_123 = tpu.memref_slice %arg8[%add3A_81, %dma_start3A_122] : memref<60x64xi32, #tpu.memory_space<vmem>> -> memref<1x64xi32, #tpu.memory_space<vmem>>
            %dma_start3A_124 = tpu.memref_squeeze %dma_start3A_123 : memref<1x64xi32, #tpu.memory_space<vmem>> -> memref<64xi32, #tpu.memory_space<vmem>>
            %dma_start3A_125 = arith.constant 0 : i32
            %dma_start3A_126 = arith.constant 0 : i32
            %dma_start3A_127 = tpu.memref_slice %arg13[%dma_start3A_125, %dma_start3A_126] : memref<10240x128xf32, #tpu.memory_space<vmem_shared>> -> memref<10240x128xf32, #tpu.memory_space<vmem_shared>>
            tpu.enqueue_indirect_dma source(%arg10 : memref<64x128xf32, #tpu.memory_space<vmem>>) target(%dma_start3A_127 : memref<10240x128xf32, #tpu.memory_space<vmem_shared>>) offsets(%dma_start3A_124 : memref<64xi32, #tpu.memory_space<vmem>>) semaphore(%run_scoped3A : memref<!tpu.dma_semaphore, #tpu.memory_space<semaphore_mem>>) {add = true}
            %dma_wait3A_128 = arith.constant 0 : i32
            %dma_wait3A_129 = tpu.memref_slice %arg8[%add3A_81, %dma_wait3A_128] : memref<60x64xi32, #tpu.memory_space<vmem>> -> memref<1x64xi32, #tpu.memory_space<vmem>>
            %dma_wait3A_130 = tpu.memref_squeeze %dma_wait3A_129 : memref<1x64xi32, #tpu.memory_space<vmem>> -> memref<64xi32, #tpu.memory_space<vmem>>
            %dma_wait3A_131 = arith.constant 0 : i32
            %dma_wait3A_132 = arith.constant 0 : i32
            %dma_wait3A_133 = tpu.memref_slice %arg13[%dma_wait3A_131, %dma_wait3A_132] : memref<10240x128xf32, #tpu.memory_space<vmem_shared>> -> memref<10240x128xf32, #tpu.memory_space<vmem_shared>>
            tpu.wait_indirect_dma semaphore(%run_scoped3A : memref<!tpu.dma_semaphore, #tpu.memory_space<semaphore_mem>>) src(%arg10 : memref<64x128xf32, #tpu.memory_space<vmem>>) dst(%dma_wait3A_133 : memref<10240x128xf32, #tpu.memory_space<vmem_shared>>)
            tpu.yield
          }) : () -> ()
        } else {
        }
        %add3A_92 = arith.constant 2 : i32
        %add3A_93 = arith.addi %mul3A_70, %add3A_92 : i32
        %add3A_94 = arith.constant 3 : i32
        %add3A_95 = arith.addi %add3A_93, %add3A_94 : i32
        %lt3A_96 = arith.cmpi slt, %add3A_95, %select_n3A_15 : i32
        %convert_element_type3A_97 = arith.extui %lt3A_96 : i1 to i32
        %cond3A_98 = arith.constant 0 : i32
        %cond3A_99 = arith.cmpi ne, %convert_element_type3A_97, %cond3A_98 : i32
        scf.if %cond3A_99 {
          %dma_start3A_116 = arith.constant 0 : i32
          %dma_start3A_117 = tpu.memref_slice %arg7[%add3A_95, %dma_start3A_116] : memref<60x64xi32, #tpu.memory_space<vmem>> -> memref<1x64xi32, #tpu.memory_space<vmem>>
          %dma_start3A_118 = tpu.memref_squeeze %dma_start3A_117 : memref<1x64xi32, #tpu.memory_space<vmem>> -> memref<64xi32, #tpu.memory_space<vmem>>
          %dma_start3A_119 = arith.constant 0 : i32
          %dma_start3A_120 = arith.constant 0 : i32
          %dma_start3A_121 = tpu.memref_slice %arg2[%dma_start3A_119, %dma_start3A_120] : memref<10240x128xf32, #tpu.memory_space<hbm>> -> memref<10240x128xf32, #tpu.memory_space<hbm>>
          tpu.enqueue_indirect_dma source(%dma_start3A_121 : memref<10240x128xf32, #tpu.memory_space<hbm>>) target(%arg10 : memref<64x128xf32, #tpu.memory_space<vmem>>) offsets(%dma_start3A_118 : memref<64xi32, #tpu.memory_space<vmem>>) semaphore(%arg15 : memref<!tpu.dma_semaphore, #tpu.memory_space<semaphore_mem>>)
        } else {
        }
        %lt3A_100 = arith.cmpi slt, %add3A_93, %select_n3A_15 : i32
        %convert_element_type3A_101 = arith.extui %lt3A_100 : i1 to i32
        %cond3A_102 = arith.constant 0 : i32
        %cond3A_103 = arith.cmpi ne, %convert_element_type3A_101, %cond3A_102 : i32
        scf.if %cond3A_103 {
          %dma_wait3A = arith.constant 0 : i32
          %dma_wait3A_116 = arith.constant 0 : i32
          %dma_wait3A_117 = tpu.memref_slice %arg7[%dma_wait3A, %dma_wait3A_116] : memref<60x64xi32, #tpu.memory_space<vmem>> -> memref<1x64xi32, #tpu.memory_space<vmem>>
          %dma_wait3A_118 = tpu.memref_squeeze %dma_wait3A_117 : memref<1x64xi32, #tpu.memory_space<vmem>> -> memref<64xi32, #tpu.memory_space<vmem>>
          %dma_wait3A_119 = arith.constant 0 : i32
          %dma_wait3A_120 = arith.constant 0 : i32
          %dma_wait3A_121 = tpu.memref_slice %arg2[%dma_wait3A_119, %dma_wait3A_120] : memref<10240x128xf32, #tpu.memory_space<hbm>> -> memref<10240x128xf32, #tpu.memory_space<hbm>>
          tpu.wait_indirect_dma semaphore(%arg16 : memref<!tpu.dma_semaphore, #tpu.memory_space<semaphore_mem>>) src(%dma_wait3A_121 : memref<10240x128xf32, #tpu.memory_space<hbm>>) dst(%arg11 : memref<64x128xf32, #tpu.memory_space<vmem>>)
          "tpu.region"() ({
            %run_scoped3A = tpu.sem_alloc : memref<!tpu.dma_semaphore, #tpu.memory_space<semaphore_mem>>
            %dma_start3A_122 = arith.constant 0 : i32
            %dma_start3A_123 = tpu.memref_slice %arg8[%add3A_93, %dma_start3A_122] : memref<60x64xi32, #tpu.memory_space<vmem>> -> memref<1x64xi32, #tpu.memory_space<vmem>>
            %dma_start3A_124 = tpu.memref_squeeze %dma_start3A_123 : memref<1x64xi32, #tpu.memory_space<vmem>> -> memref<64xi32, #tpu.memory_space<vmem>>
            %dma_start3A_125 = arith.constant 0 : i32
            %dma_start3A_126 = arith.constant 0 : i32
            %dma_start3A_127 = tpu.memref_slice %arg13[%dma_start3A_125, %dma_start3A_126] : memref<10240x128xf32, #tpu.memory_space<vmem_shared>> -> memref<10240x128xf32, #tpu.memory_space<vmem_shared>>
            tpu.enqueue_indirect_dma source(%arg11 : memref<64x128xf32, #tpu.memory_space<vmem>>) target(%dma_start3A_127 : memref<10240x128xf32, #tpu.memory_space<vmem_shared>>) offsets(%dma_start3A_124 : memref<64xi32, #tpu.memory_space<vmem>>) semaphore(%run_scoped3A : memref<!tpu.dma_semaphore, #tpu.memory_space<semaphore_mem>>) {add = true}
            %dma_wait3A_128 = arith.constant 0 : i32
            %dma_wait3A_129 = tpu.memref_slice %arg8[%add3A_93, %dma_wait3A_128] : memref<60x64xi32, #tpu.memory_space<vmem>> -> memref<1x64xi32, #tpu.memory_space<vmem>>
            %dma_wait3A_130 = tpu.memref_squeeze %dma_wait3A_129 : memref<1x64xi32, #tpu.memory_space<vmem>> -> memref<64xi32, #tpu.memory_space<vmem>>
            %dma_wait3A_131 = arith.constant 0 : i32
            %dma_wait3A_132 = arith.constant 0 : i32
            %dma_wait3A_133 = tpu.memref_slice %arg13[%dma_wait3A_131, %dma_wait3A_132] : memref<10240x128xf32, #tpu.memory_space<vmem_shared>> -> memref<10240x128xf32, #tpu.memory_space<vmem_shared>>
            tpu.wait_indirect_dma semaphore(%run_scoped3A : memref<!tpu.dma_semaphore, #tpu.memory_space<semaphore_mem>>) src(%arg11 : memref<64x128xf32, #tpu.memory_space<vmem>>) dst(%dma_wait3A_133 : memref<10240x128xf32, #tpu.memory_space<vmem_shared>>)
            tpu.yield
          }) : () -> ()
        } else {
        }
        %add3A_104 = arith.constant 3 : i32
        %add3A_105 = arith.addi %mul3A_70, %add3A_104 : i32
        %add3A_106 = arith.constant 3 : i32
        %add3A_107 = arith.addi %add3A_105, %add3A_106 : i32
        %lt3A_108 = arith.cmpi slt, %add3A_107, %select_n3A_15 : i32
        %convert_element_type3A_109 = arith.extui %lt3A_108 : i1 to i32
        %cond3A_110 = arith.constant 0 : i32
        %cond3A_111 = arith.cmpi ne, %convert_element_type3A_109, %cond3A_110 : i32
        scf.if %cond3A_111 {
          %dma_start3A_116 = arith.constant 0 : i32
          %dma_start3A_117 = tpu.memref_slice %arg7[%add3A_107, %dma_start3A_116] : memref<60x64xi32, #tpu.memory_space<vmem>> -> memref<1x64xi32, #tpu.memory_space<vmem>>
          %dma_start3A_118 = tpu.memref_squeeze %dma_start3A_117 : memref<1x64xi32, #tpu.memory_space<vmem>> -> memref<64xi32, #tpu.memory_space<vmem>>
          %dma_start3A_119 = arith.constant 0 : i32
          %dma_start3A_120 = arith.constant 0 : i32
          %dma_start3A_121 = tpu.memref_slice %arg2[%dma_start3A_119, %dma_start3A_120] : memref<10240x128xf32, #tpu.memory_space<hbm>> -> memref<10240x128xf32, #tpu.memory_space<hbm>>
          tpu.enqueue_indirect_dma source(%dma_start3A_121 : memref<10240x128xf32, #tpu.memory_space<hbm>>) target(%arg11 : memref<64x128xf32, #tpu.memory_space<vmem>>) offsets(%dma_start3A_118 : memref<64xi32, #tpu.memory_space<vmem>>) semaphore(%arg16 : memref<!tpu.dma_semaphore, #tpu.memory_space<semaphore_mem>>)
        } else {
        }
        %lt3A_112 = arith.cmpi slt, %add3A_105, %select_n3A_15 : i32
        %convert_element_type3A_113 = arith.extui %lt3A_112 : i1 to i32
        %cond3A_114 = arith.constant 0 : i32
        %cond3A_115 = arith.cmpi ne, %convert_element_type3A_113, %cond3A_114 : i32
        scf.if %cond3A_115 {
          %dma_wait3A = arith.constant 0 : i32
          %dma_wait3A_116 = arith.constant 0 : i32
          %dma_wait3A_117 = tpu.memref_slice %arg7[%dma_wait3A, %dma_wait3A_116] : memref<60x64xi32, #tpu.memory_space<vmem>> -> memref<1x64xi32, #tpu.memory_space<vmem>>
          %dma_wait3A_118 = tpu.memref_squeeze %dma_wait3A_117 : memref<1x64xi32, #tpu.memory_space<vmem>> -> memref<64xi32, #tpu.memory_space<vmem>>
          %dma_wait3A_119 = arith.constant 0 : i32
          %dma_wait3A_120 = arith.constant 0 : i32
          %dma_wait3A_121 = tpu.memref_slice %arg2[%dma_wait3A_119, %dma_wait3A_120] : memref<10240x128xf32, #tpu.memory_space<hbm>> -> memref<10240x128xf32, #tpu.memory_space<hbm>>
          tpu.wait_indirect_dma semaphore(%arg17 : memref<!tpu.dma_semaphore, #tpu.memory_space<semaphore_mem>>) src(%dma_wait3A_121 : memref<10240x128xf32, #tpu.memory_space<hbm>>) dst(%arg12 : memref<64x128xf32, #tpu.memory_space<vmem>>)
          "tpu.region"() ({
            %run_scoped3A = tpu.sem_alloc : memref<!tpu.dma_semaphore, #tpu.memory_space<semaphore_mem>>
            %dma_start3A_122 = arith.constant 0 : i32
            %dma_start3A_123 = tpu.memref_slice %arg8[%add3A_105, %dma_start3A_122] : memref<60x64xi32, #tpu.memory_space<vmem>> -> memref<1x64xi32, #tpu.memory_space<vmem>>
            %dma_start3A_124 = tpu.memref_squeeze %dma_start3A_123 : memref<1x64xi32, #tpu.memory_space<vmem>> -> memref<64xi32, #tpu.memory_space<vmem>>
            %dma_start3A_125 = arith.constant 0 : i32
            %dma_start3A_126 = arith.constant 0 : i32
            %dma_start3A_127 = tpu.memref_slice %arg13[%dma_start3A_125, %dma_start3A_126] : memref<10240x128xf32, #tpu.memory_space<vmem_shared>> -> memref<10240x128xf32, #tpu.memory_space<vmem_shared>>
            tpu.enqueue_indirect_dma source(%arg12 : memref<64x128xf32, #tpu.memory_space<vmem>>) target(%dma_start3A_127 : memref<10240x128xf32, #tpu.memory_space<vmem_shared>>) offsets(%dma_start3A_124 : memref<64xi32, #tpu.memory_space<vmem>>) semaphore(%run_scoped3A : memref<!tpu.dma_semaphore, #tpu.memory_space<semaphore_mem>>) {add = true}
            %dma_wait3A_128 = arith.constant 0 : i32
            %dma_wait3A_129 = tpu.memref_slice %arg8[%add3A_105, %dma_wait3A_128] : memref<60x64xi32, #tpu.memory_space<vmem>> -> memref<1x64xi32, #tpu.memory_space<vmem>>
            %dma_wait3A_130 = tpu.memref_squeeze %dma_wait3A_129 : memref<1x64xi32, #tpu.memory_space<vmem>> -> memref<64xi32, #tpu.memory_space<vmem>>
            %dma_wait3A_131 = arith.constant 0 : i32
            %dma_wait3A_132 = arith.constant 0 : i32
            %dma_wait3A_133 = tpu.memref_slice %arg13[%dma_wait3A_131, %dma_wait3A_132] : memref<10240x128xf32, #tpu.memory_space<vmem_shared>> -> memref<10240x128xf32, #tpu.memory_space<vmem_shared>>
            tpu.wait_indirect_dma semaphore(%run_scoped3A : memref<!tpu.dma_semaphore, #tpu.memory_space<semaphore_mem>>) src(%arg12 : memref<64x128xf32, #tpu.memory_space<vmem>>) dst(%dma_wait3A_133 : memref<10240x128xf32, #tpu.memory_space<vmem_shared>>)
            tpu.yield
          }) : () -> ()
        } else {
        }
      }
      %while3A_67 = arith.constant 1 : i32
      scf.for %while3A_68 = %while3A_65 to %while3A_61 step %while3A_67  : i32 {
        %mul3A_69 = arith.constant 4 : i32
        %mul3A_70 = arith.muli %while3A_68, %mul3A_69 : i32
        %add3A_71 = arith.constant 0 : i32
        %add3A_72 = arith.addi %mul3A_70, %add3A_71 : i32
        %add3A_73 = arith.constant 3 : i32
        %add3A_74 = arith.addi %add3A_72, %add3A_73 : i32
        %lt3A = arith.cmpi slt, %add3A_74, %select_n3A_15 : i32
        %convert_element_type3A = arith.extui %lt3A : i1 to i32
        %cond3A = arith.constant 0 : i32
        %cond3A_75 = arith.cmpi ne, %convert_element_type3A, %cond3A : i32
        scf.if %cond3A_75 {
          %dma_start3A_116 = arith.constant 0 : i32
          %dma_start3A_117 = tpu.memref_slice %arg7[%add3A_74, %dma_start3A_116] : memref<60x64xi32, #tpu.memory_space<vmem>> -> memref<1x64xi32, #tpu.memory_space<vmem>>
          %dma_start3A_118 = tpu.memref_squeeze %dma_start3A_117 : memref<1x64xi32, #tpu.memory_space<vmem>> -> memref<64xi32, #tpu.memory_space<vmem>>
          %dma_start3A_119 = arith.constant 0 : i32
          %dma_start3A_120 = arith.constant 0 : i32
          %dma_start3A_121 = tpu.memref_slice %arg2[%dma_start3A_119, %dma_start3A_120] : memref<10240x128xf32, #tpu.memory_space<hbm>> -> memref<10240x128xf32, #tpu.memory_space<hbm>>
          tpu.enqueue_indirect_dma source(%dma_start3A_121 : memref<10240x128xf32, #tpu.memory_space<hbm>>) target(%arg12 : memref<64x128xf32, #tpu.memory_space<vmem>>) offsets(%dma_start3A_118 : memref<64xi32, #tpu.memory_space<vmem>>) semaphore(%arg17 : memref<!tpu.dma_semaphore, #tpu.memory_space<semaphore_mem>>)
        } else {
        }
        %lt3A_76 = arith.cmpi slt, %add3A_72, %select_n3A_15 : i32
        %convert_element_type3A_77 = arith.extui %lt3A_76 : i1 to i32
        %cond3A_78 = arith.constant 0 : i32
        %cond3A_79 = arith.cmpi ne, %convert_element_type3A_77, %cond3A_78 : i32
        scf.if %cond3A_79 {
          %dma_wait3A = arith.constant 0 : i32
          %dma_wait3A_116 = arith.constant 0 : i32
          %dma_wait3A_117 = tpu.memref_slice %arg7[%dma_wait3A, %dma_wait3A_116] : memref<60x64xi32, #tpu.memory_space<vmem>> -> memref<1x64xi32, #tpu.memory_space<vmem>>
          %dma_wait3A_118 = tpu.memref_squeeze %dma_wait3A_117 : memref<1x64xi32, #tpu.memory_space<vmem>> -> memref<64xi32, #tpu.memory_space<vmem>>
          %dma_wait3A_119 = arith.constant 0 : i32
          %dma_wait3A_120 = arith.constant 0 : i32
          %dma_wait3A_121 = tpu.memref_slice %arg2[%dma_wait3A_119, %dma_wait3A_120] : memref<10240x128xf32, #tpu.memory_space<hbm>> -> memref<10240x128xf32, #tpu.memory_space<hbm>>
          tpu.wait_indirect_dma semaphore(%arg14 : memref<!tpu.dma_semaphore, #tpu.memory_space<semaphore_mem>>) src(%dma_wait3A_121 : memref<10240x128xf32, #tpu.memory_space<hbm>>) dst(%arg9 : memref<64x128xf32, #tpu.memory_space<vmem>>)
          "tpu.region"() ({
            %run_scoped3A = tpu.sem_alloc : memref<!tpu.dma_semaphore, #tpu.memory_space<semaphore_mem>>
            %dma_start3A_122 = arith.constant 0 : i32
            %dma_start3A_123 = tpu.memref_slice %arg8[%add3A_72, %dma_start3A_122] : memref<60x64xi32, #tpu.memory_space<vmem>> -> memref<1x64xi32, #tpu.memory_space<vmem>>
            %dma_start3A_124 = tpu.memref_squeeze %dma_start3A_123 : memref<1x64xi32, #tpu.memory_space<vmem>> -> memref<64xi32, #tpu.memory_space<vmem>>
            %dma_start3A_125 = arith.constant 0 : i32
            %dma_start3A_126 = arith.constant 0 : i32
            %dma_start3A_127 = tpu.memref_slice %arg13[%dma_start3A_125, %dma_start3A_126] : memref<10240x128xf32, #tpu.memory_space<vmem_shared>> -> memref<10240x128xf32, #tpu.memory_space<vmem_shared>>
            tpu.enqueue_indirect_dma source(%arg9 : memref<64x128xf32, #tpu.memory_space<vmem>>) target(%dma_start3A_127 : memref<10240x128xf32, #tpu.memory_space<vmem_shared>>) offsets(%dma_start3A_124 : memref<64xi32, #tpu.memory_space<vmem>>) semaphore(%run_scoped3A : memref<!tpu.dma_semaphore, #tpu.memory_space<semaphore_mem>>) {add = true}
            %dma_wait3A_128 = arith.constant 0 : i32
            %dma_wait3A_129 = tpu.memref_slice %arg8[%add3A_72, %dma_wait3A_128] : memref<60x64xi32, #tpu.memory_space<vmem>> -> memref<1x64xi32, #tpu.memory_space<vmem>>
            %dma_wait3A_130 = tpu.memref_squeeze %dma_wait3A_129 : memref<1x64xi32, #tpu.memory_space<vmem>> -> memref<64xi32, #tpu.memory_space<vmem>>
            %dma_wait3A_131 = arith.constant 0 : i32
            %dma_wait3A_132 = arith.constant 0 : i32
            %dma_wait3A_133 = tpu.memref_slice %arg13[%dma_wait3A_131, %dma_wait3A_132] : memref<10240x128xf32, #tpu.memory_space<vmem_shared>> -> memref<10240x128xf32, #tpu.memory_space<vmem_shared>>
            tpu.wait_indirect_dma semaphore(%run_scoped3A : memref<!tpu.dma_semaphore, #tpu.memory_space<semaphore_mem>>) src(%arg9 : memref<64x128xf32, #tpu.memory_space<vmem>>) dst(%dma_wait3A_133 : memref<10240x128xf32, #tpu.memory_space<vmem_shared>>)
            tpu.yield
          }) : () -> ()
        } else {
        }
        %add3A_80 = arith.constant 1 : i32
        %add3A_81 = arith.addi %mul3A_70, %add3A_80 : i32
        %add3A_82 = arith.constant 3 : i32
        %add3A_83 = arith.addi %add3A_81, %add3A_82 : i32
        %lt3A_84 = arith.cmpi slt, %add3A_83, %select_n3A_15 : i32
        %convert_element_type3A_85 = arith.extui %lt3A_84 : i1 to i32
        %cond3A_86 = arith.constant 0 : i32
        %cond3A_87 = arith.cmpi ne, %convert_element_type3A_85, %cond3A_86 : i32
        scf.if %cond3A_87 {
          %dma_start3A_116 = arith.constant 0 : i32
          %dma_start3A_117 = tpu.memref_slice %arg7[%add3A_83, %dma_start3A_116] : memref<60x64xi32, #tpu.memory_space<vmem>> -> memref<1x64xi32, #tpu.memory_space<vmem>>
          %dma_start3A_118 = tpu.memref_squeeze %dma_start3A_117 : memref<1x64xi32, #tpu.memory_space<vmem>> -> memref<64xi32, #tpu.memory_space<vmem>>
          %dma_start3A_119 = arith.constant 0 : i32
          %dma_start3A_120 = arith.constant 0 : i32
          %dma_start3A_121 = tpu.memref_slice %arg2[%dma_start3A_119, %dma_start3A_120] : memref<10240x128xf32, #tpu.memory_space<hbm>> -> memref<10240x128xf32, #tpu.memory_space<hbm>>
          tpu.enqueue_indirect_dma source(%dma_start3A_121 : memref<10240x128xf32, #tpu.memory_space<hbm>>) target(%arg9 : memref<64x128xf32, #tpu.memory_space<vmem>>) offsets(%dma_start3A_118 : memref<64xi32, #tpu.memory_space<vmem>>) semaphore(%arg14 : memref<!tpu.dma_semaphore, #tpu.memory_space<semaphore_mem>>)
        } else {
        }
        %lt3A_88 = arith.cmpi slt, %add3A_81, %select_n3A_15 : i32
        %convert_element_type3A_89 = arith.extui %lt3A_88 : i1 to i32
        %cond3A_90 = arith.constant 0 : i32
        %cond3A_91 = arith.cmpi ne, %convert_element_type3A_89, %cond3A_90 : i32
        scf.if %cond3A_91 {
          %dma_wait3A = arith.constant 0 : i32
          %dma_wait3A_116 = arith.constant 0 : i32
          %dma_wait3A_117 = tpu.memref_slice %arg7[%dma_wait3A, %dma_wait3A_116] : memref<60x64xi32, #tpu.memory_space<vmem>> -> memref<1x64xi32, #tpu.memory_space<vmem>>
          %dma_wait3A_118 = tpu.memref_squeeze %dma_wait3A_117 : memref<1x64xi32, #tpu.memory_space<vmem>> -> memref<64xi32, #tpu.memory_space<vmem>>
          %dma_wait3A_119 = arith.constant 0 : i32
          %dma_wait3A_120 = arith.constant 0 : i32
          %dma_wait3A_121 = tpu.memref_slice %arg2[%dma_wait3A_119, %dma_wait3A_120] : memref<10240x128xf32, #tpu.memory_space<hbm>> -> memref<10240x128xf32, #tpu.memory_space<hbm>>
          tpu.wait_indirect_dma semaphore(%arg15 : memref<!tpu.dma_semaphore, #tpu.memory_space<semaphore_mem>>) src(%dma_wait3A_121 : memref<10240x128xf32, #tpu.memory_space<hbm>>) dst(%arg10 : memref<64x128xf32, #tpu.memory_space<vmem>>)
          "tpu.region"() ({
            %run_scoped3A = tpu.sem_alloc : memref<!tpu.dma_semaphore, #tpu.memory_space<semaphore_mem>>
            %dma_start3A_122 = arith.constant 0 : i32
            %dma_start3A_123 = tpu.memref_slice %arg8[%add3A_81, %dma_start3A_122] : memref<60x64xi32, #tpu.memory_space<vmem>> -> memref<1x64xi32, #tpu.memory_space<vmem>>
            %dma_start3A_124 = tpu.memref_squeeze %dma_start3A_123 : memref<1x64xi32, #tpu.memory_space<vmem>> -> memref<64xi32, #tpu.memory_space<vmem>>
            %dma_start3A_125 = arith.constant 0 : i32
            %dma_start3A_126 = arith.constant 0 : i32
            %dma_start3A_127 = tpu.memref_slice %arg13[%dma_start3A_125, %dma_start3A_126] : memref<10240x128xf32, #tpu.memory_space<vmem_shared>> -> memref<10240x128xf32, #tpu.memory_space<vmem_shared>>
            tpu.enqueue_indirect_dma source(%arg10 : memref<64x128xf32, #tpu.memory_space<vmem>>) target(%dma_start3A_127 : memref<10240x128xf32, #tpu.memory_space<vmem_shared>>) offsets(%dma_start3A_124 : memref<64xi32, #tpu.memory_space<vmem>>) semaphore(%run_scoped3A : memref<!tpu.dma_semaphore, #tpu.memory_space<semaphore_mem>>) {add = true}
            %dma_wait3A_128 = arith.constant 0 : i32
            %dma_wait3A_129 = tpu.memref_slice %arg8[%add3A_81, %dma_wait3A_128] : memref<60x64xi32, #tpu.memory_space<vmem>> -> memref<1x64xi32, #tpu.memory_space<vmem>>
            %dma_wait3A_130 = tpu.memref_squeeze %dma_wait3A_129 : memref<1x64xi32, #tpu.memory_space<vmem>> -> memref<64xi32, #tpu.memory_space<vmem>>
            %dma_wait3A_131 = arith.constant 0 : i32
            %dma_wait3A_132 = arith.constant 0 : i32
            %dma_wait3A_133 = tpu.memref_slice %arg13[%dma_wait3A_131, %dma_wait3A_132] : memref<10240x128xf32, #tpu.memory_space<vmem_shared>> -> memref<10240x128xf32, #tpu.memory_space<vmem_shared>>
            tpu.wait_indirect_dma semaphore(%run_scoped3A : memref<!tpu.dma_semaphore, #tpu.memory_space<semaphore_mem>>) src(%arg10 : memref<64x128xf32, #tpu.memory_space<vmem>>) dst(%dma_wait3A_133 : memref<10240x128xf32, #tpu.memory_space<vmem_shared>>)
            tpu.yield
          }) : () -> ()
        } else {
        }
        %add3A_92 = arith.constant 2 : i32
        %add3A_93 = arith.addi %mul3A_70, %add3A_92 : i32
        %add3A_94 = arith.constant 3 : i32
        %add3A_95 = arith.addi %add3A_93, %add3A_94 : i32
        %lt3A_96 = arith.cmpi slt, %add3A_95, %select_n3A_15 : i32
        %convert_element_type3A_97 = arith.extui %lt3A_96 : i1 to i32
        %cond3A_98 = arith.constant 0 : i32
        %cond3A_99 = arith.cmpi ne, %convert_element_type3A_97, %cond3A_98 : i32
        scf.if %cond3A_99 {
          %dma_start3A_116 = arith.constant 0 : i32
          %dma_start3A_117 = tpu.memref_slice %arg7[%add3A_95, %dma_start3A_116] : memref<60x64xi32, #tpu.memory_space<vmem>> -> memref<1x64xi32, #tpu.memory_space<vmem>>
          %dma_start3A_118 = tpu.memref_squeeze %dma_start3A_117 : memref<1x64xi32, #tpu.memory_space<vmem>> -> memref<64xi32, #tpu.memory_space<vmem>>
          %dma_start3A_119 = arith.constant 0 : i32
          %dma_start3A_120 = arith.constant 0 : i32
          %dma_start3A_121 = tpu.memref_slice %arg2[%dma_start3A_119, %dma_start3A_120] : memref<10240x128xf32, #tpu.memory_space<hbm>> -> memref<10240x128xf32, #tpu.memory_space<hbm>>
          tpu.enqueue_indirect_dma source(%dma_start3A_121 : memref<10240x128xf32, #tpu.memory_space<hbm>>) target(%arg10 : memref<64x128xf32, #tpu.memory_space<vmem>>) offsets(%dma_start3A_118 : memref<64xi32, #tpu.memory_space<vmem>>) semaphore(%arg15 : memref<!tpu.dma_semaphore, #tpu.memory_space<semaphore_mem>>)
        } else {
        }
        %lt3A_100 = arith.cmpi slt, %add3A_93, %select_n3A_15 : i32
        %convert_element_type3A_101 = arith.extui %lt3A_100 : i1 to i32
        %cond3A_102 = arith.constant 0 : i32
        %cond3A_103 = arith.cmpi ne, %convert_element_type3A_101, %cond3A_102 : i32
        scf.if %cond3A_103 {
          %dma_wait3A = arith.constant 0 : i32
          %dma_wait3A_116 = arith.constant 0 : i32
          %dma_wait3A_117 = tpu.memref_slice %arg7[%dma_wait3A, %dma_wait3A_116] : memref<60x64xi32, #tpu.memory_space<vmem>> -> memref<1x64xi32, #tpu.memory_space<vmem>>
          %dma_wait3A_118 = tpu.memref_squeeze %dma_wait3A_117 : memref<1x64xi32, #tpu.memory_space<vmem>> -> memref<64xi32, #tpu.memory_space<vmem>>
          %dma_wait3A_119 = arith.constant 0 : i32
          %dma_wait3A_120 = arith.constant 0 : i32
          %dma_wait3A_121 = tpu.memref_slice %arg2[%dma_wait3A_119, %dma_wait3A_120] : memref<10240x128xf32, #tpu.memory_space<hbm>> -> memref<10240x128xf32, #tpu.memory_space<hbm>>
          tpu.wait_indirect_dma semaphore(%arg16 : memref<!tpu.dma_semaphore, #tpu.memory_space<semaphore_mem>>) src(%dma_wait3A_121 : memref<10240x128xf32, #tpu.memory_space<hbm>>) dst(%arg11 : memref<64x128xf32, #tpu.memory_space<vmem>>)
          "tpu.region"() ({
            %run_scoped3A = tpu.sem_alloc : memref<!tpu.dma_semaphore, #tpu.memory_space<semaphore_mem>>
            %dma_start3A_122 = arith.constant 0 : i32
            %dma_start3A_123 = tpu.memref_slice %arg8[%add3A_93, %dma_start3A_122] : memref<60x64xi32, #tpu.memory_space<vmem>> -> memref<1x64xi32, #tpu.memory_space<vmem>>
            %dma_start3A_124 = tpu.memref_squeeze %dma_start3A_123 : memref<1x64xi32, #tpu.memory_space<vmem>> -> memref<64xi32, #tpu.memory_space<vmem>>
            %dma_start3A_125 = arith.constant 0 : i32
            %dma_start3A_126 = arith.constant 0 : i32
            %dma_start3A_127 = tpu.memref_slice %arg13[%dma_start3A_125, %dma_start3A_126] : memref<10240x128xf32, #tpu.memory_space<vmem_shared>> -> memref<10240x128xf32, #tpu.memory_space<vmem_shared>>
            tpu.enqueue_indirect_dma source(%arg11 : memref<64x128xf32, #tpu.memory_space<vmem>>) target(%dma_start3A_127 : memref<10240x128xf32, #tpu.memory_space<vmem_shared>>) offsets(%dma_start3A_124 : memref<64xi32, #tpu.memory_space<vmem>>) semaphore(%run_scoped3A : memref<!tpu.dma_semaphore, #tpu.memory_space<semaphore_mem>>) {add = true}
            %dma_wait3A_128 = arith.constant 0 : i32
            %dma_wait3A_129 = tpu.memref_slice %arg8[%add3A_93, %dma_wait3A_128] : memref<60x64xi32, #tpu.memory_space<vmem>> -> memref<1x64xi32, #tpu.memory_space<vmem>>
            %dma_wait3A_130 = tpu.memref_squeeze %dma_wait3A_129 : memref<1x64xi32, #tpu.memory_space<vmem>> -> memref<64xi32, #tpu.memory_space<vmem>>
            %dma_wait3A_131 = arith.constant 0 : i32
            %dma_wait3A_132 = arith.constant 0 : i32
            %dma_wait3A_133 = tpu.memref_slice %arg13[%dma_wait3A_131, %dma_wait3A_132] : memref<10240x128xf32, #tpu.memory_space<vmem_shared>> -> memref<10240x128xf32, #tpu.memory_space<vmem_shared>>
            tpu.wait_indirect_dma semaphore(%run_scoped3A : memref<!tpu.dma_semaphore, #tpu.memory_space<semaphore_mem>>) src(%arg11 : memref<64x128xf32, #tpu.memory_space<vmem>>) dst(%dma_wait3A_133 : memref<10240x128xf32, #tpu.memory_space<vmem_shared>>)
            tpu.yield
          }) : () -> ()
        } else {
        }
        %add3A_104 = arith.constant 3 : i32
        %add3A_105 = arith.addi %mul3A_70, %add3A_104 : i32
        %add3A_106 = arith.constant 3 : i32
        %add3A_107 = arith.addi %add3A_105, %add3A_106 : i32
        %lt3A_108 = arith.cmpi slt, %add3A_107, %select_n3A_15 : i32
        %convert_element_type3A_109 = arith.extui %lt3A_108 : i1 to i32
        %cond3A_110 = arith.constant 0 : i32
        %cond3A_111 = arith.cmpi ne, %convert_element_type3A_109, %cond3A_110 : i32
        scf.if %cond3A_111 {
          %dma_start3A_116 = arith.constant 0 : i32
          %dma_start3A_117 = tpu.memref_slice %arg7[%add3A_107, %dma_start3A_116] : memref<60x64xi32, #tpu.memory_space<vmem>> -> memref<1x64xi32, #tpu.memory_space<vmem>>
          %dma_start3A_118 = tpu.memref_squeeze %dma_start3A_117 : memref<1x64xi32, #tpu.memory_space<vmem>> -> memref<64xi32, #tpu.memory_space<vmem>>
          %dma_start3A_119 = arith.constant 0 : i32
          %dma_start3A_120 = arith.constant 0 : i32
          %dma_start3A_121 = tpu.memref_slice %arg2[%dma_start3A_119, %dma_start3A_120] : memref<10240x128xf32, #tpu.memory_space<hbm>> -> memref<10240x128xf32, #tpu.memory_space<hbm>>
          tpu.enqueue_indirect_dma source(%dma_start3A_121 : memref<10240x128xf32, #tpu.memory_space<hbm>>) target(%arg11 : memref<64x128xf32, #tpu.memory_space<vmem>>) offsets(%dma_start3A_118 : memref<64xi32, #tpu.memory_space<vmem>>) semaphore(%arg16 : memref<!tpu.dma_semaphore, #tpu.memory_space<semaphore_mem>>)
        } else {
        }
        %lt3A_112 = arith.cmpi slt, %add3A_105, %select_n3A_15 : i32
        %convert_element_type3A_113 = arith.extui %lt3A_112 : i1 to i32
        %cond3A_114 = arith.constant 0 : i32
        %cond3A_115 = arith.cmpi ne, %convert_element_type3A_113, %cond3A_114 : i32
        scf.if %cond3A_115 {
          %dma_wait3A = arith.constant 0 : i32
          %dma_wait3A_116 = arith.constant 0 : i32
          %dma_wait3A_117 = tpu.memref_slice %arg7[%dma_wait3A, %dma_wait3A_116] : memref<60x64xi32, #tpu.memory_space<vmem>> -> memref<1x64xi32, #tpu.memory_space<vmem>>
          %dma_wait3A_118 = tpu.memref_squeeze %dma_wait3A_117 : memref<1x64xi32, #tpu.memory_space<vmem>> -> memref<64xi32, #tpu.memory_space<vmem>>
          %dma_wait3A_119 = arith.constant 0 : i32
          %dma_wait3A_120 = arith.constant 0 : i32
          %dma_wait3A_121 = tpu.memref_slice %arg2[%dma_wait3A_119, %dma_wait3A_120] : memref<10240x128xf32, #tpu.memory_space<hbm>> -> memref<10240x128xf32, #tpu.memory_space<hbm>>
          tpu.wait_indirect_dma semaphore(%arg17 : memref<!tpu.dma_semaphore, #tpu.memory_space<semaphore_mem>>) src(%dma_wait3A_121 : memref<10240x128xf32, #tpu.memory_space<hbm>>) dst(%arg12 : memref<64x128xf32, #tpu.memory_space<vmem>>)
          "tpu.region"() ({
            %run_scoped3A = tpu.sem_alloc : memref<!tpu.dma_semaphore, #tpu.memory_space<semaphore_mem>>
            %dma_start3A_122 = arith.constant 0 : i32
            %dma_start3A_123 = tpu.memref_slice %arg8[%add3A_105, %dma_start3A_122] : memref<60x64xi32, #tpu.memory_space<vmem>> -> memref<1x64xi32, #tpu.memory_space<vmem>>
            %dma_start3A_124 = tpu.memref_squeeze %dma_start3A_123 : memref<1x64xi32, #tpu.memory_space<vmem>> -> memref<64xi32, #tpu.memory_space<vmem>>
            %dma_start3A_125 = arith.constant 0 : i32
            %dma_start3A_126 = arith.constant 0 : i32
            %dma_start3A_127 = tpu.memref_slice %arg13[%dma_start3A_125, %dma_start3A_126] : memref<10240x128xf32, #tpu.memory_space<vmem_shared>> -> memref<10240x128xf32, #tpu.memory_space<vmem_shared>>
            tpu.enqueue_indirect_dma source(%arg12 : memref<64x128xf32, #tpu.memory_space<vmem>>) target(%dma_start3A_127 : memref<10240x128xf32, #tpu.memory_space<vmem_shared>>) offsets(%dma_start3A_124 : memref<64xi32, #tpu.memory_space<vmem>>) semaphore(%run_scoped3A : memref<!tpu.dma_semaphore, #tpu.memory_space<semaphore_mem>>) {add = true}
            %dma_wait3A_128 = arith.constant 0 : i32
            %dma_wait3A_129 = tpu.memref_slice %arg8[%add3A_105, %dma_wait3A_128] : memref<60x64xi32, #tpu.memory_space<vmem>> -> memref<1x64xi32, #tpu.memory_space<vmem>>
            %dma_wait3A_130 = tpu.memref_squeeze %dma_wait3A_129 : memref<1x64xi32, #tpu.memory_space<vmem>> -> memref<64xi32, #tpu.memory_space<vmem>>
            %dma_wait3A_131 = arith.constant 0 : i32
            %dma_wait3A_132 = arith.constant 0 : i32
            %dma_wait3A_133 = tpu.memref_slice %arg13[%dma_wait3A_131, %dma_wait3A_132] : memref<10240x128xf32, #tpu.memory_space<vmem_shared>> -> memref<10240x128xf32, #tpu.memory_space<vmem_shared>>
            tpu.wait_indirect_dma semaphore(%run_scoped3A : memref<!tpu.dma_semaphore, #tpu.memory_space<semaphore_mem>>) src(%arg12 : memref<64x128xf32, #tpu.memory_space<vmem>>) dst(%dma_wait3A_133 : memref<10240x128xf32, #tpu.memory_space<vmem_shared>>)
            tpu.yield
          }) : () -> ()
        } else {
        }
      }
    }
    %barrier3A_36 = arith.constant 0 : index
    tpu.barrier barrier_id(%barrier3A_36)
    "tpu.region"() ({
      %run_scoped3A = tpu.sem_alloc : memref<!tpu.dma_semaphore, #tpu.memory_space<semaphore_mem>>
      %dma_start3A = arith.constant 0 : i32
      %dma_start3A_37 = tpu.memref_slice %arg6[%arg0, %mul3A_2, %dma_start3A] : memref<2x10240x128xf32, #tpu.memory_space<hbm>> -> memref<1x640x128xf32, #tpu.memory_space<hbm>>
      %dma_start3A_38 = tpu.memref_squeeze %dma_start3A_37 : memref<1x640x128xf32, #tpu.memory_space<hbm>> -> memref<640x128xf32, #tpu.memory_space<hbm>>
      %dma_start3A_39 = arith.constant 0 : i32
      %dma_start3A_40 = tpu.memref_slice %arg13[%mul3A_2, %dma_start3A_39] : memref<10240x128xf32, #tpu.memory_space<vmem_shared>> -> memref<640x128xf32, #tpu.memory_space<vmem_shared>>
      tpu.enqueue_dma source(%dma_start3A_40 : memref<640x128xf32, #tpu.memory_space<vmem_shared>>) target(%dma_start3A_38 : memref<640x128xf32, #tpu.memory_space<hbm>>) target_semaphore(%run_scoped3A : memref<!tpu.dma_semaphore, #tpu.memory_space<semaphore_mem>>)
      %dma_wait3A = arith.constant 0 : i32
      %dma_wait3A_41 = tpu.memref_slice %arg6[%arg0, %mul3A_2, %dma_wait3A] : memref<2x10240x128xf32, #tpu.memory_space<hbm>> -> memref<1x640x128xf32, #tpu.memory_space<hbm>>
      %dma_wait3A_42 = tpu.memref_squeeze %dma_wait3A_41 : memref<1x640x128xf32, #tpu.memory_space<hbm>> -> memref<640x128xf32, #tpu.memory_space<hbm>>
      %dma_wait3A_43 = arith.constant 0 : i32
      %dma_wait3A_44 = tpu.memref_slice %arg13[%mul3A_2, %dma_wait3A_43] : memref<10240x128xf32, #tpu.memory_space<vmem_shared>> -> memref<640x128xf32, #tpu.memory_space<vmem_shared>>
      tpu.wait_dma2 semaphore(%run_scoped3A : memref<!tpu.dma_semaphore, #tpu.memory_space<semaphore_mem>>) src(%dma_wait3A_44 : memref<640x128xf32, #tpu.memory_space<vmem_shared>>) dst(%dma_wait3A_42 : memref<640x128xf32, #tpu.memory_space<hbm>>)
      tpu.yield
    }) : () -> ()
    return
  }
}

#map = affine_map<(d0, d1) -> (0, 0)>
#map1 = affine_map<(d0, d1) -> (0, 0, 0, 0)>
#map2 = affine_map<(d0, d1) -> (0, 0, 0)>
module attributes {stable_mosaic.version = 14 : i64} {
  func.func @k(%arg0: i32, %arg1: i32, %arg2: memref<10240x128xf32, #tpu.memory_space<hbm>>, %arg3: memref<32x5x60x64xi32, #tpu.memory_space<hbm>>, %arg4: memref<32x5x60x64xi32, #tpu.memory_space<hbm>>, %arg5: memref<64x128xf32, #tpu.memory_space<hbm>>, %arg6: memref<2x10240x128xf32, #tpu.memory_space<hbm>>, %arg7: memref<60x64xi32, #tpu.memory_space<vmem>>, %arg8: memref<60x64xi32, #tpu.memory_space<vmem>>, %arg9: memref<64x128xf32, #tpu.memory_space<vmem>>, %arg10: memref<64x128xf32, #tpu.memory_space<vmem>>, %arg11: memref<64x128xf32, #tpu.memory_space<vmem>>, %arg12: memref<64x128xf32, #tpu.memory_space<vmem>>, %arg13: memref<10240x128xf32, #tpu.memory_space<vmem_shared>>, %arg14: memref<!tpu.dma_semaphore, #tpu.memory_space<semaphore_mem>>, %arg15: memref<!tpu.dma_semaphore, #tpu.memory_space<semaphore_mem>>, %arg16: memref<!tpu.dma_semaphore, #tpu.memory_space<semaphore_mem>>, %arg17: memref<!tpu.dma_semaphore, #tpu.memory_space<semaphore_mem>>) attributes {dimension_semantics = [#tpu.dimension_semantics<core_parallel>, #tpu.dimension_semantics<subcore_parallel>], iteration_bounds = array<i64: 2, 16>, scalar_prefetch = 0 : i64, scratch_operands = 11 : i64, tpu.core_type = #tpu.core_type<sc_vector_subcore>, window_params = [{transform_indices = #map}, {transform_indices = #map1}, {transform_indices = #map1}, {transform_indices = #map}, {transform_indices = #map2}]} {
    %mul3A = arith.constant 16 : i32
    %mul3A_0 = arith.muli %arg0, %mul3A : i32
    %add3A = arith.addi %mul3A_0, %arg1 : i32
    %mul3A_1 = arith.constant 640 : i32
    %mul3A_2 = arith.muli %arg1, %mul3A_1 : i32
    "tpu.region"() ({
      %run_scoped3A = tpu.sem_alloc : memref<!tpu.dma_semaphore, #tpu.memory_space<semaphore_mem>>
      tpu.enqueue_dma source(%arg5 : memref<64x128xf32, #tpu.memory_space<hbm>>) target(%arg9 : memref<64x128xf32, #tpu.memory_space<vmem>>) target_semaphore(%run_scoped3A : memref<!tpu.dma_semaphore, #tpu.memory_space<semaphore_mem>>)
      tpu.wait_dma2 semaphore(%run_scoped3A : memref<!tpu.dma_semaphore, #tpu.memory_space<semaphore_mem>>) src(%arg5 : memref<64x128xf32, #tpu.memory_space<hbm>>) dst(%arg9 : memref<64x128xf32, #tpu.memory_space<vmem>>)
      tpu.yield
    }) : () -> ()
    %while3A = arith.constant 0 : i32
    %while3A_3 = arith.constant 0 : i32
    %while3A_4 = arith.constant 10 : i32
    %while3A_5 = arith.subi %while3A_4, %while3A_3 : i32
    %while3A_6 = arith.addi %while3A_3, %while3A_5 : i32
    %while3A_7 = arith.constant 1 : i32
    %while3A_8 = arith.divsi %while3A_5, %while3A_7 : i32
    %while3A_9 = arith.muli %while3A_8, %while3A_7 : i32
    %while3A_10 = arith.addi %while3A_3, %while3A_9 : i32
    %while3A_11 = arith.constant 1 : i32
    scf.for %while3A_37 = %while3A_3 to %while3A_10 step %while3A_11  : i32 {
      %mul3A_38 = arith.constant 64 : i32
      %mul3A_39 = arith.muli %while3A_37, %mul3A_38 : i32
      %add3A_40 = arith.addi %mul3A_2, %mul3A_39 : i32
      "tpu.region"() ({
        %run_scoped3A = tpu.sem_alloc : memref<!tpu.dma_semaphore, #tpu.memory_space<semaphore_mem>>
        %dma_start3A = arith.constant 0 : i32
        %dma_start3A_41 = tpu.memref_slice %arg13[%add3A_40, %dma_start3A] : memref<10240x128xf32, #tpu.memory_space<vmem_shared>> -> memref<64x128xf32, #tpu.memory_space<vmem_shared>>
        %dma_start3A_42 = arith.constant 0 : i32
        %dma_start3A_43 = tpu.memref_slice %arg13[%add3A_40, %dma_start3A_42] : memref<10240x128xf32, #tpu.memory_space<vmem_shared>> -> memref<64x128xf32, #tpu.memory_space<vmem_shared>>
        tpu.enqueue_dma source(%arg9 : memref<64x128xf32, #tpu.memory_space<vmem>>) target(%dma_start3A_43 : memref<64x128xf32, #tpu.memory_space<vmem_shared>>) target_semaphore(%run_scoped3A : memref<!tpu.dma_semaphore, #tpu.memory_space<semaphore_mem>>)
        %dma_wait3A = arith.constant 0 : i32
        %dma_wait3A_44 = tpu.memref_slice %arg13[%add3A_40, %dma_wait3A] : memref<10240x128xf32, #tpu.memory_space<vmem_shared>> -> memref<64x128xf32, #tpu.memory_space<vmem_shared>>
        %dma_wait3A_45 = arith.constant 0 : i32
        %dma_wait3A_46 = tpu.memref_slice %arg13[%add3A_40, %dma_wait3A_45] : memref<10240x128xf32, #tpu.memory_space<vmem_shared>> -> memref<64x128xf32, #tpu.memory_space<vmem_shared>>
        tpu.wait_dma2 semaphore(%run_scoped3A : memref<!tpu.dma_semaphore, #tpu.memory_space<semaphore_mem>>) src(%arg9 : memref<64x128xf32, #tpu.memory_space<vmem>>) dst(%dma_wait3A_46 : memref<64x128xf32, #tpu.memory_space<vmem_shared>>)
        tpu.yield
      }) : () -> ()
    }
    %while3A_12 = arith.constant 1 : i32
    scf.for %while3A_37 = %while3A_10 to %while3A_6 step %while3A_12  : i32 {
      %mul3A_38 = arith.constant 64 : i32
      %mul3A_39 = arith.muli %while3A_37, %mul3A_38 : i32
      %add3A_40 = arith.addi %mul3A_2, %mul3A_39 : i32
      "tpu.region"() ({
        %run_scoped3A = tpu.sem_alloc : memref<!tpu.dma_semaphore, #tpu.memory_space<semaphore_mem>>
        %dma_start3A = arith.constant 0 : i32
        %dma_start3A_41 = tpu.memref_slice %arg13[%add3A_40, %dma_start3A] : memref<10240x128xf32, #tpu.memory_space<vmem_shared>> -> memref<64x128xf32, #tpu.memory_space<vmem_shared>>
        %dma_start3A_42 = arith.constant 0 : i32
        %dma_start3A_43 = tpu.memref_slice %arg13[%add3A_40, %dma_start3A_42] : memref<10240x128xf32, #tpu.memory_space<vmem_shared>> -> memref<64x128xf32, #tpu.memory_space<vmem_shared>>
        tpu.enqueue_dma source(%arg9 : memref<64x128xf32, #tpu.memory_space<vmem>>) target(%dma_start3A_43 : memref<64x128xf32, #tpu.memory_space<vmem_shared>>) target_semaphore(%run_scoped3A : memref<!tpu.dma_semaphore, #tpu.memory_space<semaphore_mem>>)
        %dma_wait3A = arith.constant 0 : i32
        %dma_wait3A_44 = tpu.memref_slice %arg13[%add3A_40, %dma_wait3A] : memref<10240x128xf32, #tpu.memory_space<vmem_shared>> -> memref<64x128xf32, #tpu.memory_space<vmem_shared>>
        %dma_wait3A_45 = arith.constant 0 : i32
        %dma_wait3A_46 = tpu.memref_slice %arg13[%add3A_40, %dma_wait3A_45] : memref<10240x128xf32, #tpu.memory_space<vmem_shared>> -> memref<64x128xf32, #tpu.memory_space<vmem_shared>>
        tpu.wait_dma2 semaphore(%run_scoped3A : memref<!tpu.dma_semaphore, #tpu.memory_space<semaphore_mem>>) src(%arg9 : memref<64x128xf32, #tpu.memory_space<vmem>>) dst(%dma_wait3A_46 : memref<64x128xf32, #tpu.memory_space<vmem_shared>>)
        tpu.yield
      }) : () -> ()
    }
    %barrier3A = arith.constant 0 : index
    tpu.barrier barrier_id(%barrier3A)
    %eq3A = arith.constant 0 : i32
    %eq3A_13 = arith.cmpi eq, %arg0, %eq3A : i32
    %select_n3A = arith.constant 13 : i32
    %select_n3A_14 = arith.constant 60 : i32
    %select_n3A_15 = arith.select %eq3A_13, %select_n3A_14, %select_n3A : i32
    %eq3A_16 = arith.constant 0 : i32
    %eq3A_17 = arith.cmpi eq, %arg0, %eq3A_16 : i32
    %select_n3A_18 = arith.constant 4 : i32
    %select_n3A_19 = arith.constant 15 : i32
    %select_n3A_20 = arith.select %eq3A_17, %select_n3A_19, %select_n3A_18 : i32
    %eq3A_21 = arith.constant 0 : i32
    %eq3A_22 = arith.cmpi eq, %arg0, %eq3A_21 : i32
    %select_n3A_23 = arith.constant 1 : i32
    %select_n3A_24 = arith.constant 5 : i32
    %select_n3A_25 = arith.select %eq3A_22, %select_n3A_24, %select_n3A_23 : i32
    %while3A_26 = arith.constant 0 : i32
    %while3A_27 = arith.constant 0 : i32
    %while3A_28 = arith.subi %select_n3A_25, %while3A_27 : i32
    %while3A_29 = arith.addi %while3A_27, %while3A_28 : i32
    %while3A_30 = arith.constant 1 : i32
    %while3A_31 = arith.divsi %while3A_28, %while3A_30 : i32
    %while3A_32 = arith.muli %while3A_31, %while3A_30 : i32
    %while3A_33 = arith.addi %while3A_27, %while3A_32 : i32
    %while3A_34 = arith.constant 1 : i32
    scf.for %while3A_37 = %while3A_27 to %while3A_33 step %while3A_34  : i32 {
      "tpu.region"() ({
        %run_scoped3A = tpu.sem_alloc : memref<!tpu.dma_semaphore, #tpu.memory_space<semaphore_mem>>
        %dma_start3A_68 = arith.constant 0 : i32
        %dma_start3A_69 = arith.constant 0 : i32
        %dma_start3A_70 = tpu.memref_slice %arg3[%add3A, %while3A_37, %dma_start3A_68, %dma_start3A_69] : memref<32x5x60x64xi32, #tpu.memory_space<hbm>> -> memref<1x1x60x64xi32, #tpu.memory_space<hbm>>
        %dma_start3A_71 = tpu.memref_squeeze %dma_start3A_70 : memref<1x1x60x64xi32, #tpu.memory_space<hbm>> -> memref<60x64xi32, #tpu.memory_space<hbm>>
        %dma_start3A_72 = arith.constant 0 : i32
        %dma_start3A_73 = arith.constant 0 : i32
        %dma_start3A_74 = tpu.memref_slice %arg3[%add3A, %while3A_37, %dma_start3A_72, %dma_start3A_73] : memref<32x5x60x64xi32, #tpu.memory_space<hbm>> -> memref<1x1x60x64xi32, #tpu.memory_space<hbm>>
        %dma_start3A_75 = tpu.memref_squeeze %dma_start3A_74 : memref<1x1x60x64xi32, #tpu.memory_space<hbm>> -> memref<60x64xi32, #tpu.memory_space<hbm>>
        tpu.enqueue_dma source(%dma_start3A_75 : memref<60x64xi32, #tpu.memory_space<hbm>>) target(%arg7 : memref<60x64xi32, #tpu.memory_space<vmem>>) target_semaphore(%run_scoped3A : memref<!tpu.dma_semaphore, #tpu.memory_space<semaphore_mem>>)
        %dma_wait3A = arith.constant 0 : i32
        %dma_wait3A_76 = arith.constant 0 : i32
        %dma_wait3A_77 = tpu.memref_slice %arg3[%add3A, %while3A_37, %dma_wait3A, %dma_wait3A_76] : memref<32x5x60x64xi32, #tpu.memory_space<hbm>> -> memref<1x1x60x64xi32, #tpu.memory_space<hbm>>
        %dma_wait3A_78 = tpu.memref_squeeze %dma_wait3A_77 : memref<1x1x60x64xi32, #tpu.memory_space<hbm>> -> memref<60x64xi32, #tpu.memory_space<hbm>>
        %dma_wait3A_79 = arith.constant 0 : i32
        %dma_wait3A_80 = arith.constant 0 : i32
        %dma_wait3A_81 = tpu.memref_slice %arg3[%add3A, %while3A_37, %dma_wait3A_79, %dma_wait3A_80] : memref<32x5x60x64xi32, #tpu.memory_space<hbm>> -> memref<1x1x60x64xi32, #tpu.memory_space<hbm>>
        %dma_wait3A_82 = tpu.memref_squeeze %dma_wait3A_81 : memref<1x1x60x64xi32, #tpu.memory_space<hbm>> -> memref<60x64xi32, #tpu.memory_space<hbm>>
        tpu.wait_dma2 semaphore(%run_scoped3A : memref<!tpu.dma_semaphore, #tpu.memory_space<semaphore_mem>>) src(%dma_wait3A_82 : memref<60x64xi32, #tpu.memory_space<hbm>>) dst(%arg7 : memref<60x64xi32, #tpu.memory_space<vmem>>)
        tpu.yield
      }) : () -> ()
      "tpu.region"() ({
        %run_scoped3A = tpu.sem_alloc : memref<!tpu.dma_semaphore, #tpu.memory_space<semaphore_mem>>
        %dma_start3A_68 = arith.constant 0 : i32
        %dma_start3A_69 = arith.constant 0 : i32
        %dma_start3A_70 = tpu.memref_slice %arg4[%add3A, %while3A_37, %dma_start3A_68, %dma_start3A_69] : memref<32x5x60x64xi32, #tpu.memory_space<hbm>> -> memref<1x1x60x64xi32, #tpu.memory_space<hbm>>
        %dma_start3A_71 = tpu.memref_squeeze %dma_start3A_70 : memref<1x1x60x64xi32, #tpu.memory_space<hbm>> -> memref<60x64xi32, #tpu.memory_space<hbm>>
        %dma_start3A_72 = arith.constant 0 : i32
        %dma_start3A_73 = arith.constant 0 : i32
        %dma_start3A_74 = tpu.memref_slice %arg4[%add3A, %while3A_37, %dma_start3A_72, %dma_start3A_73] : memref<32x5x60x64xi32, #tpu.memory_space<hbm>> -> memref<1x1x60x64xi32, #tpu.memory_space<hbm>>
        %dma_start3A_75 = tpu.memref_squeeze %dma_start3A_74 : memref<1x1x60x64xi32, #tpu.memory_space<hbm>> -> memref<60x64xi32, #tpu.memory_space<hbm>>
        tpu.enqueue_dma source(%dma_start3A_75 : memref<60x64xi32, #tpu.memory_space<hbm>>) target(%arg8 : memref<60x64xi32, #tpu.memory_space<vmem>>) target_semaphore(%run_scoped3A : memref<!tpu.dma_semaphore, #tpu.memory_space<semaphore_mem>>)
        %dma_wait3A = arith.constant 0 : i32
        %dma_wait3A_76 = arith.constant 0 : i32
        %dma_wait3A_77 = tpu.memref_slice %arg4[%add3A, %while3A_37, %dma_wait3A, %dma_wait3A_76] : memref<32x5x60x64xi32, #tpu.memory_space<hbm>> -> memref<1x1x60x64xi32, #tpu.memory_space<hbm>>
        %dma_wait3A_78 = tpu.memref_squeeze %dma_wait3A_77 : memref<1x1x60x64xi32, #tpu.memory_space<hbm>> -> memref<60x64xi32, #tpu.memory_space<hbm>>
        %dma_wait3A_79 = arith.constant 0 : i32
        %dma_wait3A_80 = arith.constant 0 : i32
        %dma_wait3A_81 = tpu.memref_slice %arg4[%add3A, %while3A_37, %dma_wait3A_79, %dma_wait3A_80] : memref<32x5x60x64xi32, #tpu.memory_space<hbm>> -> memref<1x1x60x64xi32, #tpu.memory_space<hbm>>
        %dma_wait3A_82 = tpu.memref_squeeze %dma_wait3A_81 : memref<1x1x60x64xi32, #tpu.memory_space<hbm>> -> memref<60x64xi32, #tpu.memory_space<hbm>>
        tpu.wait_dma2 semaphore(%run_scoped3A : memref<!tpu.dma_semaphore, #tpu.memory_space<semaphore_mem>>) src(%dma_wait3A_82 : memref<60x64xi32, #tpu.memory_space<hbm>>) dst(%arg8 : memref<60x64xi32, #tpu.memory_space<vmem>>)
        tpu.yield
      }) : () -> ()
      %dma_start3A = arith.constant 0 : i32
      %dma_start3A_38 = arith.constant 0 : i32
      %dma_start3A_39 = tpu.memref_slice %arg7[%dma_start3A, %dma_start3A_38] : memref<60x64xi32, #tpu.memory_space<vmem>> -> memref<1x64xi32, #tpu.memory_space<vmem>>
      %dma_start3A_40 = tpu.memref_squeeze %dma_start3A_39 : memref<1x64xi32, #tpu.memory_space<vmem>> -> memref<64xi32, #tpu.memory_space<vmem>>
      %dma_start3A_41 = arith.constant 0 : i32
      %dma_start3A_42 = arith.constant 0 : i32
      %dma_start3A_43 = tpu.memref_slice %arg2[%dma_start3A_41, %dma_start3A_42] : memref<10240x128xf32, #tpu.memory_space<hbm>> -> memref<10240x128xf32, #tpu.memory_space<hbm>>
      tpu.enqueue_indirect_dma source(%dma_start3A_43 : memref<10240x128xf32, #tpu.memory_space<hbm>>) target(%arg9 : memref<64x128xf32, #tpu.memory_space<vmem>>) offsets(%dma_start3A_40 : memref<64xi32, #tpu.memory_space<vmem>>) semaphore(%arg14 : memref<!tpu.dma_semaphore, #tpu.memory_space<semaphore_mem>>)
      %dma_start3A_44 = arith.constant 1 : i32
      %dma_start3A_45 = arith.constant 0 : i32
      %dma_start3A_46 = tpu.memref_slice %arg7[%dma_start3A_44, %dma_start3A_45] : memref<60x64xi32, #tpu.memory_space<vmem>> -> memref<1x64xi32, #tpu.memory_space<vmem>>
      %dma_start3A_47 = tpu.memref_squeeze %dma_start3A_46 : memref<1x64xi32, #tpu.memory_space<vmem>> -> memref<64xi32, #tpu.memory_space<vmem>>
      %dma_start3A_48 = arith.constant 0 : i32
      %dma_start3A_49 = arith.constant 0 : i32
      %dma_start3A_50 = tpu.memref_slice %arg2[%dma_start3A_48, %dma_start3A_49] : memref<10240x128xf32, #tpu.memory_space<hbm>> -> memref<10240x128xf32, #tpu.memory_space<hbm>>
      tpu.enqueue_indirect_dma source(%dma_start3A_50 : memref<10240x128xf32, #tpu.memory_space<hbm>>) target(%arg10 : memref<64x128xf32, #tpu.memory_space<vmem>>) offsets(%dma_start3A_47 : memref<64xi32, #tpu.memory_space<vmem>>) semaphore(%arg15 : memref<!tpu.dma_semaphore, #tpu.memory_space<semaphore_mem>>)
      %dma_start3A_51 = arith.constant 2 : i32
      %dma_start3A_52 = arith.constant 0 : i32
      %dma_start3A_53 = tpu.memref_slice %arg7[%dma_start3A_51, %dma_start3A_52] : memref<60x64xi32, #tpu.memory_space<vmem>> -> memref<1x64xi32, #tpu.memory_space<vmem>>
      %dma_start3A_54 = tpu.memref_squeeze %dma_start3A_53 : memref<1x64xi32, #tpu.memory_space<vmem>> -> memref<64xi32, #tpu.memory_space<vmem>>
      %dma_start3A_55 = arith.constant 0 : i32
      %dma_start3A_56 = arith.constant 0 : i32
      %dma_start3A_57 = tpu.memref_slice %arg2[%dma_start3A_55, %dma_start3A_56] : memref<10240x128xf32, #tpu.memory_space<hbm>> -> memref<10240x128xf32, #tpu.memory_space<hbm>>
      tpu.enqueue_indirect_dma source(%dma_start3A_57 : memref<10240x128xf32, #tpu.memory_space<hbm>>) target(%arg11 : memref<64x128xf32, #tpu.memory_space<vmem>>) offsets(%dma_start3A_54 : memref<64xi32, #tpu.memory_space<vmem>>) semaphore(%arg16 : memref<!tpu.dma_semaphore, #tpu.memory_space<semaphore_mem>>)
      %while3A_58 = arith.constant 0 : i32
      %while3A_59 = arith.constant 0 : i32
      %while3A_60 = arith.subi %select_n3A_20, %while3A_59 : i32
      %while3A_61 = arith.addi %while3A_59, %while3A_60 : i32
      %while3A_62 = arith.constant 1 : i32
      %while3A_63 = arith.divsi %while3A_60, %while3A_62 : i32
      %while3A_64 = arith.muli %while3A_63, %while3A_62 : i32
      %while3A_65 = arith.addi %while3A_59, %while3A_64 : i32
      %while3A_66 = arith.constant 1 : i32
      scf.for %while3A_68 = %while3A_59 to %while3A_65 step %while3A_66  : i32 {
        %mul3A_69 = arith.constant 4 : i32
        %mul3A_70 = arith.muli %while3A_68, %mul3A_69 : i32
        %add3A_71 = arith.constant 0 : i32
        %add3A_72 = arith.addi %mul3A_70, %add3A_71 : i32
        %add3A_73 = arith.constant 3 : i32
        %add3A_74 = arith.addi %add3A_72, %add3A_73 : i32
        %lt3A = arith.cmpi slt, %add3A_74, %select_n3A_15 : i32
        %convert_element_type3A = arith.extui %lt3A : i1 to i32
        %cond3A = arith.constant 0 : i32
        %cond3A_75 = arith.cmpi ne, %convert_element_type3A, %cond3A : i32
        scf.if %cond3A_75 {
          %dma_start3A_116 = arith.constant 0 : i32
          %dma_start3A_117 = tpu.memref_slice %arg7[%add3A_74, %dma_start3A_116] : memref<60x64xi32, #tpu.memory_space<vmem>> -> memref<1x64xi32, #tpu.memory_space<vmem>>
          %dma_start3A_118 = tpu.memref_squeeze %dma_start3A_117 : memref<1x64xi32, #tpu.memory_space<vmem>> -> memref<64xi32, #tpu.memory_space<vmem>>
          %dma_start3A_119 = arith.constant 0 : i32
          %dma_start3A_120 = arith.constant 0 : i32
          %dma_start3A_121 = tpu.memref_slice %arg2[%dma_start3A_119, %dma_start3A_120] : memref<10240x128xf32, #tpu.memory_space<hbm>> -> memref<10240x128xf32, #tpu.memory_space<hbm>>
          tpu.enqueue_indirect_dma source(%dma_start3A_121 : memref<10240x128xf32, #tpu.memory_space<hbm>>) target(%arg12 : memref<64x128xf32, #tpu.memory_space<vmem>>) offsets(%dma_start3A_118 : memref<64xi32, #tpu.memory_space<vmem>>) semaphore(%arg17 : memref<!tpu.dma_semaphore, #tpu.memory_space<semaphore_mem>>)
        } else {
        }
        %lt3A_76 = arith.cmpi slt, %add3A_72, %select_n3A_15 : i32
        %convert_element_type3A_77 = arith.extui %lt3A_76 : i1 to i32
        %cond3A_78 = arith.constant 0 : i32
        %cond3A_79 = arith.cmpi ne, %convert_element_type3A_77, %cond3A_78 : i32
        scf.if %cond3A_79 {
          %dma_wait3A = arith.constant 0 : i32
          %dma_wait3A_116 = arith.constant 0 : i32
          %dma_wait3A_117 = tpu.memref_slice %arg7[%dma_wait3A, %dma_wait3A_116] : memref<60x64xi32, #tpu.memory_space<vmem>> -> memref<1x64xi32, #tpu.memory_space<vmem>>
          %dma_wait3A_118 = tpu.memref_squeeze %dma_wait3A_117 : memref<1x64xi32, #tpu.memory_space<vmem>> -> memref<64xi32, #tpu.memory_space<vmem>>
          %dma_wait3A_119 = arith.constant 0 : i32
          %dma_wait3A_120 = arith.constant 0 : i32
          %dma_wait3A_121 = tpu.memref_slice %arg2[%dma_wait3A_119, %dma_wait3A_120] : memref<10240x128xf32, #tpu.memory_space<hbm>> -> memref<10240x128xf32, #tpu.memory_space<hbm>>
          tpu.wait_indirect_dma semaphore(%arg14 : memref<!tpu.dma_semaphore, #tpu.memory_space<semaphore_mem>>) src(%dma_wait3A_121 : memref<10240x128xf32, #tpu.memory_space<hbm>>) dst(%arg9 : memref<64x128xf32, #tpu.memory_space<vmem>>)
          "tpu.region"() ({
            %run_scoped3A = tpu.sem_alloc : memref<!tpu.dma_semaphore, #tpu.memory_space<semaphore_mem>>
            %dma_start3A_122 = arith.constant 0 : i32
            %dma_start3A_123 = tpu.memref_slice %arg8[%add3A_72, %dma_start3A_122] : memref<60x64xi32, #tpu.memory_space<vmem>> -> memref<1x64xi32, #tpu.memory_space<vmem>>
            %dma_start3A_124 = tpu.memref_squeeze %dma_start3A_123 : memref<1x64xi32, #tpu.memory_space<vmem>> -> memref<64xi32, #tpu.memory_space<vmem>>
            %dma_start3A_125 = arith.constant 0 : i32
            %dma_start3A_126 = arith.constant 0 : i32
            %dma_start3A_127 = tpu.memref_slice %arg13[%dma_start3A_125, %dma_start3A_126] : memref<10240x128xf32, #tpu.memory_space<vmem_shared>> -> memref<10240x128xf32, #tpu.memory_space<vmem_shared>>
            tpu.enqueue_indirect_dma source(%arg9 : memref<64x128xf32, #tpu.memory_space<vmem>>) target(%dma_start3A_127 : memref<10240x128xf32, #tpu.memory_space<vmem_shared>>) offsets(%dma_start3A_124 : memref<64xi32, #tpu.memory_space<vmem>>) semaphore(%run_scoped3A : memref<!tpu.dma_semaphore, #tpu.memory_space<semaphore_mem>>) {add = true}
            %dma_wait3A_128 = arith.constant 0 : i32
            %dma_wait3A_129 = tpu.memref_slice %arg8[%add3A_72, %dma_wait3A_128] : memref<60x64xi32, #tpu.memory_space<vmem>> -> memref<1x64xi32, #tpu.memory_space<vmem>>
            %dma_wait3A_130 = tpu.memref_squeeze %dma_wait3A_129 : memref<1x64xi32, #tpu.memory_space<vmem>> -> memref<64xi32, #tpu.memory_space<vmem>>
            %dma_wait3A_131 = arith.constant 0 : i32
            %dma_wait3A_132 = arith.constant 0 : i32
            %dma_wait3A_133 = tpu.memref_slice %arg13[%dma_wait3A_131, %dma_wait3A_132] : memref<10240x128xf32, #tpu.memory_space<vmem_shared>> -> memref<10240x128xf32, #tpu.memory_space<vmem_shared>>
            tpu.wait_indirect_dma semaphore(%run_scoped3A : memref<!tpu.dma_semaphore, #tpu.memory_space<semaphore_mem>>) src(%arg9 : memref<64x128xf32, #tpu.memory_space<vmem>>) dst(%dma_wait3A_133 : memref<10240x128xf32, #tpu.memory_space<vmem_shared>>)
            tpu.yield
          }) : () -> ()
        } else {
        }
        %add3A_80 = arith.constant 1 : i32
        %add3A_81 = arith.addi %mul3A_70, %add3A_80 : i32
        %add3A_82 = arith.constant 3 : i32
        %add3A_83 = arith.addi %add3A_81, %add3A_82 : i32
        %lt3A_84 = arith.cmpi slt, %add3A_83, %select_n3A_15 : i32
        %convert_element_type3A_85 = arith.extui %lt3A_84 : i1 to i32
        %cond3A_86 = arith.constant 0 : i32
        %cond3A_87 = arith.cmpi ne, %convert_element_type3A_85, %cond3A_86 : i32
        scf.if %cond3A_87 {
          %dma_start3A_116 = arith.constant 0 : i32
          %dma_start3A_117 = tpu.memref_slice %arg7[%add3A_83, %dma_start3A_116] : memref<60x64xi32, #tpu.memory_space<vmem>> -> memref<1x64xi32, #tpu.memory_space<vmem>>
          %dma_start3A_118 = tpu.memref_squeeze %dma_start3A_117 : memref<1x64xi32, #tpu.memory_space<vmem>> -> memref<64xi32, #tpu.memory_space<vmem>>
          %dma_start3A_119 = arith.constant 0 : i32
          %dma_start3A_120 = arith.constant 0 : i32
          %dma_start3A_121 = tpu.memref_slice %arg2[%dma_start3A_119, %dma_start3A_120] : memref<10240x128xf32, #tpu.memory_space<hbm>> -> memref<10240x128xf32, #tpu.memory_space<hbm>>
          tpu.enqueue_indirect_dma source(%dma_start3A_121 : memref<10240x128xf32, #tpu.memory_space<hbm>>) target(%arg9 : memref<64x128xf32, #tpu.memory_space<vmem>>) offsets(%dma_start3A_118 : memref<64xi32, #tpu.memory_space<vmem>>) semaphore(%arg14 : memref<!tpu.dma_semaphore, #tpu.memory_space<semaphore_mem>>)
        } else {
        }
        %lt3A_88 = arith.cmpi slt, %add3A_81, %select_n3A_15 : i32
        %convert_element_type3A_89 = arith.extui %lt3A_88 : i1 to i32
        %cond3A_90 = arith.constant 0 : i32
        %cond3A_91 = arith.cmpi ne, %convert_element_type3A_89, %cond3A_90 : i32
        scf.if %cond3A_91 {
          %dma_wait3A = arith.constant 0 : i32
          %dma_wait3A_116 = arith.constant 0 : i32
          %dma_wait3A_117 = tpu.memref_slice %arg7[%dma_wait3A, %dma_wait3A_116] : memref<60x64xi32, #tpu.memory_space<vmem>> -> memref<1x64xi32, #tpu.memory_space<vmem>>
          %dma_wait3A_118 = tpu.memref_squeeze %dma_wait3A_117 : memref<1x64xi32, #tpu.memory_space<vmem>> -> memref<64xi32, #tpu.memory_space<vmem>>
          %dma_wait3A_119 = arith.constant 0 : i32
          %dma_wait3A_120 = arith.constant 0 : i32
          %dma_wait3A_121 = tpu.memref_slice %arg2[%dma_wait3A_119, %dma_wait3A_120] : memref<10240x128xf32, #tpu.memory_space<hbm>> -> memref<10240x128xf32, #tpu.memory_space<hbm>>
          tpu.wait_indirect_dma semaphore(%arg15 : memref<!tpu.dma_semaphore, #tpu.memory_space<semaphore_mem>>) src(%dma_wait3A_121 : memref<10240x128xf32, #tpu.memory_space<hbm>>) dst(%arg10 : memref<64x128xf32, #tpu.memory_space<vmem>>)
          "tpu.region"() ({
            %run_scoped3A = tpu.sem_alloc : memref<!tpu.dma_semaphore, #tpu.memory_space<semaphore_mem>>
            %dma_start3A_122 = arith.constant 0 : i32
            %dma_start3A_123 = tpu.memref_slice %arg8[%add3A_81, %dma_start3A_122] : memref<60x64xi32, #tpu.memory_space<vmem>> -> memref<1x64xi32, #tpu.memory_space<vmem>>
            %dma_start3A_124 = tpu.memref_squeeze %dma_start3A_123 : memref<1x64xi32, #tpu.memory_space<vmem>> -> memref<64xi32, #tpu.memory_space<vmem>>
            %dma_start3A_125 = arith.constant 0 : i32
            %dma_start3A_126 = arith.constant 0 : i32
            %dma_start3A_127 = tpu.memref_slice %arg13[%dma_start3A_125, %dma_start3A_126] : memref<10240x128xf32, #tpu.memory_space<vmem_shared>> -> memref<10240x128xf32, #tpu.memory_space<vmem_shared>>
            tpu.enqueue_indirect_dma source(%arg10 : memref<64x128xf32, #tpu.memory_space<vmem>>) target(%dma_start3A_127 : memref<10240x128xf32, #tpu.memory_space<vmem_shared>>) offsets(%dma_start3A_124 : memref<64xi32, #tpu.memory_space<vmem>>) semaphore(%run_scoped3A : memref<!tpu.dma_semaphore, #tpu.memory_space<semaphore_mem>>) {add = true}
            %dma_wait3A_128 = arith.constant 0 : i32
            %dma_wait3A_129 = tpu.memref_slice %arg8[%add3A_81, %dma_wait3A_128] : memref<60x64xi32, #tpu.memory_space<vmem>> -> memref<1x64xi32, #tpu.memory_space<vmem>>
            %dma_wait3A_130 = tpu.memref_squeeze %dma_wait3A_129 : memref<1x64xi32, #tpu.memory_space<vmem>> -> memref<64xi32, #tpu.memory_space<vmem>>
            %dma_wait3A_131 = arith.constant 0 : i32
            %dma_wait3A_132 = arith.constant 0 : i32
            %dma_wait3A_133 = tpu.memref_slice %arg13[%dma_wait3A_131, %dma_wait3A_132] : memref<10240x128xf32, #tpu.memory_space<vmem_shared>> -> memref<10240x128xf32, #tpu.memory_space<vmem_shared>>
            tpu.wait_indirect_dma semaphore(%run_scoped3A : memref<!tpu.dma_semaphore, #tpu.memory_space<semaphore_mem>>) src(%arg10 : memref<64x128xf32, #tpu.memory_space<vmem>>) dst(%dma_wait3A_133 : memref<10240x128xf32, #tpu.memory_space<vmem_shared>>)
            tpu.yield
          }) : () -> ()
        } else {
        }
        %add3A_92 = arith.constant 2 : i32
        %add3A_93 = arith.addi %mul3A_70, %add3A_92 : i32
        %add3A_94 = arith.constant 3 : i32
        %add3A_95 = arith.addi %add3A_93, %add3A_94 : i32
        %lt3A_96 = arith.cmpi slt, %add3A_95, %select_n3A_15 : i32
        %convert_element_type3A_97 = arith.extui %lt3A_96 : i1 to i32
        %cond3A_98 = arith.constant 0 : i32
        %cond3A_99 = arith.cmpi ne, %convert_element_type3A_97, %cond3A_98 : i32
        scf.if %cond3A_99 {
          %dma_start3A_116 = arith.constant 0 : i32
          %dma_start3A_117 = tpu.memref_slice %arg7[%add3A_95, %dma_start3A_116] : memref<60x64xi32, #tpu.memory_space<vmem>> -> memref<1x64xi32, #tpu.memory_space<vmem>>
          %dma_start3A_118 = tpu.memref_squeeze %dma_start3A_117 : memref<1x64xi32, #tpu.memory_space<vmem>> -> memref<64xi32, #tpu.memory_space<vmem>>
          %dma_start3A_119 = arith.constant 0 : i32
          %dma_start3A_120 = arith.constant 0 : i32
          %dma_start3A_121 = tpu.memref_slice %arg2[%dma_start3A_119, %dma_start3A_120] : memref<10240x128xf32, #tpu.memory_space<hbm>> -> memref<10240x128xf32, #tpu.memory_space<hbm>>
          tpu.enqueue_indirect_dma source(%dma_start3A_121 : memref<10240x128xf32, #tpu.memory_space<hbm>>) target(%arg10 : memref<64x128xf32, #tpu.memory_space<vmem>>) offsets(%dma_start3A_118 : memref<64xi32, #tpu.memory_space<vmem>>) semaphore(%arg15 : memref<!tpu.dma_semaphore, #tpu.memory_space<semaphore_mem>>)
        } else {
        }
        %lt3A_100 = arith.cmpi slt, %add3A_93, %select_n3A_15 : i32
        %convert_element_type3A_101 = arith.extui %lt3A_100 : i1 to i32
        %cond3A_102 = arith.constant 0 : i32
        %cond3A_103 = arith.cmpi ne, %convert_element_type3A_101, %cond3A_102 : i32
        scf.if %cond3A_103 {
          %dma_wait3A = arith.constant 0 : i32
          %dma_wait3A_116 = arith.constant 0 : i32
          %dma_wait3A_117 = tpu.memref_slice %arg7[%dma_wait3A, %dma_wait3A_116] : memref<60x64xi32, #tpu.memory_space<vmem>> -> memref<1x64xi32, #tpu.memory_space<vmem>>
          %dma_wait3A_118 = tpu.memref_squeeze %dma_wait3A_117 : memref<1x64xi32, #tpu.memory_space<vmem>> -> memref<64xi32, #tpu.memory_space<vmem>>
          %dma_wait3A_119 = arith.constant 0 : i32
          %dma_wait3A_120 = arith.constant 0 : i32
          %dma_wait3A_121 = tpu.memref_slice %arg2[%dma_wait3A_119, %dma_wait3A_120] : memref<10240x128xf32, #tpu.memory_space<hbm>> -> memref<10240x128xf32, #tpu.memory_space<hbm>>
          tpu.wait_indirect_dma semaphore(%arg16 : memref<!tpu.dma_semaphore, #tpu.memory_space<semaphore_mem>>) src(%dma_wait3A_121 : memref<10240x128xf32, #tpu.memory_space<hbm>>) dst(%arg11 : memref<64x128xf32, #tpu.memory_space<vmem>>)
          "tpu.region"() ({
            %run_scoped3A = tpu.sem_alloc : memref<!tpu.dma_semaphore, #tpu.memory_space<semaphore_mem>>
            %dma_start3A_122 = arith.constant 0 : i32
            %dma_start3A_123 = tpu.memref_slice %arg8[%add3A_93, %dma_start3A_122] : memref<60x64xi32, #tpu.memory_space<vmem>> -> memref<1x64xi32, #tpu.memory_space<vmem>>
            %dma_start3A_124 = tpu.memref_squeeze %dma_start3A_123 : memref<1x64xi32, #tpu.memory_space<vmem>> -> memref<64xi32, #tpu.memory_space<vmem>>
            %dma_start3A_125 = arith.constant 0 : i32
            %dma_start3A_126 = arith.constant 0 : i32
            %dma_start3A_127 = tpu.memref_slice %arg13[%dma_start3A_125, %dma_start3A_126] : memref<10240x128xf32, #tpu.memory_space<vmem_shared>> -> memref<10240x128xf32, #tpu.memory_space<vmem_shared>>
            tpu.enqueue_indirect_dma source(%arg11 : memref<64x128xf32, #tpu.memory_space<vmem>>) target(%dma_start3A_127 : memref<10240x128xf32, #tpu.memory_space<vmem_shared>>) offsets(%dma_start3A_124 : memref<64xi32, #tpu.memory_space<vmem>>) semaphore(%run_scoped3A : memref<!tpu.dma_semaphore, #tpu.memory_space<semaphore_mem>>) {add = true}
            %dma_wait3A_128 = arith.constant 0 : i32
            %dma_wait3A_129 = tpu.memref_slice %arg8[%add3A_93, %dma_wait3A_128] : memref<60x64xi32, #tpu.memory_space<vmem>> -> memref<1x64xi32, #tpu.memory_space<vmem>>
            %dma_wait3A_130 = tpu.memref_squeeze %dma_wait3A_129 : memref<1x64xi32, #tpu.memory_space<vmem>> -> memref<64xi32, #tpu.memory_space<vmem>>
            %dma_wait3A_131 = arith.constant 0 : i32
            %dma_wait3A_132 = arith.constant 0 : i32
            %dma_wait3A_133 = tpu.memref_slice %arg13[%dma_wait3A_131, %dma_wait3A_132] : memref<10240x128xf32, #tpu.memory_space<vmem_shared>> -> memref<10240x128xf32, #tpu.memory_space<vmem_shared>>
            tpu.wait_indirect_dma semaphore(%run_scoped3A : memref<!tpu.dma_semaphore, #tpu.memory_space<semaphore_mem>>) src(%arg11 : memref<64x128xf32, #tpu.memory_space<vmem>>) dst(%dma_wait3A_133 : memref<10240x128xf32, #tpu.memory_space<vmem_shared>>)
            tpu.yield
          }) : () -> ()
        } else {
        }
        %add3A_104 = arith.constant 3 : i32
        %add3A_105 = arith.addi %mul3A_70, %add3A_104 : i32
        %add3A_106 = arith.constant 3 : i32
        %add3A_107 = arith.addi %add3A_105, %add3A_106 : i32
        %lt3A_108 = arith.cmpi slt, %add3A_107, %select_n3A_15 : i32
        %convert_element_type3A_109 = arith.extui %lt3A_108 : i1 to i32
        %cond3A_110 = arith.constant 0 : i32
        %cond3A_111 = arith.cmpi ne, %convert_element_type3A_109, %cond3A_110 : i32
        scf.if %cond3A_111 {
          %dma_start3A_116 = arith.constant 0 : i32
          %dma_start3A_117 = tpu.memref_slice %arg7[%add3A_107, %dma_start3A_116] : memref<60x64xi32, #tpu.memory_space<vmem>> -> memref<1x64xi32, #tpu.memory_space<vmem>>
          %dma_start3A_118 = tpu.memref_squeeze %dma_start3A_117 : memref<1x64xi32, #tpu.memory_space<vmem>> -> memref<64xi32, #tpu.memory_space<vmem>>
          %dma_start3A_119 = arith.constant 0 : i32
          %dma_start3A_120 = arith.constant 0 : i32
          %dma_start3A_121 = tpu.memref_slice %arg2[%dma_start3A_119, %dma_start3A_120] : memref<10240x128xf32, #tpu.memory_space<hbm>> -> memref<10240x128xf32, #tpu.memory_space<hbm>>
          tpu.enqueue_indirect_dma source(%dma_start3A_121 : memref<10240x128xf32, #tpu.memory_space<hbm>>) target(%arg11 : memref<64x128xf32, #tpu.memory_space<vmem>>) offsets(%dma_start3A_118 : memref<64xi32, #tpu.memory_space<vmem>>) semaphore(%arg16 : memref<!tpu.dma_semaphore, #tpu.memory_space<semaphore_mem>>)
        } else {
        }
        %lt3A_112 = arith.cmpi slt, %add3A_105, %select_n3A_15 : i32
        %convert_element_type3A_113 = arith.extui %lt3A_112 : i1 to i32
        %cond3A_114 = arith.constant 0 : i32
        %cond3A_115 = arith.cmpi ne, %convert_element_type3A_113, %cond3A_114 : i32
        scf.if %cond3A_115 {
          %dma_wait3A = arith.constant 0 : i32
          %dma_wait3A_116 = arith.constant 0 : i32
          %dma_wait3A_117 = tpu.memref_slice %arg7[%dma_wait3A, %dma_wait3A_116] : memref<60x64xi32, #tpu.memory_space<vmem>> -> memref<1x64xi32, #tpu.memory_space<vmem>>
          %dma_wait3A_118 = tpu.memref_squeeze %dma_wait3A_117 : memref<1x64xi32, #tpu.memory_space<vmem>> -> memref<64xi32, #tpu.memory_space<vmem>>
          %dma_wait3A_119 = arith.constant 0 : i32
          %dma_wait3A_120 = arith.constant 0 : i32
          %dma_wait3A_121 = tpu.memref_slice %arg2[%dma_wait3A_119, %dma_wait3A_120] : memref<10240x128xf32, #tpu.memory_space<hbm>> -> memref<10240x128xf32, #tpu.memory_space<hbm>>
          tpu.wait_indirect_dma semaphore(%arg17 : memref<!tpu.dma_semaphore, #tpu.memory_space<semaphore_mem>>) src(%dma_wait3A_121 : memref<10240x128xf32, #tpu.memory_space<hbm>>) dst(%arg12 : memref<64x128xf32, #tpu.memory_space<vmem>>)
          "tpu.region"() ({
            %run_scoped3A = tpu.sem_alloc : memref<!tpu.dma_semaphore, #tpu.memory_space<semaphore_mem>>
            %dma_start3A_122 = arith.constant 0 : i32
            %dma_start3A_123 = tpu.memref_slice %arg8[%add3A_105, %dma_start3A_122] : memref<60x64xi32, #tpu.memory_space<vmem>> -> memref<1x64xi32, #tpu.memory_space<vmem>>
            %dma_start3A_124 = tpu.memref_squeeze %dma_start3A_123 : memref<1x64xi32, #tpu.memory_space<vmem>> -> memref<64xi32, #tpu.memory_space<vmem>>
            %dma_start3A_125 = arith.constant 0 : i32
            %dma_start3A_126 = arith.constant 0 : i32
            %dma_start3A_127 = tpu.memref_slice %arg13[%dma_start3A_125, %dma_start3A_126] : memref<10240x128xf32, #tpu.memory_space<vmem_shared>> -> memref<10240x128xf32, #tpu.memory_space<vmem_shared>>
            tpu.enqueue_indirect_dma source(%arg12 : memref<64x128xf32, #tpu.memory_space<vmem>>) target(%dma_start3A_127 : memref<10240x128xf32, #tpu.memory_space<vmem_shared>>) offsets(%dma_start3A_124 : memref<64xi32, #tpu.memory_space<vmem>>) semaphore(%run_scoped3A : memref<!tpu.dma_semaphore, #tpu.memory_space<semaphore_mem>>) {add = true}
            %dma_wait3A_128 = arith.constant 0 : i32
            %dma_wait3A_129 = tpu.memref_slice %arg8[%add3A_105, %dma_wait3A_128] : memref<60x64xi32, #tpu.memory_space<vmem>> -> memref<1x64xi32, #tpu.memory_space<vmem>>
            %dma_wait3A_130 = tpu.memref_squeeze %dma_wait3A_129 : memref<1x64xi32, #tpu.memory_space<vmem>> -> memref<64xi32, #tpu.memory_space<vmem>>
            %dma_wait3A_131 = arith.constant 0 : i32
            %dma_wait3A_132 = arith.constant 0 : i32
            %dma_wait3A_133 = tpu.memref_slice %arg13[%dma_wait3A_131, %dma_wait3A_132] : memref<10240x128xf32, #tpu.memory_space<vmem_shared>> -> memref<10240x128xf32, #tpu.memory_space<vmem_shared>>
            tpu.wait_indirect_dma semaphore(%run_scoped3A : memref<!tpu.dma_semaphore, #tpu.memory_space<semaphore_mem>>) src(%arg12 : memref<64x128xf32, #tpu.memory_space<vmem>>) dst(%dma_wait3A_133 : memref<10240x128xf32, #tpu.memory_space<vmem_shared>>)
            tpu.yield
          }) : () -> ()
        } else {
        }
      }
      %while3A_67 = arith.constant 1 : i32
      scf.for %while3A_68 = %while3A_65 to %while3A_61 step %while3A_67  : i32 {
        %mul3A_69 = arith.constant 4 : i32
        %mul3A_70 = arith.muli %while3A_68, %mul3A_69 : i32
        %add3A_71 = arith.constant 0 : i32
        %add3A_72 = arith.addi %mul3A_70, %add3A_71 : i32
        %add3A_73 = arith.constant 3 : i32
        %add3A_74 = arith.addi %add3A_72, %add3A_73 : i32
        %lt3A = arith.cmpi slt, %add3A_74, %select_n3A_15 : i32
        %convert_element_type3A = arith.extui %lt3A : i1 to i32
        %cond3A = arith.constant 0 : i32
        %cond3A_75 = arith.cmpi ne, %convert_element_type3A, %cond3A : i32
        scf.if %cond3A_75 {
          %dma_start3A_116 = arith.constant 0 : i32
          %dma_start3A_117 = tpu.memref_slice %arg7[%add3A_74, %dma_start3A_116] : memref<60x64xi32, #tpu.memory_space<vmem>> -> memref<1x64xi32, #tpu.memory_space<vmem>>
          %dma_start3A_118 = tpu.memref_squeeze %dma_start3A_117 : memref<1x64xi32, #tpu.memory_space<vmem>> -> memref<64xi32, #tpu.memory_space<vmem>>
          %dma_start3A_119 = arith.constant 0 : i32
          %dma_start3A_120 = arith.constant 0 : i32
          %dma_start3A_121 = tpu.memref_slice %arg2[%dma_start3A_119, %dma_start3A_120] : memref<10240x128xf32, #tpu.memory_space<hbm>> -> memref<10240x128xf32, #tpu.memory_space<hbm>>
          tpu.enqueue_indirect_dma source(%dma_start3A_121 : memref<10240x128xf32, #tpu.memory_space<hbm>>) target(%arg12 : memref<64x128xf32, #tpu.memory_space<vmem>>) offsets(%dma_start3A_118 : memref<64xi32, #tpu.memory_space<vmem>>) semaphore(%arg17 : memref<!tpu.dma_semaphore, #tpu.memory_space<semaphore_mem>>)
        } else {
        }
        %lt3A_76 = arith.cmpi slt, %add3A_72, %select_n3A_15 : i32
        %convert_element_type3A_77 = arith.extui %lt3A_76 : i1 to i32
        %cond3A_78 = arith.constant 0 : i32
        %cond3A_79 = arith.cmpi ne, %convert_element_type3A_77, %cond3A_78 : i32
        scf.if %cond3A_79 {
          %dma_wait3A = arith.constant 0 : i32
          %dma_wait3A_116 = arith.constant 0 : i32
          %dma_wait3A_117 = tpu.memref_slice %arg7[%dma_wait3A, %dma_wait3A_116] : memref<60x64xi32, #tpu.memory_space<vmem>> -> memref<1x64xi32, #tpu.memory_space<vmem>>
          %dma_wait3A_118 = tpu.memref_squeeze %dma_wait3A_117 : memref<1x64xi32, #tpu.memory_space<vmem>> -> memref<64xi32, #tpu.memory_space<vmem>>
          %dma_wait3A_119 = arith.constant 0 : i32
          %dma_wait3A_120 = arith.constant 0 : i32
          %dma_wait3A_121 = tpu.memref_slice %arg2[%dma_wait3A_119, %dma_wait3A_120] : memref<10240x128xf32, #tpu.memory_space<hbm>> -> memref<10240x128xf32, #tpu.memory_space<hbm>>
          tpu.wait_indirect_dma semaphore(%arg14 : memref<!tpu.dma_semaphore, #tpu.memory_space<semaphore_mem>>) src(%dma_wait3A_121 : memref<10240x128xf32, #tpu.memory_space<hbm>>) dst(%arg9 : memref<64x128xf32, #tpu.memory_space<vmem>>)
          "tpu.region"() ({
            %run_scoped3A = tpu.sem_alloc : memref<!tpu.dma_semaphore, #tpu.memory_space<semaphore_mem>>
            %dma_start3A_122 = arith.constant 0 : i32
            %dma_start3A_123 = tpu.memref_slice %arg8[%add3A_72, %dma_start3A_122] : memref<60x64xi32, #tpu.memory_space<vmem>> -> memref<1x64xi32, #tpu.memory_space<vmem>>
            %dma_start3A_124 = tpu.memref_squeeze %dma_start3A_123 : memref<1x64xi32, #tpu.memory_space<vmem>> -> memref<64xi32, #tpu.memory_space<vmem>>
            %dma_start3A_125 = arith.constant 0 : i32
            %dma_start3A_126 = arith.constant 0 : i32
            %dma_start3A_127 = tpu.memref_slice %arg13[%dma_start3A_125, %dma_start3A_126] : memref<10240x128xf32, #tpu.memory_space<vmem_shared>> -> memref<10240x128xf32, #tpu.memory_space<vmem_shared>>
            tpu.enqueue_indirect_dma source(%arg9 : memref<64x128xf32, #tpu.memory_space<vmem>>) target(%dma_start3A_127 : memref<10240x128xf32, #tpu.memory_space<vmem_shared>>) offsets(%dma_start3A_124 : memref<64xi32, #tpu.memory_space<vmem>>) semaphore(%run_scoped3A : memref<!tpu.dma_semaphore, #tpu.memory_space<semaphore_mem>>) {add = true}
            %dma_wait3A_128 = arith.constant 0 : i32
            %dma_wait3A_129 = tpu.memref_slice %arg8[%add3A_72, %dma_wait3A_128] : memref<60x64xi32, #tpu.memory_space<vmem>> -> memref<1x64xi32, #tpu.memory_space<vmem>>
            %dma_wait3A_130 = tpu.memref_squeeze %dma_wait3A_129 : memref<1x64xi32, #tpu.memory_space<vmem>> -> memref<64xi32, #tpu.memory_space<vmem>>
            %dma_wait3A_131 = arith.constant 0 : i32
            %dma_wait3A_132 = arith.constant 0 : i32
            %dma_wait3A_133 = tpu.memref_slice %arg13[%dma_wait3A_131, %dma_wait3A_132] : memref<10240x128xf32, #tpu.memory_space<vmem_shared>> -> memref<10240x128xf32, #tpu.memory_space<vmem_shared>>
            tpu.wait_indirect_dma semaphore(%run_scoped3A : memref<!tpu.dma_semaphore, #tpu.memory_space<semaphore_mem>>) src(%arg9 : memref<64x128xf32, #tpu.memory_space<vmem>>) dst(%dma_wait3A_133 : memref<10240x128xf32, #tpu.memory_space<vmem_shared>>)
            tpu.yield
          }) : () -> ()
        } else {
        }
        %add3A_80 = arith.constant 1 : i32
        %add3A_81 = arith.addi %mul3A_70, %add3A_80 : i32
        %add3A_82 = arith.constant 3 : i32
        %add3A_83 = arith.addi %add3A_81, %add3A_82 : i32
        %lt3A_84 = arith.cmpi slt, %add3A_83, %select_n3A_15 : i32
        %convert_element_type3A_85 = arith.extui %lt3A_84 : i1 to i32
        %cond3A_86 = arith.constant 0 : i32
        %cond3A_87 = arith.cmpi ne, %convert_element_type3A_85, %cond3A_86 : i32
        scf.if %cond3A_87 {
          %dma_start3A_116 = arith.constant 0 : i32
          %dma_start3A_117 = tpu.memref_slice %arg7[%add3A_83, %dma_start3A_116] : memref<60x64xi32, #tpu.memory_space<vmem>> -> memref<1x64xi32, #tpu.memory_space<vmem>>
          %dma_start3A_118 = tpu.memref_squeeze %dma_start3A_117 : memref<1x64xi32, #tpu.memory_space<vmem>> -> memref<64xi32, #tpu.memory_space<vmem>>
          %dma_start3A_119 = arith.constant 0 : i32
          %dma_start3A_120 = arith.constant 0 : i32
          %dma_start3A_121 = tpu.memref_slice %arg2[%dma_start3A_119, %dma_start3A_120] : memref<10240x128xf32, #tpu.memory_space<hbm>> -> memref<10240x128xf32, #tpu.memory_space<hbm>>
          tpu.enqueue_indirect_dma source(%dma_start3A_121 : memref<10240x128xf32, #tpu.memory_space<hbm>>) target(%arg9 : memref<64x128xf32, #tpu.memory_space<vmem>>) offsets(%dma_start3A_118 : memref<64xi32, #tpu.memory_space<vmem>>) semaphore(%arg14 : memref<!tpu.dma_semaphore, #tpu.memory_space<semaphore_mem>>)
        } else {
        }
        %lt3A_88 = arith.cmpi slt, %add3A_81, %select_n3A_15 : i32
        %convert_element_type3A_89 = arith.extui %lt3A_88 : i1 to i32
        %cond3A_90 = arith.constant 0 : i32
        %cond3A_91 = arith.cmpi ne, %convert_element_type3A_89, %cond3A_90 : i32
        scf.if %cond3A_91 {
          %dma_wait3A = arith.constant 0 : i32
          %dma_wait3A_116 = arith.constant 0 : i32
          %dma_wait3A_117 = tpu.memref_slice %arg7[%dma_wait3A, %dma_wait3A_116] : memref<60x64xi32, #tpu.memory_space<vmem>> -> memref<1x64xi32, #tpu.memory_space<vmem>>
          %dma_wait3A_118 = tpu.memref_squeeze %dma_wait3A_117 : memref<1x64xi32, #tpu.memory_space<vmem>> -> memref<64xi32, #tpu.memory_space<vmem>>
          %dma_wait3A_119 = arith.constant 0 : i32
          %dma_wait3A_120 = arith.constant 0 : i32
          %dma_wait3A_121 = tpu.memref_slice %arg2[%dma_wait3A_119, %dma_wait3A_120] : memref<10240x128xf32, #tpu.memory_space<hbm>> -> memref<10240x128xf32, #tpu.memory_space<hbm>>
          tpu.wait_indirect_dma semaphore(%arg15 : memref<!tpu.dma_semaphore, #tpu.memory_space<semaphore_mem>>) src(%dma_wait3A_121 : memref<10240x128xf32, #tpu.memory_space<hbm>>) dst(%arg10 : memref<64x128xf32, #tpu.memory_space<vmem>>)
          "tpu.region"() ({
            %run_scoped3A = tpu.sem_alloc : memref<!tpu.dma_semaphore, #tpu.memory_space<semaphore_mem>>
            %dma_start3A_122 = arith.constant 0 : i32
            %dma_start3A_123 = tpu.memref_slice %arg8[%add3A_81, %dma_start3A_122] : memref<60x64xi32, #tpu.memory_space<vmem>> -> memref<1x64xi32, #tpu.memory_space<vmem>>
            %dma_start3A_124 = tpu.memref_squeeze %dma_start3A_123 : memref<1x64xi32, #tpu.memory_space<vmem>> -> memref<64xi32, #tpu.memory_space<vmem>>
            %dma_start3A_125 = arith.constant 0 : i32
            %dma_start3A_126 = arith.constant 0 : i32
            %dma_start3A_127 = tpu.memref_slice %arg13[%dma_start3A_125, %dma_start3A_126] : memref<10240x128xf32, #tpu.memory_space<vmem_shared>> -> memref<10240x128xf32, #tpu.memory_space<vmem_shared>>
            tpu.enqueue_indirect_dma source(%arg10 : memref<64x128xf32, #tpu.memory_space<vmem>>) target(%dma_start3A_127 : memref<10240x128xf32, #tpu.memory_space<vmem_shared>>) offsets(%dma_start3A_124 : memref<64xi32, #tpu.memory_space<vmem>>) semaphore(%run_scoped3A : memref<!tpu.dma_semaphore, #tpu.memory_space<semaphore_mem>>) {add = true}
            %dma_wait3A_128 = arith.constant 0 : i32
            %dma_wait3A_129 = tpu.memref_slice %arg8[%add3A_81, %dma_wait3A_128] : memref<60x64xi32, #tpu.memory_space<vmem>> -> memref<1x64xi32, #tpu.memory_space<vmem>>
            %dma_wait3A_130 = tpu.memref_squeeze %dma_wait3A_129 : memref<1x64xi32, #tpu.memory_space<vmem>> -> memref<64xi32, #tpu.memory_space<vmem>>
            %dma_wait3A_131 = arith.constant 0 : i32
            %dma_wait3A_132 = arith.constant 0 : i32
            %dma_wait3A_133 = tpu.memref_slice %arg13[%dma_wait3A_131, %dma_wait3A_132] : memref<10240x128xf32, #tpu.memory_space<vmem_shared>> -> memref<10240x128xf32, #tpu.memory_space<vmem_shared>>
            tpu.wait_indirect_dma semaphore(%run_scoped3A : memref<!tpu.dma_semaphore, #tpu.memory_space<semaphore_mem>>) src(%arg10 : memref<64x128xf32, #tpu.memory_space<vmem>>) dst(%dma_wait3A_133 : memref<10240x128xf32, #tpu.memory_space<vmem_shared>>)
            tpu.yield
          }) : () -> ()
        } else {
        }
        %add3A_92 = arith.constant 2 : i32
        %add3A_93 = arith.addi %mul3A_70, %add3A_92 : i32
        %add3A_94 = arith.constant 3 : i32
        %add3A_95 = arith.addi %add3A_93, %add3A_94 : i32
        %lt3A_96 = arith.cmpi slt, %add3A_95, %select_n3A_15 : i32
        %convert_element_type3A_97 = arith.extui %lt3A_96 : i1 to i32
        %cond3A_98 = arith.constant 0 : i32
        %cond3A_99 = arith.cmpi ne, %convert_element_type3A_97, %cond3A_98 : i32
        scf.if %cond3A_99 {
          %dma_start3A_116 = arith.constant 0 : i32
          %dma_start3A_117 = tpu.memref_slice %arg7[%add3A_95, %dma_start3A_116] : memref<60x64xi32, #tpu.memory_space<vmem>> -> memref<1x64xi32, #tpu.memory_space<vmem>>
          %dma_start3A_118 = tpu.memref_squeeze %dma_start3A_117 : memref<1x64xi32, #tpu.memory_space<vmem>> -> memref<64xi32, #tpu.memory_space<vmem>>
          %dma_start3A_119 = arith.constant 0 : i32
          %dma_start3A_120 = arith.constant 0 : i32
          %dma_start3A_121 = tpu.memref_slice %arg2[%dma_start3A_119, %dma_start3A_120] : memref<10240x128xf32, #tpu.memory_space<hbm>> -> memref<10240x128xf32, #tpu.memory_space<hbm>>
          tpu.enqueue_indirect_dma source(%dma_start3A_121 : memref<10240x128xf32, #tpu.memory_space<hbm>>) target(%arg10 : memref<64x128xf32, #tpu.memory_space<vmem>>) offsets(%dma_start3A_118 : memref<64xi32, #tpu.memory_space<vmem>>) semaphore(%arg15 : memref<!tpu.dma_semaphore, #tpu.memory_space<semaphore_mem>>)
        } else {
        }
        %lt3A_100 = arith.cmpi slt, %add3A_93, %select_n3A_15 : i32
        %convert_element_type3A_101 = arith.extui %lt3A_100 : i1 to i32
        %cond3A_102 = arith.constant 0 : i32
        %cond3A_103 = arith.cmpi ne, %convert_element_type3A_101, %cond3A_102 : i32
        scf.if %cond3A_103 {
          %dma_wait3A = arith.constant 0 : i32
          %dma_wait3A_116 = arith.constant 0 : i32
          %dma_wait3A_117 = tpu.memref_slice %arg7[%dma_wait3A, %dma_wait3A_116] : memref<60x64xi32, #tpu.memory_space<vmem>> -> memref<1x64xi32, #tpu.memory_space<vmem>>
          %dma_wait3A_118 = tpu.memref_squeeze %dma_wait3A_117 : memref<1x64xi32, #tpu.memory_space<vmem>> -> memref<64xi32, #tpu.memory_space<vmem>>
          %dma_wait3A_119 = arith.constant 0 : i32
          %dma_wait3A_120 = arith.constant 0 : i32
          %dma_wait3A_121 = tpu.memref_slice %arg2[%dma_wait3A_119, %dma_wait3A_120] : memref<10240x128xf32, #tpu.memory_space<hbm>> -> memref<10240x128xf32, #tpu.memory_space<hbm>>
          tpu.wait_indirect_dma semaphore(%arg16 : memref<!tpu.dma_semaphore, #tpu.memory_space<semaphore_mem>>) src(%dma_wait3A_121 : memref<10240x128xf32, #tpu.memory_space<hbm>>) dst(%arg11 : memref<64x128xf32, #tpu.memory_space<vmem>>)
          "tpu.region"() ({
            %run_scoped3A = tpu.sem_alloc : memref<!tpu.dma_semaphore, #tpu.memory_space<semaphore_mem>>
            %dma_start3A_122 = arith.constant 0 : i32
            %dma_start3A_123 = tpu.memref_slice %arg8[%add3A_93, %dma_start3A_122] : memref<60x64xi32, #tpu.memory_space<vmem>> -> memref<1x64xi32, #tpu.memory_space<vmem>>
            %dma_start3A_124 = tpu.memref_squeeze %dma_start3A_123 : memref<1x64xi32, #tpu.memory_space<vmem>> -> memref<64xi32, #tpu.memory_space<vmem>>
            %dma_start3A_125 = arith.constant 0 : i32
            %dma_start3A_126 = arith.constant 0 : i32
            %dma_start3A_127 = tpu.memref_slice %arg13[%dma_start3A_125, %dma_start3A_126] : memref<10240x128xf32, #tpu.memory_space<vmem_shared>> -> memref<10240x128xf32, #tpu.memory_space<vmem_shared>>
            tpu.enqueue_indirect_dma source(%arg11 : memref<64x128xf32, #tpu.memory_space<vmem>>) target(%dma_start3A_127 : memref<10240x128xf32, #tpu.memory_space<vmem_shared>>) offsets(%dma_start3A_124 : memref<64xi32, #tpu.memory_space<vmem>>) semaphore(%run_scoped3A : memref<!tpu.dma_semaphore, #tpu.memory_space<semaphore_mem>>) {add = true}
            %dma_wait3A_128 = arith.constant 0 : i32
            %dma_wait3A_129 = tpu.memref_slice %arg8[%add3A_93, %dma_wait3A_128] : memref<60x64xi32, #tpu.memory_space<vmem>> -> memref<1x64xi32, #tpu.memory_space<vmem>>
            %dma_wait3A_130 = tpu.memref_squeeze %dma_wait3A_129 : memref<1x64xi32, #tpu.memory_space<vmem>> -> memref<64xi32, #tpu.memory_space<vmem>>
            %dma_wait3A_131 = arith.constant 0 : i32
            %dma_wait3A_132 = arith.constant 0 : i32
            %dma_wait3A_133 = tpu.memref_slice %arg13[%dma_wait3A_131, %dma_wait3A_132] : memref<10240x128xf32, #tpu.memory_space<vmem_shared>> -> memref<10240x128xf32, #tpu.memory_space<vmem_shared>>
            tpu.wait_indirect_dma semaphore(%run_scoped3A : memref<!tpu.dma_semaphore, #tpu.memory_space<semaphore_mem>>) src(%arg11 : memref<64x128xf32, #tpu.memory_space<vmem>>) dst(%dma_wait3A_133 : memref<10240x128xf32, #tpu.memory_space<vmem_shared>>)
            tpu.yield
          }) : () -> ()
        } else {
        }
        %add3A_104 = arith.constant 3 : i32
        %add3A_105 = arith.addi %mul3A_70, %add3A_104 : i32
        %add3A_106 = arith.constant 3 : i32
        %add3A_107 = arith.addi %add3A_105, %add3A_106 : i32
        %lt3A_108 = arith.cmpi slt, %add3A_107, %select_n3A_15 : i32
        %convert_element_type3A_109 = arith.extui %lt3A_108 : i1 to i32
        %cond3A_110 = arith.constant 0 : i32
        %cond3A_111 = arith.cmpi ne, %convert_element_type3A_109, %cond3A_110 : i32
        scf.if %cond3A_111 {
          %dma_start3A_116 = arith.constant 0 : i32
          %dma_start3A_117 = tpu.memref_slice %arg7[%add3A_107, %dma_start3A_116] : memref<60x64xi32, #tpu.memory_space<vmem>> -> memref<1x64xi32, #tpu.memory_space<vmem>>
          %dma_start3A_118 = tpu.memref_squeeze %dma_start3A_117 : memref<1x64xi32, #tpu.memory_space<vmem>> -> memref<64xi32, #tpu.memory_space<vmem>>
          %dma_start3A_119 = arith.constant 0 : i32
          %dma_start3A_120 = arith.constant 0 : i32
          %dma_start3A_121 = tpu.memref_slice %arg2[%dma_start3A_119, %dma_start3A_120] : memref<10240x128xf32, #tpu.memory_space<hbm>> -> memref<10240x128xf32, #tpu.memory_space<hbm>>
          tpu.enqueue_indirect_dma source(%dma_start3A_121 : memref<10240x128xf32, #tpu.memory_space<hbm>>) target(%arg11 : memref<64x128xf32, #tpu.memory_space<vmem>>) offsets(%dma_start3A_118 : memref<64xi32, #tpu.memory_space<vmem>>) semaphore(%arg16 : memref<!tpu.dma_semaphore, #tpu.memory_space<semaphore_mem>>)
        } else {
        }
        %lt3A_112 = arith.cmpi slt, %add3A_105, %select_n3A_15 : i32
        %convert_element_type3A_113 = arith.extui %lt3A_112 : i1 to i32
        %cond3A_114 = arith.constant 0 : i32
        %cond3A_115 = arith.cmpi ne, %convert_element_type3A_113, %cond3A_114 : i32
        scf.if %cond3A_115 {
          %dma_wait3A = arith.constant 0 : i32
          %dma_wait3A_116 = arith.constant 0 : i32
          %dma_wait3A_117 = tpu.memref_slice %arg7[%dma_wait3A, %dma_wait3A_116] : memref<60x64xi32, #tpu.memory_space<vmem>> -> memref<1x64xi32, #tpu.memory_space<vmem>>
          %dma_wait3A_118 = tpu.memref_squeeze %dma_wait3A_117 : memref<1x64xi32, #tpu.memory_space<vmem>> -> memref<64xi32, #tpu.memory_space<vmem>>
          %dma_wait3A_119 = arith.constant 0 : i32
          %dma_wait3A_120 = arith.constant 0 : i32
          %dma_wait3A_121 = tpu.memref_slice %arg2[%dma_wait3A_119, %dma_wait3A_120] : memref<10240x128xf32, #tpu.memory_space<hbm>> -> memref<10240x128xf32, #tpu.memory_space<hbm>>
          tpu.wait_indirect_dma semaphore(%arg17 : memref<!tpu.dma_semaphore, #tpu.memory_space<semaphore_mem>>) src(%dma_wait3A_121 : memref<10240x128xf32, #tpu.memory_space<hbm>>) dst(%arg12 : memref<64x128xf32, #tpu.memory_space<vmem>>)
          "tpu.region"() ({
            %run_scoped3A = tpu.sem_alloc : memref<!tpu.dma_semaphore, #tpu.memory_space<semaphore_mem>>
            %dma_start3A_122 = arith.constant 0 : i32
            %dma_start3A_123 = tpu.memref_slice %arg8[%add3A_105, %dma_start3A_122] : memref<60x64xi32, #tpu.memory_space<vmem>> -> memref<1x64xi32, #tpu.memory_space<vmem>>
            %dma_start3A_124 = tpu.memref_squeeze %dma_start3A_123 : memref<1x64xi32, #tpu.memory_space<vmem>> -> memref<64xi32, #tpu.memory_space<vmem>>
            %dma_start3A_125 = arith.constant 0 : i32
            %dma_start3A_126 = arith.constant 0 : i32
            %dma_start3A_127 = tpu.memref_slice %arg13[%dma_start3A_125, %dma_start3A_126] : memref<10240x128xf32, #tpu.memory_space<vmem_shared>> -> memref<10240x128xf32, #tpu.memory_space<vmem_shared>>
            tpu.enqueue_indirect_dma source(%arg12 : memref<64x128xf32, #tpu.memory_space<vmem>>) target(%dma_start3A_127 : memref<10240x128xf32, #tpu.memory_space<vmem_shared>>) offsets(%dma_start3A_124 : memref<64xi32, #tpu.memory_space<vmem>>) semaphore(%run_scoped3A : memref<!tpu.dma_semaphore, #tpu.memory_space<semaphore_mem>>) {add = true}
            %dma_wait3A_128 = arith.constant 0 : i32
            %dma_wait3A_129 = tpu.memref_slice %arg8[%add3A_105, %dma_wait3A_128] : memref<60x64xi32, #tpu.memory_space<vmem>> -> memref<1x64xi32, #tpu.memory_space<vmem>>
            %dma_wait3A_130 = tpu.memref_squeeze %dma_wait3A_129 : memref<1x64xi32, #tpu.memory_space<vmem>> -> memref<64xi32, #tpu.memory_space<vmem>>
            %dma_wait3A_131 = arith.constant 0 : i32
            %dma_wait3A_132 = arith.constant 0 : i32
            %dma_wait3A_133 = tpu.memref_slice %arg13[%dma_wait3A_131, %dma_wait3A_132] : memref<10240x128xf32, #tpu.memory_space<vmem_shared>> -> memref<10240x128xf32, #tpu.memory_space<vmem_shared>>
            tpu.wait_indirect_dma semaphore(%run_scoped3A : memref<!tpu.dma_semaphore, #tpu.memory_space<semaphore_mem>>) src(%arg12 : memref<64x128xf32, #tpu.memory_space<vmem>>) dst(%dma_wait3A_133 : memref<10240x128xf32, #tpu.memory_space<vmem_shared>>)
            tpu.yield
          }) : () -> ()
        } else {
        }
      }
    }
    %while3A_35 = arith.constant 1 : i32
    scf.for %while3A_37 = %while3A_33 to %while3A_29 step %while3A_35  : i32 {
      "tpu.region"() ({
        %run_scoped3A = tpu.sem_alloc : memref<!tpu.dma_semaphore, #tpu.memory_space<semaphore_mem>>
        %dma_start3A_68 = arith.constant 0 : i32
        %dma_start3A_69 = arith.constant 0 : i32
        %dma_start3A_70 = tpu.memref_slice %arg3[%add3A, %while3A_37, %dma_start3A_68, %dma_start3A_69] : memref<32x5x60x64xi32, #tpu.memory_space<hbm>> -> memref<1x1x60x64xi32, #tpu.memory_space<hbm>>
        %dma_start3A_71 = tpu.memref_squeeze %dma_start3A_70 : memref<1x1x60x64xi32, #tpu.memory_space<hbm>> -> memref<60x64xi32, #tpu.memory_space<hbm>>
        %dma_start3A_72 = arith.constant 0 : i32
        %dma_start3A_73 = arith.constant 0 : i32
        %dma_start3A_74 = tpu.memref_slice %arg3[%add3A, %while3A_37, %dma_start3A_72, %dma_start3A_73] : memref<32x5x60x64xi32, #tpu.memory_space<hbm>> -> memref<1x1x60x64xi32, #tpu.memory_space<hbm>>
        %dma_start3A_75 = tpu.memref_squeeze %dma_start3A_74 : memref<1x1x60x64xi32, #tpu.memory_space<hbm>> -> memref<60x64xi32, #tpu.memory_space<hbm>>
        tpu.enqueue_dma source(%dma_start3A_75 : memref<60x64xi32, #tpu.memory_space<hbm>>) target(%arg7 : memref<60x64xi32, #tpu.memory_space<vmem>>) target_semaphore(%run_scoped3A : memref<!tpu.dma_semaphore, #tpu.memory_space<semaphore_mem>>)
        %dma_wait3A = arith.constant 0 : i32
        %dma_wait3A_76 = arith.constant 0 : i32
        %dma_wait3A_77 = tpu.memref_slice %arg3[%add3A, %while3A_37, %dma_wait3A, %dma_wait3A_76] : memref<32x5x60x64xi32, #tpu.memory_space<hbm>> -> memref<1x1x60x64xi32, #tpu.memory_space<hbm>>
        %dma_wait3A_78 = tpu.memref_squeeze %dma_wait3A_77 : memref<1x1x60x64xi32, #tpu.memory_space<hbm>> -> memref<60x64xi32, #tpu.memory_space<hbm>>
        %dma_wait3A_79 = arith.constant 0 : i32
        %dma_wait3A_80 = arith.constant 0 : i32
        %dma_wait3A_81 = tpu.memref_slice %arg3[%add3A, %while3A_37, %dma_wait3A_79, %dma_wait3A_80] : memref<32x5x60x64xi32, #tpu.memory_space<hbm>> -> memref<1x1x60x64xi32, #tpu.memory_space<hbm>>
        %dma_wait3A_82 = tpu.memref_squeeze %dma_wait3A_81 : memref<1x1x60x64xi32, #tpu.memory_space<hbm>> -> memref<60x64xi32, #tpu.memory_space<hbm>>
        tpu.wait_dma2 semaphore(%run_scoped3A : memref<!tpu.dma_semaphore, #tpu.memory_space<semaphore_mem>>) src(%dma_wait3A_82 : memref<60x64xi32, #tpu.memory_space<hbm>>) dst(%arg7 : memref<60x64xi32, #tpu.memory_space<vmem>>)
        tpu.yield
      }) : () -> ()
      "tpu.region"() ({
        %run_scoped3A = tpu.sem_alloc : memref<!tpu.dma_semaphore, #tpu.memory_space<semaphore_mem>>
        %dma_start3A_68 = arith.constant 0 : i32
        %dma_start3A_69 = arith.constant 0 : i32
        %dma_start3A_70 = tpu.memref_slice %arg4[%add3A, %while3A_37, %dma_start3A_68, %dma_start3A_69] : memref<32x5x60x64xi32, #tpu.memory_space<hbm>> -> memref<1x1x60x64xi32, #tpu.memory_space<hbm>>
        %dma_start3A_71 = tpu.memref_squeeze %dma_start3A_70 : memref<1x1x60x64xi32, #tpu.memory_space<hbm>> -> memref<60x64xi32, #tpu.memory_space<hbm>>
        %dma_start3A_72 = arith.constant 0 : i32
        %dma_start3A_73 = arith.constant 0 : i32
        %dma_start3A_74 = tpu.memref_slice %arg4[%add3A, %while3A_37, %dma_start3A_72, %dma_start3A_73] : memref<32x5x60x64xi32, #tpu.memory_space<hbm>> -> memref<1x1x60x64xi32, #tpu.memory_space<hbm>>
        %dma_start3A_75 = tpu.memref_squeeze %dma_start3A_74 : memref<1x1x60x64xi32, #tpu.memory_space<hbm>> -> memref<60x64xi32, #tpu.memory_space<hbm>>
        tpu.enqueue_dma source(%dma_start3A_75 : memref<60x64xi32, #tpu.memory_space<hbm>>) target(%arg8 : memref<60x64xi32, #tpu.memory_space<vmem>>) target_semaphore(%run_scoped3A : memref<!tpu.dma_semaphore, #tpu.memory_space<semaphore_mem>>)
        %dma_wait3A = arith.constant 0 : i32
        %dma_wait3A_76 = arith.constant 0 : i32
        %dma_wait3A_77 = tpu.memref_slice %arg4[%add3A, %while3A_37, %dma_wait3A, %dma_wait3A_76] : memref<32x5x60x64xi32, #tpu.memory_space<hbm>> -> memref<1x1x60x64xi32, #tpu.memory_space<hbm>>
        %dma_wait3A_78 = tpu.memref_squeeze %dma_wait3A_77 : memref<1x1x60x64xi32, #tpu.memory_space<hbm>> -> memref<60x64xi32, #tpu.memory_space<hbm>>
        %dma_wait3A_79 = arith.constant 0 : i32
        %dma_wait3A_80 = arith.constant 0 : i32
        %dma_wait3A_81 = tpu.memref_slice %arg4[%add3A, %while3A_37, %dma_wait3A_79, %dma_wait3A_80] : memref<32x5x60x64xi32, #tpu.memory_space<hbm>> -> memref<1x1x60x64xi32, #tpu.memory_space<hbm>>
        %dma_wait3A_82 = tpu.memref_squeeze %dma_wait3A_81 : memref<1x1x60x64xi32, #tpu.memory_space<hbm>> -> memref<60x64xi32, #tpu.memory_space<hbm>>
        tpu.wait_dma2 semaphore(%run_scoped3A : memref<!tpu.dma_semaphore, #tpu.memory_space<semaphore_mem>>) src(%dma_wait3A_82 : memref<60x64xi32, #tpu.memory_space<hbm>>) dst(%arg8 : memref<60x64xi32, #tpu.memory_space<vmem>>)
        tpu.yield
      }) : () -> ()
      %dma_start3A = arith.constant 0 : i32
      %dma_start3A_38 = arith.constant 0 : i32
      %dma_start3A_39 = tpu.memref_slice %arg7[%dma_start3A, %dma_start3A_38] : memref<60x64xi32, #tpu.memory_space<vmem>> -> memref<1x64xi32, #tpu.memory_space<vmem>>
      %dma_start3A_40 = tpu.memref_squeeze %dma_start3A_39 : memref<1x64xi32, #tpu.memory_space<vmem>> -> memref<64xi32, #tpu.memory_space<vmem>>
      %dma_start3A_41 = arith.constant 0 : i32
      %dma_start3A_42 = arith.constant 0 : i32
      %dma_start3A_43 = tpu.memref_slice %arg2[%dma_start3A_41, %dma_start3A_42] : memref<10240x128xf32, #tpu.memory_space<hbm>> -> memref<10240x128xf32, #tpu.memory_space<hbm>>
      tpu.enqueue_indirect_dma source(%dma_start3A_43 : memref<10240x128xf32, #tpu.memory_space<hbm>>) target(%arg9 : memref<64x128xf32, #tpu.memory_space<vmem>>) offsets(%dma_start3A_40 : memref<64xi32, #tpu.memory_space<vmem>>) semaphore(%arg14 : memref<!tpu.dma_semaphore, #tpu.memory_space<semaphore_mem>>)
      %dma_start3A_44 = arith.constant 1 : i32
      %dma_start3A_45 = arith.constant 0 : i32
      %dma_start3A_46 = tpu.memref_slice %arg7[%dma_start3A_44, %dma_start3A_45] : memref<60x64xi32, #tpu.memory_space<vmem>> -> memref<1x64xi32, #tpu.memory_space<vmem>>
      %dma_start3A_47 = tpu.memref_squeeze %dma_start3A_46 : memref<1x64xi32, #tpu.memory_space<vmem>> -> memref<64xi32, #tpu.memory_space<vmem>>
      %dma_start3A_48 = arith.constant 0 : i32
      %dma_start3A_49 = arith.constant 0 : i32
      %dma_start3A_50 = tpu.memref_slice %arg2[%dma_start3A_48, %dma_start3A_49] : memref<10240x128xf32, #tpu.memory_space<hbm>> -> memref<10240x128xf32, #tpu.memory_space<hbm>>
      tpu.enqueue_indirect_dma source(%dma_start3A_50 : memref<10240x128xf32, #tpu.memory_space<hbm>>) target(%arg10 : memref<64x128xf32, #tpu.memory_space<vmem>>) offsets(%dma_start3A_47 : memref<64xi32, #tpu.memory_space<vmem>>) semaphore(%arg15 : memref<!tpu.dma_semaphore, #tpu.memory_space<semaphore_mem>>)
      %dma_start3A_51 = arith.constant 2 : i32
      %dma_start3A_52 = arith.constant 0 : i32
      %dma_start3A_53 = tpu.memref_slice %arg7[%dma_start3A_51, %dma_start3A_52] : memref<60x64xi32, #tpu.memory_space<vmem>> -> memref<1x64xi32, #tpu.memory_space<vmem>>
      %dma_start3A_54 = tpu.memref_squeeze %dma_start3A_53 : memref<1x64xi32, #tpu.memory_space<vmem>> -> memref<64xi32, #tpu.memory_space<vmem>>
      %dma_start3A_55 = arith.constant 0 : i32
      %dma_start3A_56 = arith.constant 0 : i32
      %dma_start3A_57 = tpu.memref_slice %arg2[%dma_start3A_55, %dma_start3A_56] : memref<10240x128xf32, #tpu.memory_space<hbm>> -> memref<10240x128xf32, #tpu.memory_space<hbm>>
      tpu.enqueue_indirect_dma source(%dma_start3A_57 : memref<10240x128xf32, #tpu.memory_space<hbm>>) target(%arg11 : memref<64x128xf32, #tpu.memory_space<vmem>>) offsets(%dma_start3A_54 : memref<64xi32, #tpu.memory_space<vmem>>) semaphore(%arg16 : memref<!tpu.dma_semaphore, #tpu.memory_space<semaphore_mem>>)
      %while3A_58 = arith.constant 0 : i32
      %while3A_59 = arith.constant 0 : i32
      %while3A_60 = arith.subi %select_n3A_20, %while3A_59 : i32
      %while3A_61 = arith.addi %while3A_59, %while3A_60 : i32
      %while3A_62 = arith.constant 1 : i32
      %while3A_63 = arith.divsi %while3A_60, %while3A_62 : i32
      %while3A_64 = arith.muli %while3A_63, %while3A_62 : i32
      %while3A_65 = arith.addi %while3A_59, %while3A_64 : i32
      %while3A_66 = arith.constant 1 : i32
      scf.for %while3A_68 = %while3A_59 to %while3A_65 step %while3A_66  : i32 {
        %mul3A_69 = arith.constant 4 : i32
        %mul3A_70 = arith.muli %while3A_68, %mul3A_69 : i32
        %add3A_71 = arith.constant 0 : i32
        %add3A_72 = arith.addi %mul3A_70, %add3A_71 : i32
        %add3A_73 = arith.constant 3 : i32
        %add3A_74 = arith.addi %add3A_72, %add3A_73 : i32
        %lt3A = arith.cmpi slt, %add3A_74, %select_n3A_15 : i32
        %convert_element_type3A = arith.extui %lt3A : i1 to i32
        %cond3A = arith.constant 0 : i32
        %cond3A_75 = arith.cmpi ne, %convert_element_type3A, %cond3A : i32
        scf.if %cond3A_75 {
          %dma_start3A_116 = arith.constant 0 : i32
          %dma_start3A_117 = tpu.memref_slice %arg7[%add3A_74, %dma_start3A_116] : memref<60x64xi32, #tpu.memory_space<vmem>> -> memref<1x64xi32, #tpu.memory_space<vmem>>
          %dma_start3A_118 = tpu.memref_squeeze %dma_start3A_117 : memref<1x64xi32, #tpu.memory_space<vmem>> -> memref<64xi32, #tpu.memory_space<vmem>>
          %dma_start3A_119 = arith.constant 0 : i32
          %dma_start3A_120 = arith.constant 0 : i32
          %dma_start3A_121 = tpu.memref_slice %arg2[%dma_start3A_119, %dma_start3A_120] : memref<10240x128xf32, #tpu.memory_space<hbm>> -> memref<10240x128xf32, #tpu.memory_space<hbm>>
          tpu.enqueue_indirect_dma source(%dma_start3A_121 : memref<10240x128xf32, #tpu.memory_space<hbm>>) target(%arg12 : memref<64x128xf32, #tpu.memory_space<vmem>>) offsets(%dma_start3A_118 : memref<64xi32, #tpu.memory_space<vmem>>) semaphore(%arg17 : memref<!tpu.dma_semaphore, #tpu.memory_space<semaphore_mem>>)
        } else {
        }
        %lt3A_76 = arith.cmpi slt, %add3A_72, %select_n3A_15 : i32
        %convert_element_type3A_77 = arith.extui %lt3A_76 : i1 to i32
        %cond3A_78 = arith.constant 0 : i32
        %cond3A_79 = arith.cmpi ne, %convert_element_type3A_77, %cond3A_78 : i32
        scf.if %cond3A_79 {
          %dma_wait3A = arith.constant 0 : i32
          %dma_wait3A_116 = arith.constant 0 : i32
          %dma_wait3A_117 = tpu.memref_slice %arg7[%dma_wait3A, %dma_wait3A_116] : memref<60x64xi32, #tpu.memory_space<vmem>> -> memref<1x64xi32, #tpu.memory_space<vmem>>
          %dma_wait3A_118 = tpu.memref_squeeze %dma_wait3A_117 : memref<1x64xi32, #tpu.memory_space<vmem>> -> memref<64xi32, #tpu.memory_space<vmem>>
          %dma_wait3A_119 = arith.constant 0 : i32
          %dma_wait3A_120 = arith.constant 0 : i32
          %dma_wait3A_121 = tpu.memref_slice %arg2[%dma_wait3A_119, %dma_wait3A_120] : memref<10240x128xf32, #tpu.memory_space<hbm>> -> memref<10240x128xf32, #tpu.memory_space<hbm>>
          tpu.wait_indirect_dma semaphore(%arg14 : memref<!tpu.dma_semaphore, #tpu.memory_space<semaphore_mem>>) src(%dma_wait3A_121 : memref<10240x128xf32, #tpu.memory_space<hbm>>) dst(%arg9 : memref<64x128xf32, #tpu.memory_space<vmem>>)
          "tpu.region"() ({
            %run_scoped3A = tpu.sem_alloc : memref<!tpu.dma_semaphore, #tpu.memory_space<semaphore_mem>>
            %dma_start3A_122 = arith.constant 0 : i32
            %dma_start3A_123 = tpu.memref_slice %arg8[%add3A_72, %dma_start3A_122] : memref<60x64xi32, #tpu.memory_space<vmem>> -> memref<1x64xi32, #tpu.memory_space<vmem>>
            %dma_start3A_124 = tpu.memref_squeeze %dma_start3A_123 : memref<1x64xi32, #tpu.memory_space<vmem>> -> memref<64xi32, #tpu.memory_space<vmem>>
            %dma_start3A_125 = arith.constant 0 : i32
            %dma_start3A_126 = arith.constant 0 : i32
            %dma_start3A_127 = tpu.memref_slice %arg13[%dma_start3A_125, %dma_start3A_126] : memref<10240x128xf32, #tpu.memory_space<vmem_shared>> -> memref<10240x128xf32, #tpu.memory_space<vmem_shared>>
            tpu.enqueue_indirect_dma source(%arg9 : memref<64x128xf32, #tpu.memory_space<vmem>>) target(%dma_start3A_127 : memref<10240x128xf32, #tpu.memory_space<vmem_shared>>) offsets(%dma_start3A_124 : memref<64xi32, #tpu.memory_space<vmem>>) semaphore(%run_scoped3A : memref<!tpu.dma_semaphore, #tpu.memory_space<semaphore_mem>>) {add = true}
            %dma_wait3A_128 = arith.constant 0 : i32
            %dma_wait3A_129 = tpu.memref_slice %arg8[%add3A_72, %dma_wait3A_128] : memref<60x64xi32, #tpu.memory_space<vmem>> -> memref<1x64xi32, #tpu.memory_space<vmem>>
            %dma_wait3A_130 = tpu.memref_squeeze %dma_wait3A_129 : memref<1x64xi32, #tpu.memory_space<vmem>> -> memref<64xi32, #tpu.memory_space<vmem>>
            %dma_wait3A_131 = arith.constant 0 : i32
            %dma_wait3A_132 = arith.constant 0 : i32
            %dma_wait3A_133 = tpu.memref_slice %arg13[%dma_wait3A_131, %dma_wait3A_132] : memref<10240x128xf32, #tpu.memory_space<vmem_shared>> -> memref<10240x128xf32, #tpu.memory_space<vmem_shared>>
            tpu.wait_indirect_dma semaphore(%run_scoped3A : memref<!tpu.dma_semaphore, #tpu.memory_space<semaphore_mem>>) src(%arg9 : memref<64x128xf32, #tpu.memory_space<vmem>>) dst(%dma_wait3A_133 : memref<10240x128xf32, #tpu.memory_space<vmem_shared>>)
            tpu.yield
          }) : () -> ()
        } else {
        }
        %add3A_80 = arith.constant 1 : i32
        %add3A_81 = arith.addi %mul3A_70, %add3A_80 : i32
        %add3A_82 = arith.constant 3 : i32
        %add3A_83 = arith.addi %add3A_81, %add3A_82 : i32
        %lt3A_84 = arith.cmpi slt, %add3A_83, %select_n3A_15 : i32
        %convert_element_type3A_85 = arith.extui %lt3A_84 : i1 to i32
        %cond3A_86 = arith.constant 0 : i32
        %cond3A_87 = arith.cmpi ne, %convert_element_type3A_85, %cond3A_86 : i32
        scf.if %cond3A_87 {
          %dma_start3A_116 = arith.constant 0 : i32
          %dma_start3A_117 = tpu.memref_slice %arg7[%add3A_83, %dma_start3A_116] : memref<60x64xi32, #tpu.memory_space<vmem>> -> memref<1x64xi32, #tpu.memory_space<vmem>>
          %dma_start3A_118 = tpu.memref_squeeze %dma_start3A_117 : memref<1x64xi32, #tpu.memory_space<vmem>> -> memref<64xi32, #tpu.memory_space<vmem>>
          %dma_start3A_119 = arith.constant 0 : i32
          %dma_start3A_120 = arith.constant 0 : i32
          %dma_start3A_121 = tpu.memref_slice %arg2[%dma_start3A_119, %dma_start3A_120] : memref<10240x128xf32, #tpu.memory_space<hbm>> -> memref<10240x128xf32, #tpu.memory_space<hbm>>
          tpu.enqueue_indirect_dma source(%dma_start3A_121 : memref<10240x128xf32, #tpu.memory_space<hbm>>) target(%arg9 : memref<64x128xf32, #tpu.memory_space<vmem>>) offsets(%dma_start3A_118 : memref<64xi32, #tpu.memory_space<vmem>>) semaphore(%arg14 : memref<!tpu.dma_semaphore, #tpu.memory_space<semaphore_mem>>)
        } else {
        }
        %lt3A_88 = arith.cmpi slt, %add3A_81, %select_n3A_15 : i32
        %convert_element_type3A_89 = arith.extui %lt3A_88 : i1 to i32
        %cond3A_90 = arith.constant 0 : i32
        %cond3A_91 = arith.cmpi ne, %convert_element_type3A_89, %cond3A_90 : i32
        scf.if %cond3A_91 {
          %dma_wait3A = arith.constant 0 : i32
          %dma_wait3A_116 = arith.constant 0 : i32
          %dma_wait3A_117 = tpu.memref_slice %arg7[%dma_wait3A, %dma_wait3A_116] : memref<60x64xi32, #tpu.memory_space<vmem>> -> memref<1x64xi32, #tpu.memory_space<vmem>>
          %dma_wait3A_118 = tpu.memref_squeeze %dma_wait3A_117 : memref<1x64xi32, #tpu.memory_space<vmem>> -> memref<64xi32, #tpu.memory_space<vmem>>
          %dma_wait3A_119 = arith.constant 0 : i32
          %dma_wait3A_120 = arith.constant 0 : i32
          %dma_wait3A_121 = tpu.memref_slice %arg2[%dma_wait3A_119, %dma_wait3A_120] : memref<10240x128xf32, #tpu.memory_space<hbm>> -> memref<10240x128xf32, #tpu.memory_space<hbm>>
          tpu.wait_indirect_dma semaphore(%arg15 : memref<!tpu.dma_semaphore, #tpu.memory_space<semaphore_mem>>) src(%dma_wait3A_121 : memref<10240x128xf32, #tpu.memory_space<hbm>>) dst(%arg10 : memref<64x128xf32, #tpu.memory_space<vmem>>)
          "tpu.region"() ({
            %run_scoped3A = tpu.sem_alloc : memref<!tpu.dma_semaphore, #tpu.memory_space<semaphore_mem>>
            %dma_start3A_122 = arith.constant 0 : i32
            %dma_start3A_123 = tpu.memref_slice %arg8[%add3A_81, %dma_start3A_122] : memref<60x64xi32, #tpu.memory_space<vmem>> -> memref<1x64xi32, #tpu.memory_space<vmem>>
            %dma_start3A_124 = tpu.memref_squeeze %dma_start3A_123 : memref<1x64xi32, #tpu.memory_space<vmem>> -> memref<64xi32, #tpu.memory_space<vmem>>
            %dma_start3A_125 = arith.constant 0 : i32
            %dma_start3A_126 = arith.constant 0 : i32
            %dma_start3A_127 = tpu.memref_slice %arg13[%dma_start3A_125, %dma_start3A_126] : memref<10240x128xf32, #tpu.memory_space<vmem_shared>> -> memref<10240x128xf32, #tpu.memory_space<vmem_shared>>
            tpu.enqueue_indirect_dma source(%arg10 : memref<64x128xf32, #tpu.memory_space<vmem>>) target(%dma_start3A_127 : memref<10240x128xf32, #tpu.memory_space<vmem_shared>>) offsets(%dma_start3A_124 : memref<64xi32, #tpu.memory_space<vmem>>) semaphore(%run_scoped3A : memref<!tpu.dma_semaphore, #tpu.memory_space<semaphore_mem>>) {add = true}
            %dma_wait3A_128 = arith.constant 0 : i32
            %dma_wait3A_129 = tpu.memref_slice %arg8[%add3A_81, %dma_wait3A_128] : memref<60x64xi32, #tpu.memory_space<vmem>> -> memref<1x64xi32, #tpu.memory_space<vmem>>
            %dma_wait3A_130 = tpu.memref_squeeze %dma_wait3A_129 : memref<1x64xi32, #tpu.memory_space<vmem>> -> memref<64xi32, #tpu.memory_space<vmem>>
            %dma_wait3A_131 = arith.constant 0 : i32
            %dma_wait3A_132 = arith.constant 0 : i32
            %dma_wait3A_133 = tpu.memref_slice %arg13[%dma_wait3A_131, %dma_wait3A_132] : memref<10240x128xf32, #tpu.memory_space<vmem_shared>> -> memref<10240x128xf32, #tpu.memory_space<vmem_shared>>
            tpu.wait_indirect_dma semaphore(%run_scoped3A : memref<!tpu.dma_semaphore, #tpu.memory_space<semaphore_mem>>) src(%arg10 : memref<64x128xf32, #tpu.memory_space<vmem>>) dst(%dma_wait3A_133 : memref<10240x128xf32, #tpu.memory_space<vmem_shared>>)
            tpu.yield
          }) : () -> ()
        } else {
        }
        %add3A_92 = arith.constant 2 : i32
        %add3A_93 = arith.addi %mul3A_70, %add3A_92 : i32
        %add3A_94 = arith.constant 3 : i32
        %add3A_95 = arith.addi %add3A_93, %add3A_94 : i32
        %lt3A_96 = arith.cmpi slt, %add3A_95, %select_n3A_15 : i32
        %convert_element_type3A_97 = arith.extui %lt3A_96 : i1 to i32
        %cond3A_98 = arith.constant 0 : i32
        %cond3A_99 = arith.cmpi ne, %convert_element_type3A_97, %cond3A_98 : i32
        scf.if %cond3A_99 {
          %dma_start3A_116 = arith.constant 0 : i32
          %dma_start3A_117 = tpu.memref_slice %arg7[%add3A_95, %dma_start3A_116] : memref<60x64xi32, #tpu.memory_space<vmem>> -> memref<1x64xi32, #tpu.memory_space<vmem>>
          %dma_start3A_118 = tpu.memref_squeeze %dma_start3A_117 : memref<1x64xi32, #tpu.memory_space<vmem>> -> memref<64xi32, #tpu.memory_space<vmem>>
          %dma_start3A_119 = arith.constant 0 : i32
          %dma_start3A_120 = arith.constant 0 : i32
          %dma_start3A_121 = tpu.memref_slice %arg2[%dma_start3A_119, %dma_start3A_120] : memref<10240x128xf32, #tpu.memory_space<hbm>> -> memref<10240x128xf32, #tpu.memory_space<hbm>>
          tpu.enqueue_indirect_dma source(%dma_start3A_121 : memref<10240x128xf32, #tpu.memory_space<hbm>>) target(%arg10 : memref<64x128xf32, #tpu.memory_space<vmem>>) offsets(%dma_start3A_118 : memref<64xi32, #tpu.memory_space<vmem>>) semaphore(%arg15 : memref<!tpu.dma_semaphore, #tpu.memory_space<semaphore_mem>>)
        } else {
        }
        %lt3A_100 = arith.cmpi slt, %add3A_93, %select_n3A_15 : i32
        %convert_element_type3A_101 = arith.extui %lt3A_100 : i1 to i32
        %cond3A_102 = arith.constant 0 : i32
        %cond3A_103 = arith.cmpi ne, %convert_element_type3A_101, %cond3A_102 : i32
        scf.if %cond3A_103 {
          %dma_wait3A = arith.constant 0 : i32
          %dma_wait3A_116 = arith.constant 0 : i32
          %dma_wait3A_117 = tpu.memref_slice %arg7[%dma_wait3A, %dma_wait3A_116] : memref<60x64xi32, #tpu.memory_space<vmem>> -> memref<1x64xi32, #tpu.memory_space<vmem>>
          %dma_wait3A_118 = tpu.memref_squeeze %dma_wait3A_117 : memref<1x64xi32, #tpu.memory_space<vmem>> -> memref<64xi32, #tpu.memory_space<vmem>>
          %dma_wait3A_119 = arith.constant 0 : i32
          %dma_wait3A_120 = arith.constant 0 : i32
          %dma_wait3A_121 = tpu.memref_slice %arg2[%dma_wait3A_119, %dma_wait3A_120] : memref<10240x128xf32, #tpu.memory_space<hbm>> -> memref<10240x128xf32, #tpu.memory_space<hbm>>
          tpu.wait_indirect_dma semaphore(%arg16 : memref<!tpu.dma_semaphore, #tpu.memory_space<semaphore_mem>>) src(%dma_wait3A_121 : memref<10240x128xf32, #tpu.memory_space<hbm>>) dst(%arg11 : memref<64x128xf32, #tpu.memory_space<vmem>>)
          "tpu.region"() ({
            %run_scoped3A = tpu.sem_alloc : memref<!tpu.dma_semaphore, #tpu.memory_space<semaphore_mem>>
            %dma_start3A_122 = arith.constant 0 : i32
            %dma_start3A_123 = tpu.memref_slice %arg8[%add3A_93, %dma_start3A_122] : memref<60x64xi32, #tpu.memory_space<vmem>> -> memref<1x64xi32, #tpu.memory_space<vmem>>
            %dma_start3A_124 = tpu.memref_squeeze %dma_start3A_123 : memref<1x64xi32, #tpu.memory_space<vmem>> -> memref<64xi32, #tpu.memory_space<vmem>>
            %dma_start3A_125 = arith.constant 0 : i32
            %dma_start3A_126 = arith.constant 0 : i32
            %dma_start3A_127 = tpu.memref_slice %arg13[%dma_start3A_125, %dma_start3A_126] : memref<10240x128xf32, #tpu.memory_space<vmem_shared>> -> memref<10240x128xf32, #tpu.memory_space<vmem_shared>>
            tpu.enqueue_indirect_dma source(%arg11 : memref<64x128xf32, #tpu.memory_space<vmem>>) target(%dma_start3A_127 : memref<10240x128xf32, #tpu.memory_space<vmem_shared>>) offsets(%dma_start3A_124 : memref<64xi32, #tpu.memory_space<vmem>>) semaphore(%run_scoped3A : memref<!tpu.dma_semaphore, #tpu.memory_space<semaphore_mem>>) {add = true}
            %dma_wait3A_128 = arith.constant 0 : i32
            %dma_wait3A_129 = tpu.memref_slice %arg8[%add3A_93, %dma_wait3A_128] : memref<60x64xi32, #tpu.memory_space<vmem>> -> memref<1x64xi32, #tpu.memory_space<vmem>>
            %dma_wait3A_130 = tpu.memref_squeeze %dma_wait3A_129 : memref<1x64xi32, #tpu.memory_space<vmem>> -> memref<64xi32, #tpu.memory_space<vmem>>
            %dma_wait3A_131 = arith.constant 0 : i32
            %dma_wait3A_132 = arith.constant 0 : i32
            %dma_wait3A_133 = tpu.memref_slice %arg13[%dma_wait3A_131, %dma_wait3A_132] : memref<10240x128xf32, #tpu.memory_space<vmem_shared>> -> memref<10240x128xf32, #tpu.memory_space<vmem_shared>>
            tpu.wait_indirect_dma semaphore(%run_scoped3A : memref<!tpu.dma_semaphore, #tpu.memory_space<semaphore_mem>>) src(%arg11 : memref<64x128xf32, #tpu.memory_space<vmem>>) dst(%dma_wait3A_133 : memref<10240x128xf32, #tpu.memory_space<vmem_shared>>)
            tpu.yield
          }) : () -> ()
        } else {
        }
        %add3A_104 = arith.constant 3 : i32
        %add3A_105 = arith.addi %mul3A_70, %add3A_104 : i32
        %add3A_106 = arith.constant 3 : i32
        %add3A_107 = arith.addi %add3A_105, %add3A_106 : i32
        %lt3A_108 = arith.cmpi slt, %add3A_107, %select_n3A_15 : i32
        %convert_element_type3A_109 = arith.extui %lt3A_108 : i1 to i32
        %cond3A_110 = arith.constant 0 : i32
        %cond3A_111 = arith.cmpi ne, %convert_element_type3A_109, %cond3A_110 : i32
        scf.if %cond3A_111 {
          %dma_start3A_116 = arith.constant 0 : i32
          %dma_start3A_117 = tpu.memref_slice %arg7[%add3A_107, %dma_start3A_116] : memref<60x64xi32, #tpu.memory_space<vmem>> -> memref<1x64xi32, #tpu.memory_space<vmem>>
          %dma_start3A_118 = tpu.memref_squeeze %dma_start3A_117 : memref<1x64xi32, #tpu.memory_space<vmem>> -> memref<64xi32, #tpu.memory_space<vmem>>
          %dma_start3A_119 = arith.constant 0 : i32
          %dma_start3A_120 = arith.constant 0 : i32
          %dma_start3A_121 = tpu.memref_slice %arg2[%dma_start3A_119, %dma_start3A_120] : memref<10240x128xf32, #tpu.memory_space<hbm>> -> memref<10240x128xf32, #tpu.memory_space<hbm>>
          tpu.enqueue_indirect_dma source(%dma_start3A_121 : memref<10240x128xf32, #tpu.memory_space<hbm>>) target(%arg11 : memref<64x128xf32, #tpu.memory_space<vmem>>) offsets(%dma_start3A_118 : memref<64xi32, #tpu.memory_space<vmem>>) semaphore(%arg16 : memref<!tpu.dma_semaphore, #tpu.memory_space<semaphore_mem>>)
        } else {
        }
        %lt3A_112 = arith.cmpi slt, %add3A_105, %select_n3A_15 : i32
        %convert_element_type3A_113 = arith.extui %lt3A_112 : i1 to i32
        %cond3A_114 = arith.constant 0 : i32
        %cond3A_115 = arith.cmpi ne, %convert_element_type3A_113, %cond3A_114 : i32
        scf.if %cond3A_115 {
          %dma_wait3A = arith.constant 0 : i32
          %dma_wait3A_116 = arith.constant 0 : i32
          %dma_wait3A_117 = tpu.memref_slice %arg7[%dma_wait3A, %dma_wait3A_116] : memref<60x64xi32, #tpu.memory_space<vmem>> -> memref<1x64xi32, #tpu.memory_space<vmem>>
          %dma_wait3A_118 = tpu.memref_squeeze %dma_wait3A_117 : memref<1x64xi32, #tpu.memory_space<vmem>> -> memref<64xi32, #tpu.memory_space<vmem>>
          %dma_wait3A_119 = arith.constant 0 : i32
          %dma_wait3A_120 = arith.constant 0 : i32
          %dma_wait3A_121 = tpu.memref_slice %arg2[%dma_wait3A_119, %dma_wait3A_120] : memref<10240x128xf32, #tpu.memory_space<hbm>> -> memref<10240x128xf32, #tpu.memory_space<hbm>>
          tpu.wait_indirect_dma semaphore(%arg17 : memref<!tpu.dma_semaphore, #tpu.memory_space<semaphore_mem>>) src(%dma_wait3A_121 : memref<10240x128xf32, #tpu.memory_space<hbm>>) dst(%arg12 : memref<64x128xf32, #tpu.memory_space<vmem>>)
          "tpu.region"() ({
            %run_scoped3A = tpu.sem_alloc : memref<!tpu.dma_semaphore, #tpu.memory_space<semaphore_mem>>
            %dma_start3A_122 = arith.constant 0 : i32
            %dma_start3A_123 = tpu.memref_slice %arg8[%add3A_105, %dma_start3A_122] : memref<60x64xi32, #tpu.memory_space<vmem>> -> memref<1x64xi32, #tpu.memory_space<vmem>>
            %dma_start3A_124 = tpu.memref_squeeze %dma_start3A_123 : memref<1x64xi32, #tpu.memory_space<vmem>> -> memref<64xi32, #tpu.memory_space<vmem>>
            %dma_start3A_125 = arith.constant 0 : i32
            %dma_start3A_126 = arith.constant 0 : i32
            %dma_start3A_127 = tpu.memref_slice %arg13[%dma_start3A_125, %dma_start3A_126] : memref<10240x128xf32, #tpu.memory_space<vmem_shared>> -> memref<10240x128xf32, #tpu.memory_space<vmem_shared>>
            tpu.enqueue_indirect_dma source(%arg12 : memref<64x128xf32, #tpu.memory_space<vmem>>) target(%dma_start3A_127 : memref<10240x128xf32, #tpu.memory_space<vmem_shared>>) offsets(%dma_start3A_124 : memref<64xi32, #tpu.memory_space<vmem>>) semaphore(%run_scoped3A : memref<!tpu.dma_semaphore, #tpu.memory_space<semaphore_mem>>) {add = true}
            %dma_wait3A_128 = arith.constant 0 : i32
            %dma_wait3A_129 = tpu.memref_slice %arg8[%add3A_105, %dma_wait3A_128] : memref<60x64xi32, #tpu.memory_space<vmem>> -> memref<1x64xi32, #tpu.memory_space<vmem>>
            %dma_wait3A_130 = tpu.memref_squeeze %dma_wait3A_129 : memref<1x64xi32, #tpu.memory_space<vmem>> -> memref<64xi32, #tpu.memory_space<vmem>>
            %dma_wait3A_131 = arith.constant 0 : i32
            %dma_wait3A_132 = arith.constant 0 : i32
            %dma_wait3A_133 = tpu.memref_slice %arg13[%dma_wait3A_131, %dma_wait3A_132] : memref<10240x128xf32, #tpu.memory_space<vmem_shared>> -> memref<10240x128xf32, #tpu.memory_space<vmem_shared>>
            tpu.wait_indirect_dma semaphore(%run_scoped3A : memref<!tpu.dma_semaphore, #tpu.memory_space<semaphore_mem>>) src(%arg12 : memref<64x128xf32, #tpu.memory_space<vmem>>) dst(%dma_wait3A_133 : memref<10240x128xf32, #tpu.memory_space<vmem_shared>>)
            tpu.yield
          }) : () -> ()
        } else {
        }
      }
      %while3A_67 = arith.constant 1 : i32
      scf.for %while3A_68 = %while3A_65 to %while3A_61 step %while3A_67  : i32 {
        %mul3A_69 = arith.constant 4 : i32
        %mul3A_70 = arith.muli %while3A_68, %mul3A_69 : i32
        %add3A_71 = arith.constant 0 : i32
        %add3A_72 = arith.addi %mul3A_70, %add3A_71 : i32
        %add3A_73 = arith.constant 3 : i32
        %add3A_74 = arith.addi %add3A_72, %add3A_73 : i32
        %lt3A = arith.cmpi slt, %add3A_74, %select_n3A_15 : i32
        %convert_element_type3A = arith.extui %lt3A : i1 to i32
        %cond3A = arith.constant 0 : i32
        %cond3A_75 = arith.cmpi ne, %convert_element_type3A, %cond3A : i32
        scf.if %cond3A_75 {
          %dma_start3A_116 = arith.constant 0 : i32
          %dma_start3A_117 = tpu.memref_slice %arg7[%add3A_74, %dma_start3A_116] : memref<60x64xi32, #tpu.memory_space<vmem>> -> memref<1x64xi32, #tpu.memory_space<vmem>>
          %dma_start3A_118 = tpu.memref_squeeze %dma_start3A_117 : memref<1x64xi32, #tpu.memory_space<vmem>> -> memref<64xi32, #tpu.memory_space<vmem>>
          %dma_start3A_119 = arith.constant 0 : i32
          %dma_start3A_120 = arith.constant 0 : i32
          %dma_start3A_121 = tpu.memref_slice %arg2[%dma_start3A_119, %dma_start3A_120] : memref<10240x128xf32, #tpu.memory_space<hbm>> -> memref<10240x128xf32, #tpu.memory_space<hbm>>
          tpu.enqueue_indirect_dma source(%dma_start3A_121 : memref<10240x128xf32, #tpu.memory_space<hbm>>) target(%arg12 : memref<64x128xf32, #tpu.memory_space<vmem>>) offsets(%dma_start3A_118 : memref<64xi32, #tpu.memory_space<vmem>>) semaphore(%arg17 : memref<!tpu.dma_semaphore, #tpu.memory_space<semaphore_mem>>)
        } else {
        }
        %lt3A_76 = arith.cmpi slt, %add3A_72, %select_n3A_15 : i32
        %convert_element_type3A_77 = arith.extui %lt3A_76 : i1 to i32
        %cond3A_78 = arith.constant 0 : i32
        %cond3A_79 = arith.cmpi ne, %convert_element_type3A_77, %cond3A_78 : i32
        scf.if %cond3A_79 {
          %dma_wait3A = arith.constant 0 : i32
          %dma_wait3A_116 = arith.constant 0 : i32
          %dma_wait3A_117 = tpu.memref_slice %arg7[%dma_wait3A, %dma_wait3A_116] : memref<60x64xi32, #tpu.memory_space<vmem>> -> memref<1x64xi32, #tpu.memory_space<vmem>>
          %dma_wait3A_118 = tpu.memref_squeeze %dma_wait3A_117 : memref<1x64xi32, #tpu.memory_space<vmem>> -> memref<64xi32, #tpu.memory_space<vmem>>
          %dma_wait3A_119 = arith.constant 0 : i32
          %dma_wait3A_120 = arith.constant 0 : i32
          %dma_wait3A_121 = tpu.memref_slice %arg2[%dma_wait3A_119, %dma_wait3A_120] : memref<10240x128xf32, #tpu.memory_space<hbm>> -> memref<10240x128xf32, #tpu.memory_space<hbm>>
          tpu.wait_indirect_dma semaphore(%arg14 : memref<!tpu.dma_semaphore, #tpu.memory_space<semaphore_mem>>) src(%dma_wait3A_121 : memref<10240x128xf32, #tpu.memory_space<hbm>>) dst(%arg9 : memref<64x128xf32, #tpu.memory_space<vmem>>)
          "tpu.region"() ({
            %run_scoped3A = tpu.sem_alloc : memref<!tpu.dma_semaphore, #tpu.memory_space<semaphore_mem>>
            %dma_start3A_122 = arith.constant 0 : i32
            %dma_start3A_123 = tpu.memref_slice %arg8[%add3A_72, %dma_start3A_122] : memref<60x64xi32, #tpu.memory_space<vmem>> -> memref<1x64xi32, #tpu.memory_space<vmem>>
            %dma_start3A_124 = tpu.memref_squeeze %dma_start3A_123 : memref<1x64xi32, #tpu.memory_space<vmem>> -> memref<64xi32, #tpu.memory_space<vmem>>
            %dma_start3A_125 = arith.constant 0 : i32
            %dma_start3A_126 = arith.constant 0 : i32
            %dma_start3A_127 = tpu.memref_slice %arg13[%dma_start3A_125, %dma_start3A_126] : memref<10240x128xf32, #tpu.memory_space<vmem_shared>> -> memref<10240x128xf32, #tpu.memory_space<vmem_shared>>
            tpu.enqueue_indirect_dma source(%arg9 : memref<64x128xf32, #tpu.memory_space<vmem>>) target(%dma_start3A_127 : memref<10240x128xf32, #tpu.memory_space<vmem_shared>>) offsets(%dma_start3A_124 : memref<64xi32, #tpu.memory_space<vmem>>) semaphore(%run_scoped3A : memref<!tpu.dma_semaphore, #tpu.memory_space<semaphore_mem>>) {add = true}
            %dma_wait3A_128 = arith.constant 0 : i32
            %dma_wait3A_129 = tpu.memref_slice %arg8[%add3A_72, %dma_wait3A_128] : memref<60x64xi32, #tpu.memory_space<vmem>> -> memref<1x64xi32, #tpu.memory_space<vmem>>
            %dma_wait3A_130 = tpu.memref_squeeze %dma_wait3A_129 : memref<1x64xi32, #tpu.memory_space<vmem>> -> memref<64xi32, #tpu.memory_space<vmem>>
            %dma_wait3A_131 = arith.constant 0 : i32
            %dma_wait3A_132 = arith.constant 0 : i32
            %dma_wait3A_133 = tpu.memref_slice %arg13[%dma_wait3A_131, %dma_wait3A_132] : memref<10240x128xf32, #tpu.memory_space<vmem_shared>> -> memref<10240x128xf32, #tpu.memory_space<vmem_shared>>
            tpu.wait_indirect_dma semaphore(%run_scoped3A : memref<!tpu.dma_semaphore, #tpu.memory_space<semaphore_mem>>) src(%arg9 : memref<64x128xf32, #tpu.memory_space<vmem>>) dst(%dma_wait3A_133 : memref<10240x128xf32, #tpu.memory_space<vmem_shared>>)
            tpu.yield
          }) : () -> ()
        } else {
        }
        %add3A_80 = arith.constant 1 : i32
        %add3A_81 = arith.addi %mul3A_70, %add3A_80 : i32
        %add3A_82 = arith.constant 3 : i32
        %add3A_83 = arith.addi %add3A_81, %add3A_82 : i32
        %lt3A_84 = arith.cmpi slt, %add3A_83, %select_n3A_15 : i32
        %convert_element_type3A_85 = arith.extui %lt3A_84 : i1 to i32
        %cond3A_86 = arith.constant 0 : i32
        %cond3A_87 = arith.cmpi ne, %convert_element_type3A_85, %cond3A_86 : i32
        scf.if %cond3A_87 {
          %dma_start3A_116 = arith.constant 0 : i32
          %dma_start3A_117 = tpu.memref_slice %arg7[%add3A_83, %dma_start3A_116] : memref<60x64xi32, #tpu.memory_space<vmem>> -> memref<1x64xi32, #tpu.memory_space<vmem>>
          %dma_start3A_118 = tpu.memref_squeeze %dma_start3A_117 : memref<1x64xi32, #tpu.memory_space<vmem>> -> memref<64xi32, #tpu.memory_space<vmem>>
          %dma_start3A_119 = arith.constant 0 : i32
          %dma_start3A_120 = arith.constant 0 : i32
          %dma_start3A_121 = tpu.memref_slice %arg2[%dma_start3A_119, %dma_start3A_120] : memref<10240x128xf32, #tpu.memory_space<hbm>> -> memref<10240x128xf32, #tpu.memory_space<hbm>>
          tpu.enqueue_indirect_dma source(%dma_start3A_121 : memref<10240x128xf32, #tpu.memory_space<hbm>>) target(%arg9 : memref<64x128xf32, #tpu.memory_space<vmem>>) offsets(%dma_start3A_118 : memref<64xi32, #tpu.memory_space<vmem>>) semaphore(%arg14 : memref<!tpu.dma_semaphore, #tpu.memory_space<semaphore_mem>>)
        } else {
        }
        %lt3A_88 = arith.cmpi slt, %add3A_81, %select_n3A_15 : i32
        %convert_element_type3A_89 = arith.extui %lt3A_88 : i1 to i32
        %cond3A_90 = arith.constant 0 : i32
        %cond3A_91 = arith.cmpi ne, %convert_element_type3A_89, %cond3A_90 : i32
        scf.if %cond3A_91 {
          %dma_wait3A = arith.constant 0 : i32
          %dma_wait3A_116 = arith.constant 0 : i32
          %dma_wait3A_117 = tpu.memref_slice %arg7[%dma_wait3A, %dma_wait3A_116] : memref<60x64xi32, #tpu.memory_space<vmem>> -> memref<1x64xi32, #tpu.memory_space<vmem>>
          %dma_wait3A_118 = tpu.memref_squeeze %dma_wait3A_117 : memref<1x64xi32, #tpu.memory_space<vmem>> -> memref<64xi32, #tpu.memory_space<vmem>>
          %dma_wait3A_119 = arith.constant 0 : i32
          %dma_wait3A_120 = arith.constant 0 : i32
          %dma_wait3A_121 = tpu.memref_slice %arg2[%dma_wait3A_119, %dma_wait3A_120] : memref<10240x128xf32, #tpu.memory_space<hbm>> -> memref<10240x128xf32, #tpu.memory_space<hbm>>
          tpu.wait_indirect_dma semaphore(%arg15 : memref<!tpu.dma_semaphore, #tpu.memory_space<semaphore_mem>>) src(%dma_wait3A_121 : memref<10240x128xf32, #tpu.memory_space<hbm>>) dst(%arg10 : memref<64x128xf32, #tpu.memory_space<vmem>>)
          "tpu.region"() ({
            %run_scoped3A = tpu.sem_alloc : memref<!tpu.dma_semaphore, #tpu.memory_space<semaphore_mem>>
            %dma_start3A_122 = arith.constant 0 : i32
            %dma_start3A_123 = tpu.memref_slice %arg8[%add3A_81, %dma_start3A_122] : memref<60x64xi32, #tpu.memory_space<vmem>> -> memref<1x64xi32, #tpu.memory_space<vmem>>
            %dma_start3A_124 = tpu.memref_squeeze %dma_start3A_123 : memref<1x64xi32, #tpu.memory_space<vmem>> -> memref<64xi32, #tpu.memory_space<vmem>>
            %dma_start3A_125 = arith.constant 0 : i32
            %dma_start3A_126 = arith.constant 0 : i32
            %dma_start3A_127 = tpu.memref_slice %arg13[%dma_start3A_125, %dma_start3A_126] : memref<10240x128xf32, #tpu.memory_space<vmem_shared>> -> memref<10240x128xf32, #tpu.memory_space<vmem_shared>>
            tpu.enqueue_indirect_dma source(%arg10 : memref<64x128xf32, #tpu.memory_space<vmem>>) target(%dma_start3A_127 : memref<10240x128xf32, #tpu.memory_space<vmem_shared>>) offsets(%dma_start3A_124 : memref<64xi32, #tpu.memory_space<vmem>>) semaphore(%run_scoped3A : memref<!tpu.dma_semaphore, #tpu.memory_space<semaphore_mem>>) {add = true}
            %dma_wait3A_128 = arith.constant 0 : i32
            %dma_wait3A_129 = tpu.memref_slice %arg8[%add3A_81, %dma_wait3A_128] : memref<60x64xi32, #tpu.memory_space<vmem>> -> memref<1x64xi32, #tpu.memory_space<vmem>>
            %dma_wait3A_130 = tpu.memref_squeeze %dma_wait3A_129 : memref<1x64xi32, #tpu.memory_space<vmem>> -> memref<64xi32, #tpu.memory_space<vmem>>
            %dma_wait3A_131 = arith.constant 0 : i32
            %dma_wait3A_132 = arith.constant 0 : i32
            %dma_wait3A_133 = tpu.memref_slice %arg13[%dma_wait3A_131, %dma_wait3A_132] : memref<10240x128xf32, #tpu.memory_space<vmem_shared>> -> memref<10240x128xf32, #tpu.memory_space<vmem_shared>>
            tpu.wait_indirect_dma semaphore(%run_scoped3A : memref<!tpu.dma_semaphore, #tpu.memory_space<semaphore_mem>>) src(%arg10 : memref<64x128xf32, #tpu.memory_space<vmem>>) dst(%dma_wait3A_133 : memref<10240x128xf32, #tpu.memory_space<vmem_shared>>)
            tpu.yield
          }) : () -> ()
        } else {
        }
        %add3A_92 = arith.constant 2 : i32
        %add3A_93 = arith.addi %mul3A_70, %add3A_92 : i32
        %add3A_94 = arith.constant 3 : i32
        %add3A_95 = arith.addi %add3A_93, %add3A_94 : i32
        %lt3A_96 = arith.cmpi slt, %add3A_95, %select_n3A_15 : i32
        %convert_element_type3A_97 = arith.extui %lt3A_96 : i1 to i32
        %cond3A_98 = arith.constant 0 : i32
        %cond3A_99 = arith.cmpi ne, %convert_element_type3A_97, %cond3A_98 : i32
        scf.if %cond3A_99 {
          %dma_start3A_116 = arith.constant 0 : i32
          %dma_start3A_117 = tpu.memref_slice %arg7[%add3A_95, %dma_start3A_116] : memref<60x64xi32, #tpu.memory_space<vmem>> -> memref<1x64xi32, #tpu.memory_space<vmem>>
          %dma_start3A_118 = tpu.memref_squeeze %dma_start3A_117 : memref<1x64xi32, #tpu.memory_space<vmem>> -> memref<64xi32, #tpu.memory_space<vmem>>
          %dma_start3A_119 = arith.constant 0 : i32
          %dma_start3A_120 = arith.constant 0 : i32
          %dma_start3A_121 = tpu.memref_slice %arg2[%dma_start3A_119, %dma_start3A_120] : memref<10240x128xf32, #tpu.memory_space<hbm>> -> memref<10240x128xf32, #tpu.memory_space<hbm>>
          tpu.enqueue_indirect_dma source(%dma_start3A_121 : memref<10240x128xf32, #tpu.memory_space<hbm>>) target(%arg10 : memref<64x128xf32, #tpu.memory_space<vmem>>) offsets(%dma_start3A_118 : memref<64xi32, #tpu.memory_space<vmem>>) semaphore(%arg15 : memref<!tpu.dma_semaphore, #tpu.memory_space<semaphore_mem>>)
        } else {
        }
        %lt3A_100 = arith.cmpi slt, %add3A_93, %select_n3A_15 : i32
        %convert_element_type3A_101 = arith.extui %lt3A_100 : i1 to i32
        %cond3A_102 = arith.constant 0 : i32
        %cond3A_103 = arith.cmpi ne, %convert_element_type3A_101, %cond3A_102 : i32
        scf.if %cond3A_103 {
          %dma_wait3A = arith.constant 0 : i32
          %dma_wait3A_116 = arith.constant 0 : i32
          %dma_wait3A_117 = tpu.memref_slice %arg7[%dma_wait3A, %dma_wait3A_116] : memref<60x64xi32, #tpu.memory_space<vmem>> -> memref<1x64xi32, #tpu.memory_space<vmem>>
          %dma_wait3A_118 = tpu.memref_squeeze %dma_wait3A_117 : memref<1x64xi32, #tpu.memory_space<vmem>> -> memref<64xi32, #tpu.memory_space<vmem>>
          %dma_wait3A_119 = arith.constant 0 : i32
          %dma_wait3A_120 = arith.constant 0 : i32
          %dma_wait3A_121 = tpu.memref_slice %arg2[%dma_wait3A_119, %dma_wait3A_120] : memref<10240x128xf32, #tpu.memory_space<hbm>> -> memref<10240x128xf32, #tpu.memory_space<hbm>>
          tpu.wait_indirect_dma semaphore(%arg16 : memref<!tpu.dma_semaphore, #tpu.memory_space<semaphore_mem>>) src(%dma_wait3A_121 : memref<10240x128xf32, #tpu.memory_space<hbm>>) dst(%arg11 : memref<64x128xf32, #tpu.memory_space<vmem>>)
          "tpu.region"() ({
            %run_scoped3A = tpu.sem_alloc : memref<!tpu.dma_semaphore, #tpu.memory_space<semaphore_mem>>
            %dma_start3A_122 = arith.constant 0 : i32
            %dma_start3A_123 = tpu.memref_slice %arg8[%add3A_93, %dma_start3A_122] : memref<60x64xi32, #tpu.memory_space<vmem>> -> memref<1x64xi32, #tpu.memory_space<vmem>>
            %dma_start3A_124 = tpu.memref_squeeze %dma_start3A_123 : memref<1x64xi32, #tpu.memory_space<vmem>> -> memref<64xi32, #tpu.memory_space<vmem>>
            %dma_start3A_125 = arith.constant 0 : i32
            %dma_start3A_126 = arith.constant 0 : i32
            %dma_start3A_127 = tpu.memref_slice %arg13[%dma_start3A_125, %dma_start3A_126] : memref<10240x128xf32, #tpu.memory_space<vmem_shared>> -> memref<10240x128xf32, #tpu.memory_space<vmem_shared>>
            tpu.enqueue_indirect_dma source(%arg11 : memref<64x128xf32, #tpu.memory_space<vmem>>) target(%dma_start3A_127 : memref<10240x128xf32, #tpu.memory_space<vmem_shared>>) offsets(%dma_start3A_124 : memref<64xi32, #tpu.memory_space<vmem>>) semaphore(%run_scoped3A : memref<!tpu.dma_semaphore, #tpu.memory_space<semaphore_mem>>) {add = true}
            %dma_wait3A_128 = arith.constant 0 : i32
            %dma_wait3A_129 = tpu.memref_slice %arg8[%add3A_93, %dma_wait3A_128] : memref<60x64xi32, #tpu.memory_space<vmem>> -> memref<1x64xi32, #tpu.memory_space<vmem>>
            %dma_wait3A_130 = tpu.memref_squeeze %dma_wait3A_129 : memref<1x64xi32, #tpu.memory_space<vmem>> -> memref<64xi32, #tpu.memory_space<vmem>>
            %dma_wait3A_131 = arith.constant 0 : i32
            %dma_wait3A_132 = arith.constant 0 : i32
            %dma_wait3A_133 = tpu.memref_slice %arg13[%dma_wait3A_131, %dma_wait3A_132] : memref<10240x128xf32, #tpu.memory_space<vmem_shared>> -> memref<10240x128xf32, #tpu.memory_space<vmem_shared>>
            tpu.wait_indirect_dma semaphore(%run_scoped3A : memref<!tpu.dma_semaphore, #tpu.memory_space<semaphore_mem>>) src(%arg11 : memref<64x128xf32, #tpu.memory_space<vmem>>) dst(%dma_wait3A_133 : memref<10240x128xf32, #tpu.memory_space<vmem_shared>>)
            tpu.yield
          }) : () -> ()
        } else {
        }
        %add3A_104 = arith.constant 3 : i32
        %add3A_105 = arith.addi %mul3A_70, %add3A_104 : i32
        %add3A_106 = arith.constant 3 : i32
        %add3A_107 = arith.addi %add3A_105, %add3A_106 : i32
        %lt3A_108 = arith.cmpi slt, %add3A_107, %select_n3A_15 : i32
        %convert_element_type3A_109 = arith.extui %lt3A_108 : i1 to i32
        %cond3A_110 = arith.constant 0 : i32
        %cond3A_111 = arith.cmpi ne, %convert_element_type3A_109, %cond3A_110 : i32
        scf.if %cond3A_111 {
          %dma_start3A_116 = arith.constant 0 : i32
          %dma_start3A_117 = tpu.memref_slice %arg7[%add3A_107, %dma_start3A_116] : memref<60x64xi32, #tpu.memory_space<vmem>> -> memref<1x64xi32, #tpu.memory_space<vmem>>
          %dma_start3A_118 = tpu.memref_squeeze %dma_start3A_117 : memref<1x64xi32, #tpu.memory_space<vmem>> -> memref<64xi32, #tpu.memory_space<vmem>>
          %dma_start3A_119 = arith.constant 0 : i32
          %dma_start3A_120 = arith.constant 0 : i32
          %dma_start3A_121 = tpu.memref_slice %arg2[%dma_start3A_119, %dma_start3A_120] : memref<10240x128xf32, #tpu.memory_space<hbm>> -> memref<10240x128xf32, #tpu.memory_space<hbm>>
          tpu.enqueue_indirect_dma source(%dma_start3A_121 : memref<10240x128xf32, #tpu.memory_space<hbm>>) target(%arg11 : memref<64x128xf32, #tpu.memory_space<vmem>>) offsets(%dma_start3A_118 : memref<64xi32, #tpu.memory_space<vmem>>) semaphore(%arg16 : memref<!tpu.dma_semaphore, #tpu.memory_space<semaphore_mem>>)
        } else {
        }
        %lt3A_112 = arith.cmpi slt, %add3A_105, %select_n3A_15 : i32
        %convert_element_type3A_113 = arith.extui %lt3A_112 : i1 to i32
        %cond3A_114 = arith.constant 0 : i32
        %cond3A_115 = arith.cmpi ne, %convert_element_type3A_113, %cond3A_114 : i32
        scf.if %cond3A_115 {
          %dma_wait3A = arith.constant 0 : i32
          %dma_wait3A_116 = arith.constant 0 : i32
          %dma_wait3A_117 = tpu.memref_slice %arg7[%dma_wait3A, %dma_wait3A_116] : memref<60x64xi32, #tpu.memory_space<vmem>> -> memref<1x64xi32, #tpu.memory_space<vmem>>
          %dma_wait3A_118 = tpu.memref_squeeze %dma_wait3A_117 : memref<1x64xi32, #tpu.memory_space<vmem>> -> memref<64xi32, #tpu.memory_space<vmem>>
          %dma_wait3A_119 = arith.constant 0 : i32
          %dma_wait3A_120 = arith.constant 0 : i32
          %dma_wait3A_121 = tpu.memref_slice %arg2[%dma_wait3A_119, %dma_wait3A_120] : memref<10240x128xf32, #tpu.memory_space<hbm>> -> memref<10240x128xf32, #tpu.memory_space<hbm>>
          tpu.wait_indirect_dma semaphore(%arg17 : memref<!tpu.dma_semaphore, #tpu.memory_space<semaphore_mem>>) src(%dma_wait3A_121 : memref<10240x128xf32, #tpu.memory_space<hbm>>) dst(%arg12 : memref<64x128xf32, #tpu.memory_space<vmem>>)
          "tpu.region"() ({
            %run_scoped3A = tpu.sem_alloc : memref<!tpu.dma_semaphore, #tpu.memory_space<semaphore_mem>>
            %dma_start3A_122 = arith.constant 0 : i32
            %dma_start3A_123 = tpu.memref_slice %arg8[%add3A_105, %dma_start3A_122] : memref<60x64xi32, #tpu.memory_space<vmem>> -> memref<1x64xi32, #tpu.memory_space<vmem>>
            %dma_start3A_124 = tpu.memref_squeeze %dma_start3A_123 : memref<1x64xi32, #tpu.memory_space<vmem>> -> memref<64xi32, #tpu.memory_space<vmem>>
            %dma_start3A_125 = arith.constant 0 : i32
            %dma_start3A_126 = arith.constant 0 : i32
            %dma_start3A_127 = tpu.memref_slice %arg13[%dma_start3A_125, %dma_start3A_126] : memref<10240x128xf32, #tpu.memory_space<vmem_shared>> -> memref<10240x128xf32, #tpu.memory_space<vmem_shared>>
            tpu.enqueue_indirect_dma source(%arg12 : memref<64x128xf32, #tpu.memory_space<vmem>>) target(%dma_start3A_127 : memref<10240x128xf32, #tpu.memory_space<vmem_shared>>) offsets(%dma_start3A_124 : memref<64xi32, #tpu.memory_space<vmem>>) semaphore(%run_scoped3A : memref<!tpu.dma_semaphore, #tpu.memory_space<semaphore_mem>>) {add = true}
            %dma_wait3A_128 = arith.constant 0 : i32
            %dma_wait3A_129 = tpu.memref_slice %arg8[%add3A_105, %dma_wait3A_128] : memref<60x64xi32, #tpu.memory_space<vmem>> -> memref<1x64xi32, #tpu.memory_space<vmem>>
            %dma_wait3A_130 = tpu.memref_squeeze %dma_wait3A_129 : memref<1x64xi32, #tpu.memory_space<vmem>> -> memref<64xi32, #tpu.memory_space<vmem>>
            %dma_wait3A_131 = arith.constant 0 : i32
            %dma_wait3A_132 = arith.constant 0 : i32
            %dma_wait3A_133 = tpu.memref_slice %arg13[%dma_wait3A_131, %dma_wait3A_132] : memref<10240x128xf32, #tpu.memory_space<vmem_shared>> -> memref<10240x128xf32, #tpu.memory_space<vmem_shared>>
            tpu.wait_indirect_dma semaphore(%run_scoped3A : memref<!tpu.dma_semaphore, #tpu.memory_space<semaphore_mem>>) src(%arg12 : memref<64x128xf32, #tpu.memory_space<vmem>>) dst(%dma_wait3A_133 : memref<10240x128xf32, #tpu.memory_space<vmem_shared>>)
            tpu.yield
          }) : () -> ()
        } else {
        }
      }
    }
    %barrier3A_36 = arith.constant 0 : index
    tpu.barrier barrier_id(%barrier3A_36)
    "tpu.region"() ({
      %run_scoped3A = tpu.sem_alloc : memref<!tpu.dma_semaphore, #tpu.memory_space<semaphore_mem>>
      %dma_start3A = arith.constant 0 : i32
      %dma_start3A_37 = tpu.memref_slice %arg6[%arg0, %mul3A_2, %dma_start3A] : memref<2x10240x128xf32, #tpu.memory_space<hbm>> -> memref<1x640x128xf32, #tpu.memory_space<hbm>>
      %dma_start3A_38 = tpu.memref_squeeze %dma_start3A_37 : memref<1x640x128xf32, #tpu.memory_space<hbm>> -> memref<640x128xf32, #tpu.memory_space<hbm>>
      %dma_start3A_39 = arith.constant 0 : i32
      %dma_start3A_40 = tpu.memref_slice %arg13[%mul3A_2, %dma_start3A_39] : memref<10240x128xf32, #tpu.memory_space<vmem_shared>> -> memref<640x128xf32, #tpu.memory_space<vmem_shared>>
      tpu.enqueue_dma source(%dma_start3A_40 : memref<640x128xf32, #tpu.memory_space<vmem_shared>>) target(%dma_start3A_38 : memref<640x128xf32, #tpu.memory_space<hbm>>) target_semaphore(%run_scoped3A : memref<!tpu.dma_semaphore, #tpu.memory_space<semaphore_mem>>)
      %dma_wait3A = arith.constant 0 : i32
      %dma_wait3A_41 = tpu.memref_slice %arg6[%arg0, %mul3A_2, %dma_wait3A] : memref<2x10240x128xf32, #tpu.memory_space<hbm>> -> memref<1x640x128xf32, #tpu.memory_space<hbm>>
      %dma_wait3A_42 = tpu.memref_squeeze %dma_wait3A_41 : memref<1x640x128xf32, #tpu.memory_space<hbm>> -> memref<640x128xf32, #tpu.memory_space<hbm>>
      %dma_wait3A_43 = arith.constant 0 : i32
      %dma_wait3A_44 = tpu.memref_slice %arg13[%mul3A_2, %dma_wait3A_43] : memref<10240x128xf32, #tpu.memory_space<vmem_shared>> -> memref<640x128xf32, #tpu.memory_space<vmem_shared>>
      tpu.wait_dma2 semaphore(%run_scoped3A : memref<!tpu.dma_semaphore, #tpu.memory_space<semaphore_mem>>) src(%dma_wait3A_44 : memref<640x128xf32, #tpu.memory_space<vmem_shared>>) dst(%dma_wait3A_42 : memref<640x128xf32, #tpu.memory_space<hbm>>)
      tpu.yield
    }) : () -> ()
    return
  }
}

#map = affine_map<(d0, d1) -> (0)>
#map1 = affine_map<(d0, d1) -> (0, 0)>
module attributes {stable_mosaic.version = 14 : i64} {
  func.func @k(%arg0: i32, %arg1: i32, %arg2: memref<320512xi32, #tpu.memory_space<hbm>>, %arg3: memref<32x10240xf32, #tpu.memory_space<hbm>>, %arg4: memref<10016xi32, #tpu.memory_space<vmem>>, %arg5: memref<10240xf32, #tpu.memory_space<vmem>>) attributes {dimension_semantics = [#tpu.dimension_semantics<core_parallel>, #tpu.dimension_semantics<subcore_parallel>], iteration_bounds = array<i64: 2, 16>, scalar_prefetch = 0 : i64, scratch_operands = 2 : i64, tpu.core_type = #tpu.core_type<sc_vector_subcore>, window_params = [{transform_indices = #map}, {transform_indices = #map1}]} {
    %mul3A = arith.constant 2 : i32
    %mul3A_0 = arith.muli %arg1, %mul3A : i32
    %add3A = arith.addi %mul3A_0, %arg0 : i32
    %mul3A_1 = arith.constant 10016 : i32
    %mul3A_2 = arith.muli %add3A, %mul3A_1 : i32
    "tpu.region"() ({
      %run_scoped3A = tpu.sem_alloc : memref<!tpu.dma_semaphore, #tpu.memory_space<semaphore_mem>>
      %dma_start3A = tpu.memref_slice %arg2[%mul3A_2] : memref<320512xi32, #tpu.memory_space<hbm>> -> memref<10016xi32, #tpu.memory_space<hbm>>
      %dma_start3A_29 = tpu.memref_slice %arg2[%mul3A_2] : memref<320512xi32, #tpu.memory_space<hbm>> -> memref<10016xi32, #tpu.memory_space<hbm>>
      tpu.enqueue_dma source(%dma_start3A_29 : memref<10016xi32, #tpu.memory_space<hbm>>) target(%arg4 : memref<10016xi32, #tpu.memory_space<vmem>>) target_semaphore(%run_scoped3A : memref<!tpu.dma_semaphore, #tpu.memory_space<semaphore_mem>>)
      %dma_wait3A = tpu.memref_slice %arg2[%mul3A_2] : memref<320512xi32, #tpu.memory_space<hbm>> -> memref<10016xi32, #tpu.memory_space<hbm>>
      %dma_wait3A_30 = tpu.memref_slice %arg2[%mul3A_2] : memref<320512xi32, #tpu.memory_space<hbm>> -> memref<10016xi32, #tpu.memory_space<hbm>>
      tpu.wait_dma2 semaphore(%run_scoped3A : memref<!tpu.dma_semaphore, #tpu.memory_space<semaphore_mem>>) src(%dma_wait3A_30 : memref<10016xi32, #tpu.memory_space<hbm>>) dst(%arg4 : memref<10016xi32, #tpu.memory_space<vmem>>)
      tpu.yield
    }) : () -> ()
    %broadcast_in_dim3A = arith.constant 0.000000e+00 : f32
    %broadcast_in_dim3A_3 = vector.broadcast %broadcast_in_dim3A : f32 to vector<16xf32>
    %while3A = arith.constant 0 : i32
    %while3A_4 = arith.constant 16 : i32
    %while3A_5 = arith.constant 0 : i32
    %while3A_6 = arith.constant 640 : i32
    %while3A_7 = arith.subi %while3A_6, %while3A_5 : i32
    %while3A_8 = arith.addi %while3A_5, %while3A_7 : i32
    %while3A_9 = arith.constant 1 : i32
    %while3A_10 = arith.divsi %while3A_7, %while3A_9 : i32
    %while3A_11 = arith.muli %while3A_10, %while3A_9 : i32
    %while3A_12 = arith.addi %while3A_5, %while3A_11 : i32
    %while3A_13 = arith.constant 1 : i32
    scf.for %while3A_29 = %while3A_5 to %while3A_12 step %while3A_13  : i32 {
      %mul3A_30 = arith.muli %while3A_29, %while3A_4 : i32
      %swap3A = arith.index_cast %mul3A_30 : i32 to index
      %swap3A_31 = tpu.vector_load %arg5[%swap3A] {strides = array<i32>} : memref<10240xf32, #tpu.memory_space<vmem>>, vector<16xf32>,
      tpu.vector_store %arg5[%swap3A], %broadcast_in_dim3A_3 {strides = array<i32>} : memref<10240xf32, #tpu.memory_space<vmem>>, vector<16xf32>,
    }
    %while3A_14 = arith.constant 1 : i32
    scf.for %while3A_29 = %while3A_12 to %while3A_8 step %while3A_14  : i32 {
      %mul3A_30 = arith.muli %while3A_29, %while3A_4 : i32
      %swap3A = arith.index_cast %mul3A_30 : i32 to index
      %swap3A_31 = tpu.vector_load %arg5[%swap3A] {strides = array<i32>} : memref<10240xf32, #tpu.memory_space<vmem>>, vector<16xf32>,
      tpu.vector_store %arg5[%swap3A], %broadcast_in_dim3A_3 {strides = array<i32>} : memref<10240xf32, #tpu.memory_space<vmem>>, vector<16xf32>,
    }
    %broadcast_in_dim3A_15 = arith.constant 1.000000e+00 : f32
    %broadcast_in_dim3A_16 = vector.broadcast %broadcast_in_dim3A_15 : f32 to vector<16xf32>
    %while3A_17 = arith.constant 0 : i32
    %while3A_18 = arith.constant 16 : i32
    %while3A_19 = arith.constant 0 : i32
    %while3A_20 = arith.constant 626 : i32
    %while3A_21 = arith.subi %while3A_20, %while3A_19 : i32
    %while3A_22 = arith.addi %while3A_19, %while3A_21 : i32
    %while3A_23 = arith.constant 1 : i32
    %while3A_24 = arith.divsi %while3A_21, %while3A_23 : i32
    %while3A_25 = arith.muli %while3A_24, %while3A_23 : i32
    %while3A_26 = arith.addi %while3A_19, %while3A_25 : i32
    %while3A_27 = arith.constant 1 : i32
    scf.for %while3A_29 = %while3A_19 to %while3A_26 step %while3A_27  : i32 {
      %mul3A_30 = arith.muli %while3A_29, %while3A_18 : i32
      %get3A = arith.index_cast %mul3A_30 : i32 to index
      %get3A_31 = tpu.vector_load %arg4[%get3A] {strides = array<i32>} : memref<10016xi32, #tpu.memory_space<vmem>>, vector<16xi32>,
      tpu.vector_store_idx %arg5[%get3A_31], %broadcast_in_dim3A_16 {add = true} : memref<10240xf32, #tpu.memory_space<vmem>>[vector<16xi32>], vector<16xf32>,
    }
    %while3A_28 = arith.constant 1 : i32
    scf.for %while3A_29 = %while3A_26 to %while3A_22 step %while3A_28  : i32 {
      %mul3A_30 = arith.muli %while3A_29, %while3A_18 : i32
      %get3A = arith.index_cast %mul3A_30 : i32 to index
      %get3A_31 = tpu.vector_load %arg4[%get3A] {strides = array<i32>} : memref<10016xi32, #tpu.memory_space<vmem>>, vector<16xi32>,
      tpu.vector_store_idx %arg5[%get3A_31], %broadcast_in_dim3A_16 {add = true} : memref<10240xf32, #tpu.memory_space<vmem>>[vector<16xi32>], vector<16xf32>,
    }
    "tpu.region"() ({
      %run_scoped3A = tpu.sem_alloc : memref<!tpu.dma_semaphore, #tpu.memory_space<semaphore_mem>>
      %dma_start3A = arith.constant 0 : i32
      %dma_start3A_29 = tpu.memref_slice %arg3[%add3A, %dma_start3A] : memref<32x10240xf32, #tpu.memory_space<hbm>> -> memref<1x10240xf32, #tpu.memory_space<hbm>>
      %dma_start3A_30 = tpu.memref_squeeze %dma_start3A_29 : memref<1x10240xf32, #tpu.memory_space<hbm>> -> memref<10240xf32, #tpu.memory_space<hbm>>
      %dma_start3A_31 = arith.constant 0 : i32
      %dma_start3A_32 = tpu.memref_slice %arg3[%add3A, %dma_start3A_31] : memref<32x10240xf32, #tpu.memory_space<hbm>> -> memref<1x10240xf32, #tpu.memory_space<hbm>>
      %dma_start3A_33 = tpu.memref_squeeze %dma_start3A_32 : memref<1x10240xf32, #tpu.memory_space<hbm>> -> memref<10240xf32, #tpu.memory_space<hbm>>
      tpu.enqueue_dma source(%arg5 : memref<10240xf32, #tpu.memory_space<vmem>>) target(%dma_start3A_33 : memref<10240xf32, #tpu.memory_space<hbm>>) target_semaphore(%run_scoped3A : memref<!tpu.dma_semaphore, #tpu.memory_space<semaphore_mem>>)
      %dma_wait3A = arith.constant 0 : i32
      %dma_wait3A_34 = tpu.memref_slice %arg3[%add3A, %dma_wait3A] : memref<32x10240xf32, #tpu.memory_space<hbm>> -> memref<1x10240xf32, #tpu.memory_space<hbm>>
      %dma_wait3A_35 = tpu.memref_squeeze %dma_wait3A_34 : memref<1x10240xf32, #tpu.memory_space<hbm>> -> memref<10240xf32, #tpu.memory_space<hbm>>
      %dma_wait3A_36 = arith.constant 0 : i32
      %dma_wait3A_37 = tpu.memref_slice %arg3[%add3A, %dma_wait3A_36] : memref<32x10240xf32, #tpu.memory_space<hbm>> -> memref<1x10240xf32, #tpu.memory_space<hbm>>
      %dma_wait3A_38 = tpu.memref_squeeze %dma_wait3A_37 : memref<1x10240xf32, #tpu.memory_space<hbm>> -> memref<10240xf32, #tpu.memory_space<hbm>>
      tpu.wait_dma2 semaphore(%run_scoped3A : memref<!tpu.dma_semaphore, #tpu.memory_space<semaphore_mem>>) src(%arg5 : memref<10240xf32, #tpu.memory_space<vmem>>) dst(%dma_wait3A_38 : memref<10240xf32, #tpu.memory_space<hbm>>)
      tpu.yield
    }) : () -> ()
    return
  }
}

module attributes {stable_mosaic.version = 14 : i64} {
  func.func @body(%arg0: i32, %arg1: memref<32x1024xf32, #tpu.memory_space<vmem>>, %arg2: memref<1024x128xf32, #tpu.memory_space<vmem>>, %arg3: memref<1024x1xf32, #tpu.memory_space<vmem>>, %arg4: memref<1024x128xf32, #tpu.memory_space<vmem>>) attributes {dimension_semantics = [#tpu.dimension_semantics<arbitrary>], iteration_bounds = array<i64: 10>, scalar_prefetch = 0 : i64, scratch_operands = 0 : i64, tpu.core_type = #tpu.core_type<tc>, window_params = [{transform_indices = @transform_0, window_bounds = array<i64: 32, 1024>}, {transform_indices = @transform_1, window_bounds = array<i64: 1024, 128>}, {transform_indices = @transform_2, window_bounds = array<i64: 1024, 1>}, {transform_indices = @transform_3, window_bounds = array<i64: 1024, 128>}]} {
    %get3A = arith.constant 0 : index
    %get3A_0 = arith.constant 0 : index
    %get3A_1 = vector.load %arg1[%get3A, %get3A_0] : memref<32x1024xf32, #tpu.memory_space<vmem>>, vector<32x1024xf32>
    %reduce_sum3A = arith.constant dense<0.000000e+00> : vector<1024xf32>
    %reduce_sum3A_2 = vector.multi_reduction <add>, %get3A_1, %reduce_sum3A [0] : vector<32x1024xf32> to vector<1024xf32>
    %max3A = arith.constant 1.000000e+00 : f32
    %max3A_3 = vector.broadcast %max3A : f32 to vector<1024xf32>
    %max3A_4 = arith.maximumf %reduce_sum3A_2, %max3A_3 : vector<1024xf32>
    %rsqrt3A = math.rsqrt %max3A_4 : vector<1024xf32>
    %broadcast_in_dim3A = vector.shape_cast %rsqrt3A : vector<1024xf32> to vector<1024x1xf32>
    %swap3A = arith.constant 0 : index
    %swap3A_5 = arith.constant 0 : index
    %swap3A_6 = vector.load %arg3[%swap3A, %swap3A_5] : memref<1024x1xf32, #tpu.memory_space<vmem>>, vector<1024x1xf32>
    tpu.vector_store %arg3[%swap3A, %swap3A_5], %broadcast_in_dim3A {strides = array<i32>} : memref<1024x1xf32, #tpu.memory_space<vmem>>, vector<1024x1xf32>,
    %get3A_7 = arith.constant 0 : index
    %get3A_8 = arith.constant 0 : index
    %get3A_9 = vector.load %arg2[%get3A_7, %get3A_8] : memref<1024x128xf32, #tpu.memory_space<vmem>>, vector<1024x128xf32>
    %broadcast_in_dim3A_10 = vector.shape_cast %rsqrt3A : vector<1024xf32> to vector<1024x1xf32>
    %mul3A = vector.broadcast %broadcast_in_dim3A_10 : vector<1024x1xf32> to vector<1024x128xf32>
    %mul3A_11 = arith.mulf %get3A_9, %mul3A : vector<1024x128xf32>
    %swap3A_12 = arith.constant 0 : index
    %swap3A_13 = arith.constant 0 : index
    %swap3A_14 = vector.load %arg4[%swap3A_12, %swap3A_13] : memref<1024x128xf32, #tpu.memory_space<vmem>>, vector<1024x128xf32>
    tpu.vector_store %arg4[%swap3A_12, %swap3A_13], %mul3A_11 {strides = array<i32>} : memref<1024x128xf32, #tpu.memory_space<vmem>>, vector<1024x128xf32>,
    return
  }
  func.func @transform_0(%arg0: i32) -> (i32, i32) {
    %c0_i32 = arith.constant 0 : i32
    %c0_i32_0 = arith.constant 0 : i32
    return %c0_i32, %arg0 : i32, i32
  }
  func.func @transform_1(%arg0: i32) -> (i32, i32) {
    %c0_i32 = arith.constant 0 : i32
    %c0_i32_0 = arith.constant 0 : i32
    return %arg0, %c0_i32 : i32, i32
  }
  func.func @transform_2(%arg0: i32) -> (i32, i32) {
    %c0_i32 = arith.constant 0 : i32
    %c0_i32_0 = arith.constant 0 : i32
    return %arg0, %c0_i32 : i32, i32
  }
  func.func @transform_3(%arg0: i32) -> (i32, i32) {
    %c0_i32 = arith.constant 0 : i32
    %c0_i32_0 = arith.constant 0 : i32
    return %arg0, %c0_i32 : i32, i32
  }
}

module attributes {stable_mosaic.version = 14 : i64} {
  func.func @body(%arg0: i32, %arg1: memref<2x1024x128xf32, #tpu.memory_space<vmem>>, %arg2: memref<1024x1xf32, #tpu.memory_space<vmem>>, %arg3: memref<1024x128xf32, #tpu.memory_space<vmem>>) attributes {dimension_semantics = [#tpu.dimension_semantics<arbitrary>], iteration_bounds = array<i64: 10>, scalar_prefetch = 0 : i64, scratch_operands = 0 : i64, tpu.core_type = #tpu.core_type<tc>, window_params = [{transform_indices = @transform_0, window_bounds = array<i64: 2, 1024, 128>}, {transform_indices = @transform_1, window_bounds = array<i64: 1024, 1>}, {transform_indices = @transform_2, window_bounds = array<i64: 1024, 128>}]} {
    %get3A = arith.constant 0 : index
    %get3A_0 = arith.constant 0 : index
    %get3A_1 = vector.load %arg2[%get3A, %get3A_0] : memref<1024x1xf32, #tpu.memory_space<vmem>>, vector<1024x1xf32>
    %get3A_2 = arith.constant 0 : index
    %get3A_3 = arith.constant 0 : index
    %get3A_4 = arith.constant 0 : index
    %get3A_5 = vector.load %arg1[%get3A_2, %get3A_3, %get3A_4] : memref<2x1024x128xf32, #tpu.memory_space<vmem>>, vector<1x1024x128xf32>
    %get3A_6 = vector.shape_cast %get3A_5 : vector<1x1024x128xf32> to vector<1024x128xf32>
    %get3A_7 = arith.constant 1 : index
    %get3A_8 = arith.constant 0 : index
    %get3A_9 = arith.constant 0 : index
    %get3A_10 = vector.load %arg1[%get3A_7, %get3A_8, %get3A_9] : memref<2x1024x128xf32, #tpu.memory_space<vmem>>, vector<1x1024x128xf32>
    %get3A_11 = vector.shape_cast %get3A_10 : vector<1x1024x128xf32> to vector<1024x128xf32>
    %add3A = arith.addf %get3A_6, %get3A_11 : vector<1024x128xf32>
    %mul3A = arith.mulf %get3A_1, %get3A_1 : vector<1024x1xf32>
    %mul3A_12 = vector.broadcast %mul3A : vector<1024x1xf32> to vector<1024x128xf32>
    %mul3A_13 = arith.mulf %add3A, %mul3A_12 : vector<1024x128xf32>
    %swap3A = arith.constant 0 : index
    %swap3A_14 = arith.constant 0 : index
    %swap3A_15 = vector.load %arg3[%swap3A, %swap3A_14] : memref<1024x128xf32, #tpu.memory_space<vmem>>, vector<1024x128xf32>
    tpu.vector_store %arg3[%swap3A, %swap3A_14], %mul3A_13 {strides = array<i32>} : memref<1024x128xf32, #tpu.memory_space<vmem>>, vector<1024x128xf32>,
    return
  }
  func.func @transform_0(%arg0: i32) -> (i32, i32, i32) {
    %c0_i32 = arith.constant 0 : i32
    %c0_i32_0 = arith.constant 0 : i32
    %c0_i32_1 = arith.constant 0 : i32
    return %c0_i32, %arg0, %c0_i32_0 : i32, i32, i32
  }
  func.func @transform_1(%arg0: i32) -> (i32, i32) {
    %c0_i32 = arith.constant 0 : i32
    %c0_i32_0 = arith.constant 0 : i32
    return %arg0, %c0_i32 : i32, i32
  }
  func.func @transform_2(%arg0: i32) -> (i32, i32) {
    %c0_i32 = arith.constant 0 : i32
    %c0_i32_0 = arith.constant 0 : i32
    return %arg0, %c0_i32 : i32, i32
  }
}

module attributes {stable_mosaic.version = 14 : i64} {
  func.func @body(%arg0: i32, %arg1: memref<2x1000x128xf32, #tpu.memory_space<vmem>>, %arg2: memref<1000x1xf32, #tpu.memory_space<vmem>>, %arg3: memref<128x128xf32, #tpu.memory_space<vmem>>, %arg4: memref<128xf32, #tpu.memory_space<vmem>>, %arg5: memref<128x40xf32, #tpu.memory_space<vmem>>, %arg6: memref<40xf32, #tpu.memory_space<vmem>>, %arg7: memref<1000x40xf32, #tpu.memory_space<vmem>>) attributes {dimension_semantics = [#tpu.dimension_semantics<arbitrary>], iteration_bounds = array<i64: 10>, scalar_prefetch = 0 : i64, scratch_operands = 0 : i64, tpu.core_type = #tpu.core_type<tc>, window_params = [{transform_indices = @transform_0, window_bounds = array<i64: 2, 1000, 128>}, {transform_indices = @transform_1, window_bounds = array<i64: 1000, 1>}, {pipeline_mode = #tpu.pipeline_mode<synchronous>, transform_indices = @transform_2, window_bounds = array<i64: 128, 128>}, {pipeline_mode = #tpu.pipeline_mode<synchronous>, transform_indices = @transform_3, window_bounds = array<i64: 128>}, {pipeline_mode = #tpu.pipeline_mode<synchronous>, transform_indices = @transform_4, window_bounds = array<i64: 128, 40>}, {pipeline_mode = #tpu.pipeline_mode<synchronous>, transform_indices = @transform_5, window_bounds = array<i64: 40>}, {transform_indices = @transform_6, window_bounds = array<i64: 1000, 40>}]} {
    %get3A = arith.constant 0 : index
    %get3A_0 = arith.constant 0 : index
    %get3A_1 = arith.constant 0 : index
    %get3A_2 = vector.load %arg1[%get3A, %get3A_0, %get3A_1] : memref<2x1000x128xf32, #tpu.memory_space<vmem>>, vector<1x1000x128xf32>
    %get3A_3 = vector.shape_cast %get3A_2 : vector<1x1000x128xf32> to vector<1000x128xf32>
    %get3A_4 = arith.constant 1 : index
    %get3A_5 = arith.constant 0 : index
    %get3A_6 = arith.constant 0 : index
    %get3A_7 = vector.load %arg1[%get3A_4, %get3A_5, %get3A_6] : memref<2x1000x128xf32, #tpu.memory_space<vmem>>, vector<1x1000x128xf32>
    %get3A_8 = vector.shape_cast %get3A_7 : vector<1x1000x128xf32> to vector<1000x128xf32>
    %add3A = arith.addf %get3A_3, %get3A_8 : vector<1000x128xf32>
    %get3A_9 = arith.constant 0 : index
    %get3A_10 = arith.constant 0 : index
    %get3A_11 = vector.load %arg2[%get3A_9, %get3A_10] : memref<1000x1xf32, #tpu.memory_space<vmem>>, vector<1000x1xf32>
    %mul3A = vector.broadcast %get3A_11 : vector<1000x1xf32> to vector<1000x128xf32>
    %mul3A_12 = arith.mulf %add3A, %mul3A : vector<1000x128xf32>
    %get3A_13 = arith.constant 0 : index
    %get3A_14 = arith.constant 0 : index
    %get3A_15 = vector.load %arg3[%get3A_13, %get3A_14] : memref<128x128xf32, #tpu.memory_space<vmem>>, vector<128x128xf32>
    %dot_general3A = arith.constant dense<0.000000e+00> : vector<1000x128xf32>
    %dot_general3A_16 = tpu.matmul %mul3A_12, %get3A_15, %dot_general3A {dimension_numbers = #tpu.dot_dimension_numbers<[1], [0], [0], [1], [0, 0, 1, 1], [], []>, transpose_lhs_hint = false} : vector<1000x128xf32>, vector<128x128xf32>, vector<1000x128xf32> -> vector<1000x128xf32>
    %get3A_17 = arith.constant 0 : index
    %get3A_18 = vector.load %arg4[%get3A_17] : memref<128xf32, #tpu.memory_space<vmem>>, vector<128xf32>
    %broadcast_in_dim3A = vector.shape_cast %get3A_18 : vector<128xf32> to vector<1x128xf32>
    %add3A_19 = vector.broadcast %broadcast_in_dim3A : vector<1x128xf32> to vector<1000x128xf32>
    %add3A_20 = arith.addf %dot_general3A_16, %add3A_19 : vector<1000x128xf32>
    %get3A_21 = arith.constant 0 : index
    %get3A_22 = arith.constant 0 : index
    %get3A_23 = vector.load %arg5[%get3A_21, %get3A_22] : memref<128x40xf32, #tpu.memory_space<vmem>>, vector<128x40xf32>
    %dot_general3A_24 = arith.constant dense<0.000000e+00> : vector<1000x40xf32>
    %dot_general3A_25 = tpu.matmul %add3A_20, %get3A_23, %dot_general3A_24 {dimension_numbers = #tpu.dot_dimension_numbers<[1], [0], [0], [1], [0, 0, 1, 1], [], []>, transpose_lhs_hint = false} : vector<1000x128xf32>, vector<128x40xf32>, vector<1000x40xf32> -> vector<1000x40xf32>
    %get3A_26 = arith.constant 0 : index
    %get3A_27 = vector.load %arg6[%get3A_26] : memref<40xf32, #tpu.memory_space<vmem>>, vector<40xf32>
    %broadcast_in_dim3A_28 = vector.shape_cast %get3A_27 : vector<40xf32> to vector<1x40xf32>
    %add3A_29 = vector.broadcast %broadcast_in_dim3A_28 : vector<1x40xf32> to vector<1000x40xf32>
    %add3A_30 = arith.addf %dot_general3A_25, %add3A_29 : vector<1000x40xf32>
    %swap3A = arith.constant 0 : index
    %swap3A_31 = arith.constant 0 : index
    %swap3A_32 = vector.load %arg7[%swap3A, %swap3A_31] : memref<1000x40xf32, #tpu.memory_space<vmem>>, vector<1000x40xf32>
    tpu.vector_store %arg7[%swap3A, %swap3A_31], %add3A_30 {strides = array<i32>} : memref<1000x40xf32, #tpu.memory_space<vmem>>, vector<1000x40xf32>,
    return
  }
  func.func @transform_0(%arg0: i32) -> (i32, i32, i32) {
    %c0_i32 = arith.constant 0 : i32
    %c0_i32_0 = arith.constant 0 : i32
    %c0_i32_1 = arith.constant 0 : i32
    return %c0_i32, %arg0, %c0_i32_0 : i32, i32, i32
  }
  func.func @transform_1(%arg0: i32) -> (i32, i32) {
    %c0_i32 = arith.constant 0 : i32
    %c0_i32_0 = arith.constant 0 : i32
    return %arg0, %c0_i32 : i32, i32
  }
  func.func @transform_2(%arg0: i32) -> (i32, i32) {
    %c0_i32 = arith.constant 0 : i32
    %c0_i32_0 = arith.constant 0 : i32
    %c0_i32_1 = arith.constant 0 : i32
    return %c0_i32, %c0_i32_0 : i32, i32
  }
  func.func @transform_3(%arg0: i32) -> i32 {
    %c0_i32 = arith.constant 0 : i32
    %c0_i32_0 = arith.constant 0 : i32
    return %c0_i32 : i32
  }
  func.func @transform_4(%arg0: i32) -> (i32, i32) {
    %c0_i32 = arith.constant 0 : i32
    %c0_i32_0 = arith.constant 0 : i32
    %c0_i32_1 = arith.constant 0 : i32
    return %c0_i32, %c0_i32_0 : i32, i32
  }
  func.func @transform_5(%arg0: i32) -> i32 {
    %c0_i32 = arith.constant 0 : i32
    %c0_i32_0 = arith.constant 0 : i32
    return %c0_i32 : i32
  }
  func.func @transform_6(%arg0: i32) -> (i32, i32) {
    %c0_i32 = arith.constant 0 : i32
    %c0_i32_0 = arith.constant 0 : i32
    return %arg0, %c0_i32 : i32, i32
  }
}

</mosaic_0001>

<sc_bundles>
// kernel: kernel.11.cloned.1.call-start
scs
__scs_entry_jumppad:
0x0: {  	(pc) =	sbr.rel $0x88, $3  }
0x1: {  	(tag) =	ssettag $0x0;
	lr =	simm.s32 $0x1  }
0x2: {  	[smem:$0x3F9B] =	sst lr;
	_ =	strace $0xD0000000  }
0x3: {  	_ = 	snop  }
0x4: {  	_ = 	snop  }
0x5: {  	_ = 	snop  }
0x6: {  	_ = 	snop  }
0x7: {  	_ = 	snop  }
__scs_overlays_trampoline_lowered:
0x8: {  	[smem:$0x3FAA] =	sst s0  }
0x9: {  	[smem:$0x3FAB] =	sst s1  }
0xa: {  	[smem:$0x3FAC] =	sst s2  }
0xb: {  	[smem:$0x3FAD] =	sst s3  }
0xc: {  	[smem:$0x3FAE] =	sst s4  }
0xd: {  	[smem:$0x3FAF] =	sst s5  }
0xe: {  	[smem:$0x3FB0] =	sst s6  }
0xf: {  	[smem:$0x3FB1] =	sst s7  }
0x10: {  	[smem:$0x3FB2] =	sst s8  }
0x11: {  	[smem:$0x3FB3] =	sst s9;
	s0 =	simm.s32 @!p0 $0x0  }
0x12: {  	s1 =	sld [smem:$0x3F99];
	s0 =	simm.s32 @p0 $0x1  }
0x13: {  	[smem:$0x3FB4] =	sst s0;
	s0 =	simm.s32 @!p1 $0x0  }
0x14: {  	s2 =	sld [smem:$0x3F98];
	s0 =	simm.s32 @p1 $0x1  }
0x15: {  	[smem:$0x3FB5] =	sst s0;
	s0 =	simm.s32 @!p2 $0x0  }
0x16: {  	s3 =	sld [smem:$0x3FDB];
	s0 =	simm.s32 @p2 $0x1  }
0x17: {  	s4 =	simm.s32 $0x1BF5;
	[smem:$0x3FB7] =	sst s0  }
0x18: {  	s0 =	sld [smem:$0x3F9A];
	_ =	swait.ge [sflag:s4], $0x0  }
0x19: {  	s7 =	sld [smem:$0x3F9B]  }
0x1a: {  	s8 =	sadd.s32 $0xFFFFE003, lr  }
0x1b: {  	s9 =	sadd.s32 $0xFFFFFEF7, lr;
	s5 =	simm.s32 $0xFFFFFFFF;
	p2 =	slt.u32 s8, $0xFFFFF086  }
0x1c: {  	p1 =	slt.u32 s9, $0xF7A;
	s5 =	simm.s32 @!p2 $0x0  }
0x1d: {  	s5 =	simm.s32 @p1 $0x1;
	p0 =	seq.s32 s7, s2  }
0x1e: {  	s7 =	smul.u32 @!p0 $0xF7A, s2;
	p2 =	seq.s32 @!p0 s5, $0x0  }
0x1f: {  	s9 =	smul.u32 $0xF7A, s1;
	s8 =	simm.s32 @!p0 $0x1BF5;
	p2 =	por !p2, p0  }
0x20: {  	[sflag:s8] =	ssyncset.s32 @!p0 $0xFFFFF086;
	s6 =	sadd.s32 @!p0 s3, s7;
	s7 =	simm.s32 @!p0 $0x108  }
0x21: {  	s3 =	sadd.s32 s3, s9;
	s6 =	sadd.s32 @!p0 $0x88, s6;
	s7 =	simm.s32 @p2 $0x1082  }
0x22: {  	[simem:s7], [sflag:s8] =	dma.local @!p0 [hbm:s6], $0xF7A  }
0x23: {  	s9 =	sor.u32 $0xD0000000, s2;
	s6 =	simm.s32 $0x108;
	_ =	swait.ge @!p0 [sflag:s8], $0x0  }
0x24: {  	s3 =	sadd.s32 $0x88, s3;
	s6 =	simm.s32 @!p1 $0x1082;
	[sflag:s4] =	ssyncset.s32 $0xFFFFF086  }
0x25: {  	[simem:s6], [sflag:s4] =	dma.local [hbm:s3], $0xF7A  }
0x26: {  	[smem:$0x3F9B] =	sst s1;
	(tag) =	ssettag s2;
	_ =	strace s9  }
0x27: {  	s1 =	sld [smem:$0x3FAB]  }
0x28: {  	s2 =	sld [smem:$0x3FAC]  }
0x29: {  	s4 =	sld [smem:$0x3FAE]  }
0x2a: {  	p0 =	seq.s32 s5, $0x0;
	s5 =	sld [smem:$0x3FAF]  }
0x2b: {  	s6 =	sld [smem:$0x3FB0]  }
0x2c: {  	s7 =	sld [smem:$0x3FB1]  }
0x2d: {  	s3 =	simm.s32 $0x108;
	s8 =	sld [smem:$0x3FB2]  }
0x2e: {  	s3 =	simm.s32 @!p0 $0x1082;
	s9 =	sld [smem:$0x3FB3]  }
0x2f: {  	lr =	sadd.s32 s0, s3;
	s0 =	sld [smem:$0x3FAA]  }
0x30: {  	s3 =	sld [smem:$0x3FAD]  }
0x31: {  	[smem:$0x3FB6] =	sst s10  }
0x32: {  	s10 =	sld [smem:$0x3FB4];
	_ =	sdelay $0x3  }
0x33: {  	p0 =	seq.s32 s10, $0x1;
	s10 =	sld [smem:$0x3FB6];
	_ =	sdelay $0x3  }
0x34: {  	[smem:$0x3FB6] =	sst s10  }
0x35: {  	s10 =	sld [smem:$0x3FB5];
	_ =	sdelay $0x3  }
0x36: {  	p1 =	seq.s32 s10, $0x1;
	s10 =	sld [smem:$0x3FB6];
	_ =	sdelay $0x3  }
0x37: {  	[smem:$0x3FB6] =	sst s10  }
0x38: {  	s10 =	sld [smem:$0x3FB7]  }
0x39: {  	_ = 	snop;
	(pc) =	sbr.ind lr, $3  }
0x3a: {  	_ = 	snop  }
0x3b: {  	_ = 	snop  }
0x3c: {  	p2 =	seq.s32 s10, $0x1;
	s10 =	sld [smem:$0x3FB6]  }
0x3d: {  	_ =	shalt  }
0x3e: {  	_ =	shalt  }
0x3f: {  	_ =	shalt  }
0x40: {  	_ =	shalt  }
0x41: {  	_ =	shalt  }
0x42: {  	_ =	shalt  }
0x43: {  	_ =	shalt  }
0x44: {  	_ =	shalt  }
0x45: {  	_ =	shalt  }
0x46: {  	_ =	shalt  }
0x47: {  	_ =	shalt  }
0x48: {  	_ =	shalt  }
0x49: {  	_ =	shalt  }
0x4a: {  	_ =	shalt  }
0x4b: {  	_ =	shalt  }
0x4c: {  	_ =	shalt  }
0x4d: {  	_ =	shalt  }
0x4e: {  	_ =	shalt  }
0x4f: {  	_ =	shalt  }
0x50: {  	_ =	shalt  }
0x51: {  	_ =	shalt  }
0x52: {  	_ =	shalt  }
0x53: {  	_ =	shalt  }
0x54: {  	_ =	shalt  }
0x55: {  	_ =	shalt  }
0x56: {  	_ =	shalt  }
0x57: {  	_ =	shalt  }
0x58: {  	_ =	shalt  }
0x59: {  	_ =	shalt  }
0x5a: {  	_ =	shalt  }
0x5b: {  	_ =	shalt  }
0x5c: {  	_ =	shalt  }
0x5d: {  	_ =	shalt  }
0x5e: {  	_ =	shalt  }
0x5f: {  	_ =	shalt  }
0x60: {  	_ =	shalt  }
0x61: {  	_ =	shalt  }
0x62: {  	_ =	shalt  }
0x63: {  	_ =	shalt  }
0x64: {  	_ =	shalt  }
0x65: {  	_ =	shalt  }
0x66: {  	_ =	shalt  }
0x67: {  	_ =	shalt  }
0x68: {  	_ =	shalt  }
0x69: {  	_ =	shalt  }
0x6a: {  	_ =	shalt  }
0x6b: {  	_ =	shalt  }
0x6c: {  	_ =	shalt  }
0x6d: {  	_ =	shalt  }
0x6e: {  	_ =	shalt  }
0x6f: {  	_ =	shalt  }
0x70: {  	_ =	shalt  }
0x71: {  	_ =	shalt  }
0x72: {  	_ =	shalt  }
0x73: {  	_ =	shalt  }
0x74: {  	_ =	shalt  }
0x75: {  	_ =	shalt  }
0x76: {  	_ =	shalt  }
0x77: {  	_ =	shalt  }
0x78: {  	_ =	shalt  }
0x79: {  	_ =	shalt  }
0x7a: {  	_ =	shalt  }
0x7b: {  	_ =	shalt  }
0x7c: {  	_ =	shalt  }
0x7d: {  	_ =	shalt  }
0x7e: {  	_ =	shalt  }
0x7f: {  	_ =	shalt  }
0x80: {  	_ =	shalt  }
0x81: {  	_ =	shalt  }
0x82: {  	_ =	shalt  }
0x83: {  	_ =	shalt  }
0x84: {  	_ =	shalt  }
0x85: {  	_ =	shalt  }
0x86: {  	_ =	shalt  }
0x87: {  	_ =	shalt  }
.Lfunc_end0:
.L_simem_size_0:
called_computation.1_lowered:
.L_overlay_start_0:
0x88: {  	s2 =	sld [smem:$0x3FD9]  }
0x89: {  	s3 =	sld [smem:$0x3FFE];
	_ =	sdelay $0x1  }
0x8a: {  	s1 =	srdreg.scid  }
0x8b: {  	s0 =	sand.u32 $0x1, s1  }
0x8c: {  	s17 =	sshll.u32 s0, $0xA;
	s2 =	sadd.s32 s3, s2  }
0x8d: {  	s2 =	sadd.s32 s2, s17  }
0x8e: {  	[smem:$0x3FC2] =	sst s2  }
0x8f: {  	_ = 	snop  }
0x90: {  	s2 =	sld [smem:$0x3FD0];
	(tm) =	ssettm $0x1  }
0x91: {  	s18 =	sld [smem:$0x3FFB];
	_ =	sdelay $0x3  }
0x92: {  	_ =	strace s18  }
0x93: {  	s3 =	sld [smem:$0x3FFC];
	_ =	sdelay $0x3  }
0x94: {  	_ =	strace s3  }
0x95: {  	s3 =	sld [smem:$0x3FFD];
	_ =	sdelay $0x3  }
0x96: {  	_ =	strace s3  }
0x97: {  	_ =	strace $0x8FFFFFFF  }
0x98: {  	s19 =	sld [smem:$0x3FDB];
	_ =	sdelay $0x1  }
0x99: {  	s4 =	simm.s32 $_scs_section_size  }
0x9a: {  	s5 =	simm.s32 $_size__tile_overlayer_lowered;
	s6 =	simm.s32 $_tile_overlayer_lowered  }
0x9b: {  	s22 =	simm.s32 $0x1BFF;
	s21 =	sshll.u32 s6, $0x1;
	s3 =	sadd.s32 s4, s19  }
0x9c: {  	s7 =	simm.s32 $0x0;
	s20 =	sshll.u32 s5, $0x1;
	s5 =	sadd.s32 s21, s3  }
0x9d: {  	[timem:s7], [sflag:s22] =	dma.local [hbm:s5], s20  }
0x9e: {  	_ =	swait.ge [sflag:s22], s20  }
0x9f: {  	s4 =	ssub.s32 $0x0, s20;
	[sflag:s22] =	ssyncset.done $0x0  }
0xa0: {  	[sflag:s22] =	ssyncadd.s32 s4;
	_ =	sdelay $0x1  }
0xa1: {  	s23 =	simm.s32 $0x1B8B  }
0xa2: {  	_ =	swait.ge [sflag:s23], $0x1  }
0xa3: {  	[sflag:s23] =	ssyncset.done $0x0  }
0xa4: {  	s25 =	simm.s32 $0x1B8E;
	s24 =	sld [smem:$0x3FFE];
	[sflag:s23] =	ssyncadd.s32 $0xFFFFFFFF  }
0xa5: {  	s26 =	simm.s32 $execute0_lowered;
	[smem:$0x3FD2] =	sst s25  }
0xa6: {  	s5 =	sshll.u32 s26, $0x1;
	_ =	strace $0x80000049;
	[dreg:$0x1] =	wrdreg $0xFFFFFFFF  }
0xa7: {  	s28 =	simm.s32 $_size_execute0_lowered;
	s3 =	sadd.s32 s3, s5;
	[dreg:$0x0] =	wrdreg $0x0  }
0xa8: {  	s5 =	sshll.u32 s28, $0x1;
	[dreg:$0x2] =	wrdreg s3  }
0xa9: {  	[dreg:$0x3] =	wrdreg s5  }
0xaa: {  	[dreg:$0x4] =	wrdreg $0xC0  }
0xab: {  	_ =	task [dreg:s7], $0x5FFFF  }
0xac: {  	[dreg:$0x1] =	wrdreg $0xFFFFFFFF  }
0xad: {  	[dreg:$0x0] =	wrdreg $0x60  }
0xae: {  	[dreg:$0x2] =	wrdreg s24  }
0xaf: {  	[dreg:$0x3] =	wrdreg s2  }
0xb0: {  	[dreg:$0x4] =	wrdreg $0xC0000  }
0xb1: {  	[dreg:$0x5] =	wrdreg $0x9  }
0xb2: {  	_ =	task.clear_ibuf [dreg:s7], $0x6FFFF;
	_ =	strace $0x90000049  }
0xb3: {  	s29 =	simm.s32 $0x9;
	_ =	strace $0x8000004B  }
0xb4: {  	_ =	swait.ge [sflag:s29], $0x1  }
0xb5: {  	[sflag:s29] =	ssyncadd.s32 $0xFFFFFFFF  }
0xb6: {  	_ =	strace $0x9000004B  }
0xb7: {  	_ =	sfence  }
0xb8: {  	s30 =	sld [smem:$0x0];
	_ =	sdelay $0x2  }
0xb9: {  	s31 =	sshll.u32 s1, $0xD;
	s1 =	sshrl.u32 s1, $0x2  }
0xba: {  	s3 =	sand.u32 $0x4000, s31;
	s1 =	sadd.s32 s1, s30  }
0xbb: {  	s0 =	sor.u32 s3, s0;
	s1 =	sshll.u32 s1, $0x11  }
0xbc: {  	s0 =	sor.u32 s1, s0  }
0xbd: {  	s0 =	sadd.s32 $0x8F2B, s0  }
0xbe: {  	[sflag:s0] =	ssyncadd.remote.s32 $0x1  }
0xbf: {  	_ =	sfence.sel $0xFFFF  }
0xc0: {  	[dreg:$0x0] =	wrdreg $0xFFFFFFFF;
	(pc) =	sbr.abs _section_cstart, $3  }
0xc1: {  	[dreg:$0x1] =	wrdreg $0xFFFFFFFF  }
0xc2: {  	_ =	task.clear_ibuf [dreg:s7], $0x2FFFF;
	_ =	strace $0x9FFFFFFF  }
0xc3: {  	(tm) =	ssettm $0x7FFFFFFF  }
tec
execute0_lowered:
.L_overlay_start_1:
0x0: {  	(tag) =	ssettag $0x1  }
0x1: {  	s0 =	rddreg [dreg:$0x0]  }
0x2: {  	s2 =	rddreg [dreg:$0x2]  }
0x3: {  	s1 =	srdreg.scid;
	s4 =	simm.s32 $0x0;
	s9 =	stileid.u32  }
0x4: {  	s10 =	simm.s32 $0x7800;
	s28 =	simm.s32 $0x6000;
	s29 =	simm.s32 $0x100  }
0x5: {  	s30 =	simm.s32 $0x8000;
	s31 =	simm.s32 $0x0;
	s1 =	sand.u32 $0x1, s1  }
0x6: {  	[smem:$0x7FF] =	sst s4;
	s17 =	smul.u32 $0x14000, s9;
	s5 =	sadd.s32 $0x5BA00, s0  }
0x7: {  	s6 =	sadd.s32 $0x33A00, s0;
	s7 =	sadd.s32 $0xBA00, s0;
	s3 =	smul.u32 $0x140000, s1  }
0x8: {  	_ =	strace $0x8000004A;
	s18 =	ssub.s32 $0x2, s1;
	s8 =	sshll.u32 s1, $0x4  }
0x9: {  	p0 =	seq.s32 s1, $0x0;
	s20 =	sor.u32 s9, s8;
	s3 =	sadd.s32 s17, s3  }
0xa: {  	s9 =	smul.u32 $0x50000, s9;
	s10 =	simm.s32 @!p0 $0x2000;
	s3 =	sshrl.u32 s3, $0x3  }
0xb: {  	s19 =	sshrl.u32 s18, $0x1;
	[dreg:$0x4] =	wrdreg s10;
	s0 =	sadd.s32 s3, s0  }
0xc: {  	s9 =	sshrl.u32 s9, $0x2;
	s3 =	ssub.s32 s18, s19;
	s0 =	sadd.s32 $0x83A00, s0  }
0xd: {  	s9 =	sadd.s32 s9, s2;
	s21 =	smax.u32 s3, $0x1;
	[dreg:$0x5] =	wrdreg s0  }
0xe: {  	s8 =	simm.s32 $0x3C;
	s22 =	sadd.s32 $0x2000, s9;
	[dreg:$0x6] =	wrdreg s21  }
0xf: {  	s8 =	simm.s32 @!p0 $0xD;
	s23 =	sadd.s32 $0x4000, s9;
	[dreg:$0x7] =	wrdreg s22  }
0x10: {  	s10 =	smul.u32 $0xA000, s20;
	s24 =	sadd.s32 $0x6000, s9;
	[dreg:$0x8] =	wrdreg s23  }
0x11: {  	p0 =	sne.s32 s1, $0x0;
	s25 =	sadd.s32 $0x8000, s9;
	[dreg:$0x9] =	wrdreg s24  }
0x12: {  	s26 =	sadd.s32 $0xA000, s9;
	s18 =	sadd.s32 $0xC000, s9;
	[dreg:$0xa] =	wrdreg s25  }
0x13: {  	s19 =	sadd.s32 $0xE000, s9;
	s20 =	sadd.s32 $0x10000, s9;
	[dreg:$0xb] =	wrdreg s26  }
0x14: {  	s21 =	sadd.s32 $0x12000, s9;
	s22 =	simm.s32 $0x4000;
	s23 =	simm.s32 $0x5  }
0x15: {  	s24 =	simm.s32 $0x2000;
	s25 =	simm.s32 $0x40;
	s26 =	simm.s32 $0x80  }
.LBB2_1:
0x16: {  	s0 =	rddreg [dreg:$0x1];
	s1 =	simm.s32 $0x0  }
0x17: {  	[tilespmem:s22], [sflag:$0x5] =	stream.linear.gather [hbm4b:s0+s1], $0x2000, $0x38;
	v63 =	vld [tilespmem:$0x0]  }
0x18: {  	_ =	swait.ge [sflag:s23], $0x2000  }
0x19: {  	[sflag:s23] =	ssyncset.done $0x0  }
0x1a: {  	[sflag:s23] =	ssyncadd.s32 $0xFFFFE000  }
0x1b: {  	[spmem:s9] =	stream.linear.scatter [tilespmem:s22], [sflag:$0x5], $0x2000, $0x38;
	v63 =	vld [tilespmem:$0x0]  }
0x1c: {  	_ =	swait.ge [sflag:s23], $0x2000  }
0x1d: {  	[sflag:s23] =	ssyncset.done $0x0  }
0x1e: {  	s13 =	rddreg [dreg:$0x7];
	[sflag:s23] =	ssyncadd.s32 $0xFFFFE000  }
0x1f: {  	[spmem:s13] =	stream.linear.scatter [tilespmem:s22], [sflag:$0x5], $0x2000, $0x38;
	v63 =	vld [tilespmem:$0x0]  }
0x20: {  	_ =	swait.ge [sflag:s23], $0x2000  }
0x21: {  	[sflag:s23] =	ssyncset.done $0x0  }
0x22: {  	s14 =	rddreg [dreg:$0x8];
	[sflag:s23] =	ssyncadd.s32 $0xFFFFE000  }
0x23: {  	[spmem:s14] =	stream.linear.scatter [tilespmem:s22], [sflag:$0x5], $0x2000, $0x38;
	v63 =	vld [tilespmem:$0x0]  }
0x24: {  	_ =	swait.ge [sflag:s23], $0x2000  }
0x25: {  	[sflag:s23] =	ssyncset.done $0x0  }
0x26: {  	s15 =	rddreg [dreg:$0x9];
	[sflag:s23] =	ssyncadd.s32 $0xFFFFE000  }
0x27: {  	[spmem:s15] =	stream.linear.scatter [tilespmem:s22], [sflag:$0x5], $0x2000, $0x38;
	v63 =	vld [tilespmem:$0x0]  }
0x28: {  	_ =	swait.ge [sflag:s23], $0x2000  }
0x29: {  	[sflag:s23] =	ssyncset.done $0x0  }
0x2a: {  	s16 =	rddreg [dreg:$0xa];
	[sflag:s23] =	ssyncadd.s32 $0xFFFFE000  }
0x2b: {  	[spmem:s16] =	stream.linear.scatter [tilespmem:s22], [sflag:$0x5], $0x2000, $0x38;
	v63 =	vld [tilespmem:$0x0]  }
0x2c: {  	_ =	swait.ge [sflag:s23], $0x2000  }
0x2d: {  	[sflag:s23] =	ssyncset.done $0x0  }
0x2e: {  	s17 =	rddreg [dreg:$0xb];
	[sflag:s23] =	ssyncadd.s32 $0xFFFFE000  }
0x2f: {  	[spmem:s17] =	stream.linear.scatter [tilespmem:s22], [sflag:$0x5], $0x2000, $0x38;
	v63 =	vld [tilespmem:$0x0]  }
0x30: {  	_ =	swait.ge [sflag:s23], $0x2000  }
0x31: {  	[sflag:s23] =	ssyncset.done $0x0  }
0x32: {  	[sflag:s23] =	ssyncadd.s32 $0xFFFFE000  }
0x33: {  	[spmem:s18] =	stream.linear.scatter [tilespmem:s22], [sflag:$0x5], $0x2000, $0x38;
	v63 =	vld [tilespmem:$0x0]  }
0x34: {  	_ =	swait.ge [sflag:s23], $0x2000  }
0x35: {  	[sflag:s23] =	ssyncset.done $0x0  }
0x36: {  	[sflag:s23] =	ssyncadd.s32 $0xFFFFE000  }
0x37: {  	[spmem:s19] =	stream.linear.scatter [tilespmem:s22], [sflag:$0x5], $0x2000, $0x38;
	v63 =	vld [tilespmem:$0x0]  }
0x38: {  	_ =	swait.ge [sflag:s23], $0x2000  }
0x39: {  	[sflag:s23] =	ssyncset.done $0x0  }
0x3a: {  	[sflag:s23] =	ssyncadd.s32 $0xFFFFE000  }
0x3b: {  	[spmem:s20] =	stream.linear.scatter [tilespmem:s22], [sflag:$0x5], $0x2000, $0x38;
	v63 =	vld [tilespmem:$0x0]  }
0x3c: {  	_ =	swait.ge [sflag:s23], $0x2000  }
0x3d: {  	[sflag:s23] =	ssyncset.done $0x0  }
0x3e: {  	[sflag:s23] =	ssyncadd.s32 $0xFFFFE000  }
0x3f: {  	[spmem:s21] =	stream.linear.scatter [tilespmem:s22], [sflag:$0x5], $0x2000, $0x38;
	v63 =	vld [tilespmem:$0x0]  }
0x40: {  	_ =	swait.ge [sflag:s23], $0x2000  }
0x41: {  	[sflag:s23] =	ssyncset.done $0x0  }
0x42: {  	[sflag:s23] =	ssyncadd.s32 $0xFFFFE000  }
0x43: {  	s0 =	simm.s32 $0x0;
	[bflag:$0x0] =	sbarrier.arrive $0xFFFF  }
.LBB2_2:
0x44: {  	s1 =	sshll.u32 s0, $0xD  }
0x45: {  	s1 =	sadd.s32 s10, s1  }
0x46: {  	s1 =	sshrl.u32 s1, $0x3  }
0x47: {  	s4 =	simm.s32 $0x0;
	s3 =	sadd.s32 s6, s1  }
0x48: {  	[tilespmem:s4], [sflag:$0x5] =	stream.linear.gather [hbm4b:s3+s4], $0x1E00, $0x38;
	v63 =	vld [tilespmem:$0x0]  }
0x49: {  	_ =	swait.ge [sflag:s23], $0x1E00  }
0x4a: {  	[sflag:s23] =	ssyncset.done $0x0  }
0x4b: {  	s1 =	sadd.s32 s7, s1;
	[sflag:s23] =	ssyncadd.s32 $0xFFFFE200  }
0x4c: {  	[tilespmem:s24], [sflag:$0x5] =	stream.linear.gather [hbm4b:s1+s4], $0x1E00, $0x38;
	v63 =	vld [tilespmem:$0x0]  }
0x4d: {  	_ =	swait.ge [sflag:s23], $0x1E00  }
0x4e: {  	[sflag:s23] =	ssyncset.done $0x0  }
0x4f: {  	[sflag:s23] =	ssyncadd.s32 $0xFFFFE200  }
0x50: {  	[tilespmem:s22], [sflag:$0x1] =	stream.indirect.gather [hbm4b:s5+s25], $0x80, s4, s25, $0xb8;
	v63 =	vld [tilespmem:$0x0]  }
0x51: {  	_ = 	snop  }
0x52: {  	[tilespmem:s28], [sflag:$0x2] =	stream.indirect.gather [hbm4b:s5+s25], $0x80, s26, s25, $0xb8;
	v63 =	vld [tilespmem:$0x0]  }
0x53: {  	s1 =	simm.s32 $0x0  }
0x54: {  	[tilespmem:s30], [sflag:$0x3] =	stream.indirect.gather [hbm4b:s5+s25], $0x80, s29, s25, $0xb8;
	v63 =	vld [tilespmem:$0x0]  }
.LBB2_3:
0x55: {  	s3 =	sadd.s32 $0x3, s4  }
0x56: {  	p1 =	sge.u32 s3, s8  }
0x57: {  	p2 =	sge.u32 s4, s8;
	s3 =	sshra.s32 @!p1 s1, $0x2  }
0x58: {  	s11 =	simm.s32 @!p1 $0x40;
	s12 =	simm.s32 @!p1 $0xA000;
	s13 =	sadd.s32 @!p1 $0x180, s3  }
0x59: {  	[tilespmem:s12], [sflag:$0x4] =	stream.indirect.gather @!p1 [hbm4b:s5+s11], $0x80, s13, s11, $0xb8;
	v63 =	vld [tilespmem:$0x0]  }
0x5a: {  	s13 =	simm.s32 @!p2 $0x1  }
0x5b: {  	_ =	swait.ge @!p2 [sflag:s13], $0x2000  }
0x5c: {  	[sflag:s13] =	ssyncset.done @!p2 $0x0  }
0x5d: {  	[sflag:s13] =	ssyncadd.s32 @!p2 $0xFFFFE000;
	s13 =	sshra.s32 @!p2 s1, $0x2  }
0x5e: {  	s14 =	simm.s32 @!p2 $0x40;
	s15 =	simm.s32 @!p2 $0x4000;
	s13 =	sadd.s32 @!p2 $0x2000, s13  }
0x5f: {  	[spmem:s2] =	stream.indirect.scatter.add.f32 @!p2 [tilespmem:s15], [sflag:$0x6], $0x80, s13, s14, $0xb8;
	v63 =	vld [tilespmem:$0x0]  }
0x60: {  	s14 =	simm.s32 @!p2 $0x6  }
0x61: {  	s13 =	sadd.s32 $0x4, s4;
	_ =	swait.ge @!p2 [sflag:s14], $0x2000  }
0x62: {  	p3 =	sge.u32 s13, s8;
	[sflag:s14] =	ssyncset.done @!p2 $0x0  }
0x63: {  	s15 =	sshra.s32 @!p3 s1, $0x2;
	s16 =	simm.s32 @!p3 $0x40;
	s17 =	simm.s32 @!p3 $0x4000  }
0x64: {  	[sflag:s14] =	ssyncadd.s32 @!p2 $0xFFFFE000;
	s14 =	sadd.s32 $0x1, s4;
	s15 =	sadd.s32 @!p3 $0x200, s15  }
0x65: {  	[tilespmem:s17], [sflag:$0x1] =	stream.indirect.gather @!p3 [hbm4b:s5+s16], $0x80, s15, s16, $0xb8;
	v63 =	vld [tilespmem:$0x0]  }
0x66: {  	p2 =	sge.u32 s14, s8  }
0x67: {  	s14 =	simm.s32 @!p2 $0x2  }
0x68: {  	_ =	swait.ge @!p2 [sflag:s14], $0x2000  }
0x69: {  	[sflag:s14] =	ssyncset.done @!p2 $0x0  }
0x6a: {  	s17 =	sadd.s32 $0x5, s4;
	[sflag:s14] =	ssyncadd.s32 @!p2 $0xFFFFE000;
	s14 =	sshra.s32 @!p2 s1, $0x2  }
0x6b: {  	s15 =	simm.s32 @!p2 $0x40;
	s16 =	simm.s32 @!p2 $0x6000;
	s14 =	sadd.s32 @!p2 $0x2080, s14  }
0x6c: {  	[spmem:s2] =	stream.indirect.scatter.add.f32 @!p2 [tilespmem:s16], [sflag:$0x6], $0x80, s14, s15, $0xb8;
	v63 =	vld [tilespmem:$0x0]  }
0x6d: {  	p3 =	sge.u32 s17, s8;
	s14 =	simm.s32 @!p2 $0x6  }
0x6e: {  	s17 =	simm.s32 @!p3 $0x6000;
	_ =	swait.ge @!p2 [sflag:s14], $0x2000  }
0x6f: {  	s15 =	sshra.s32 @!p3 s1, $0x2;
	s16 =	simm.s32 @!p3 $0x40;
	[sflag:s14] =	ssyncset.done @!p2 $0x0  }
0x70: {  	s15 =	sadd.s32 @!p3 $0x280, s15;
	[sflag:s14] =	ssyncadd.s32 @!p2 $0xFFFFE000;
	s14 =	sadd.s32 $0x2, s4  }
0x71: {  	[tilespmem:s17], [sflag:$0x2] =	stream.indirect.gather @!p3 [hbm4b:s5+s16], $0x80, s15, s16, $0xb8;
	v63 =	vld [tilespmem:$0x0]  }
0x72: {  	p2 =	sge.u32 s14, s8  }
0x73: {  	s14 =	simm.s32 @!p2 $0x3  }
0x74: {  	_ =	swait.ge @!p2 [sflag:s14], $0x2000  }
0x75: {  	[sflag:s14] =	ssyncset.done @!p2 $0x0  }
0x76: {  	[sflag:s14] =	ssyncadd.s32 @!p2 $0xFFFFE000;
	s14 =	sshra.s32 @!p2 s1, $0x2  }
0x77: {  	s15 =	simm.s32 @!p2 $0x40;
	s16 =	simm.s32 @!p2 $0x8000;
	s14 =	sadd.s32 @!p2 $0x2100, s14  }
0x78: {  	[spmem:s2] =	stream.indirect.scatter.add.f32 @!p2 [tilespmem:s16], [sflag:$0x6], $0x80, s14, s15, $0xb8;
	v63 =	vld [tilespmem:$0x0]  }
0x79: {  	s14 =	simm.s32 @!p2 $0x6;
	s16 =	sadd.s32 $0x6, s4  }
0x7a: {  	_ =	swait.ge @!p2 [sflag:s14], $0x2000;
	p3 =	sge.u32 s16, s8  }
0x7b: {  	[sflag:s14] =	ssyncset.done @!p2 $0x0;
	s4 =	sshra.s32 @!p3 s1, $0x2;
	s15 =	simm.s32 @!p3 $0x8000  }
0x7c: {  	[sflag:s14] =	ssyncadd.s32 @!p2 $0xFFFFE000;
	s4 =	sadd.s32 @!p3 $0x300, s4;
	s14 =	simm.s32 @!p3 $0x40  }
0x7d: {  	[tilespmem:s15], [sflag:$0x3] =	stream.indirect.gather @!p3 [hbm4b:s5+s14], $0x80, s4, s14, $0xb8;
	v63 =	vld [tilespmem:$0x0]  }
0x7e: {  	s4 =	simm.s32 @!p1 $0x4  }
0x7f: {  	_ =	swait.ge @!p1 [sflag:s4], $0x2000  }
0x80: {  	[sflag:s4] =	ssyncset.done @!p1 $0x0  }
0x81: {  	s3 =	sadd.s32 @!p1 $0x2180, s3;
	[sflag:s4] =	ssyncadd.s32 @!p1 $0xFFFFE000  }
0x82: {  	[spmem:s2] =	stream.indirect.scatter.add.f32 @!p1 [tilespmem:s12], [sflag:$0x5], $0x80, s3, s11, $0xb8;
	v63 =	vld [tilespmem:$0x0]  }
0x83: {  	s3 =	simm.s32 @!p1 $0x5  }
0x84: {  	_ =	swait.ge @!p1 [sflag:s3], $0x2000  }
0x85: {  	s1 =	sadd.s32 $0x800, s1;
	s17 =	rddreg [dreg:$0x4]  }
0x86: {  	p2 =	sne.s32 s17, s1  }
.Ltmp0:
0x87: {  	_ = 	snop;
	(pc) =	sbr.rel @p2 .LBB2_3-.Ltmp0, $3  }
0x88: {  	_ =	sdelay $0x1  }
0x89: {  	[sflag:s3] =	ssyncset.done @!p1 $0x0  }
0x8a: {  	s4 =	smov.u32 s13;
	[sflag:s3] =	ssyncadd.s32 @!p1 $0xFFFFE000  }
0x8b: {  	p1 =	slt.u32 @!p0 s0, $0x4  }
0x8c: {  	p1 =	por p0, !p1  }
.Ltmp1:
0x8d: {  	_ = 	snop;
	(pc) =	sbr.rel @!p1 .LBB2_2-.Ltmp1, $2  }
0x8e: {  	_ =	sdelay $0x2  }
0x8f: {  	s0 =	sadd.s32 $0x1, s0  }
0x90: {  	s0 =	stileid.u32  }
0x91: {  	[bflag:$0x0] =	sbarrier.arrive $0xFFFF;
	s0 =	sshll.u32 s0, $0x6  }
0x92: {  	s1 =	sshrl.u32 s9, $0x3;
	s3 =	rddreg [dreg:$0x5];
	s0 =	sor.u32 $0x1C05, s0  }
0x93: {  	[hbm:s3], [sflag:s0] =	dma.local [spmem:s1], $0x2800  }
0x94: {  	_ =	swait.ge [sflag:s23], $0x2800  }
0x95: {  	s31 =	sadd.s32 $0x1, s31;
	s17 =	rddreg [dreg:$0x6]  }
0x96: {  	p1 =	sne.s32 s31, s17  }
.Ltmp2:
0x97: {  	_ = 	snop;
	(pc) =	sbr.rel @p1 .LBB2_1-.Ltmp2, $3  }
0x98: {  	_ =	sdelay $0x1  }
0x99: {  	[sflag:s23] =	ssyncset.done $0x0  }
0x9a: {  	[sflag:s23] =	ssyncadd.s32 $0xFFFFD800  }
0x9b: {  	_ =	sfence.sel $0x180000  }
0x9c: {  	[bflag:$0x0] =	sbarrier.arrive $0xFFFF  }
0x9d: {  	_ =	strace $0x9000004A  }
0x9e: {  	s0 =	stileid.u32;
	[bflag:$0x2] =	sbarrier.arrive $0xFFFF  }
0x9f: {  	p0 =	sne.s32 s0, $0x0;
	s0 =	rddreg [dreg:$0x3]  }
0xa0: {  	s0 =	sadd.s32 @!p0 $0x100000, s0  }
0xa1: {  	[sflag:s0] =	ssyncadd.tile.s32 @!p0 $0x1;
	_ =	shalt  }
.Lfunc_end2:
_tile_overlayer_lowered:
.L_overlay_start_2:
0xa2: {  	(tag) =	ssettag $0x2  }
0xa3: {  	s0 =	rddreg [dreg:$0x0];
	s2 =	stileid.u32  }
0xa4: {  	s1 =	rddreg [dreg:$0x1];
	p0 =	sne.s32 s2, $0x0  }
0xa5: {  	s3 =	rddreg [dreg:$0x2];
	[bflag:$0x3] =	sbarrier.arrive $0xFFFF;
	s2 =	simm.s32 @!p0 $0x1C05  }
0xa6: {  	[timem:s3], [sflag:s2] =	dma.local @!p0 [hbm:s0], s1  }
0xa7: {  	s0 =	simm.s32 @!p0 $0x5  }
0xa8: {  	_ =	swait.ge @!p0 [sflag:s0], s1  }
0xa9: {  	s1 =	ssub.s32 @!p0 $0x0, s1;
	[sflag:s0] =	ssyncset.done @!p0 $0x0  }
0xaa: {  	[sflag:s0] =	ssyncadd.s32 @!p0 s1  }
0xab: {  	[bflag:$0x3] =	sbarrier.arrive $0xFFFF  }
0xac: {  	_ =	shalt  }

// kernel: kernel.14.cloned.1.call-start
scs
__scs_entry_jumppad:
0x0: {  	(pc) =	sbr.rel $0x88, $3  }
0x1: {  	(tag) =	ssettag $0x0;
	lr =	simm.s32 $0x1  }
0x2: {  	[smem:$0x3F9B] =	sst lr;
	_ =	strace $0xD0000000  }
0x3: {  	_ = 	snop  }
0x4: {  	_ = 	snop  }
0x5: {  	_ = 	snop  }
0x6: {  	_ = 	snop  }
0x7: {  	_ = 	snop  }
__scs_overlays_trampoline_lowered:
0x8: {  	[smem:$0x3FAA] =	sst s0  }
0x9: {  	[smem:$0x3FAB] =	sst s1  }
0xa: {  	[smem:$0x3FAC] =	sst s2  }
0xb: {  	[smem:$0x3FAD] =	sst s3  }
0xc: {  	[smem:$0x3FAE] =	sst s4  }
0xd: {  	[smem:$0x3FAF] =	sst s5  }
0xe: {  	[smem:$0x3FB0] =	sst s6  }
0xf: {  	[smem:$0x3FB1] =	sst s7  }
0x10: {  	[smem:$0x3FB2] =	sst s8  }
0x11: {  	[smem:$0x3FB3] =	sst s9;
	s0 =	simm.s32 @!p0 $0x0  }
0x12: {  	s1 =	sld [smem:$0x3F99];
	s0 =	simm.s32 @p0 $0x1  }
0x13: {  	[smem:$0x3FB4] =	sst s0;
	s0 =	simm.s32 @!p1 $0x0  }
0x14: {  	s2 =	sld [smem:$0x3F98];
	s0 =	simm.s32 @p1 $0x1  }
0x15: {  	[smem:$0x3FB5] =	sst s0;
	s0 =	simm.s32 @!p2 $0x0  }
0x16: {  	s3 =	sld [smem:$0x3FDB];
	s0 =	simm.s32 @p2 $0x1  }
0x17: {  	s4 =	simm.s32 $0x1BF5;
	[smem:$0x3FB7] =	sst s0  }
0x18: {  	s0 =	sld [smem:$0x3F9A];
	_ =	swait.ge [sflag:s4], $0x0  }
0x19: {  	s7 =	sld [smem:$0x3F9B]  }
0x1a: {  	s8 =	sadd.s32 $0xFFFFE003, lr  }
0x1b: {  	s9 =	sadd.s32 $0xFFFFFEF7, lr;
	s5 =	simm.s32 $0xFFFFFFFF;
	p2 =	slt.u32 s8, $0xFFFFF086  }
0x1c: {  	p1 =	slt.u32 s9, $0xF7A;
	s5 =	simm.s32 @!p2 $0x0  }
0x1d: {  	s5 =	simm.s32 @p1 $0x1;
	p0 =	seq.s32 s7, s2  }
0x1e: {  	s7 =	smul.u32 @!p0 $0xF7A, s2;
	p2 =	seq.s32 @!p0 s5, $0x0  }
0x1f: {  	s9 =	smul.u32 $0xF7A, s1;
	s8 =	simm.s32 @!p0 $0x1BF5;
	p2 =	por !p2, p0  }
0x20: {  	[sflag:s8] =	ssyncset.s32 @!p0 $0xFFFFF086;
	s6 =	sadd.s32 @!p0 s3, s7;
	s7 =	simm.s32 @!p0 $0x108  }
0x21: {  	s3 =	sadd.s32 s3, s9;
	s6 =	sadd.s32 @!p0 $0x88, s6;
	s7 =	simm.s32 @p2 $0x1082  }
0x22: {  	[simem:s7], [sflag:s8] =	dma.local @!p0 [hbm:s6], $0xF7A  }
0x23: {  	s9 =	sor.u32 $0xD0000000, s2;
	s6 =	simm.s32 $0x108;
	_ =	swait.ge @!p0 [sflag:s8], $0x0  }
0x24: {  	s3 =	sadd.s32 $0x88, s3;
	s6 =	simm.s32 @!p1 $0x1082;
	[sflag:s4] =	ssyncset.s32 $0xFFFFF086  }
0x25: {  	[simem:s6], [sflag:s4] =	dma.local [hbm:s3], $0xF7A  }
0x26: {  	[smem:$0x3F9B] =	sst s1;
	(tag) =	ssettag s2;
	_ =	strace s9  }
0x27: {  	s1 =	sld [smem:$0x3FAB]  }
0x28: {  	s2 =	sld [smem:$0x3FAC]  }
0x29: {  	s4 =	sld [smem:$0x3FAE]  }
0x2a: {  	p0 =	seq.s32 s5, $0x0;
	s5 =	sld [smem:$0x3FAF]  }
0x2b: {  	s6 =	sld [smem:$0x3FB0]  }
0x2c: {  	s7 =	sld [smem:$0x3FB1]  }
0x2d: {  	s3 =	simm.s32 $0x108;
	s8 =	sld [smem:$0x3FB2]  }
0x2e: {  	s3 =	simm.s32 @!p0 $0x1082;
	s9 =	sld [smem:$0x3FB3]  }
0x2f: {  	lr =	sadd.s32 s0, s3;
	s0 =	sld [smem:$0x3FAA]  }
0x30: {  	s3 =	sld [smem:$0x3FAD]  }
0x31: {  	[smem:$0x3FB6] =	sst s10  }
0x32: {  	s10 =	sld [smem:$0x3FB4];
	_ =	sdelay $0x3  }
0x33: {  	p0 =	seq.s32 s10, $0x1;
	s10 =	sld [smem:$0x3FB6];
	_ =	sdelay $0x3  }
0x34: {  	[smem:$0x3FB6] =	sst s10  }
0x35: {  	s10 =	sld [smem:$0x3FB5];
	_ =	sdelay $0x3  }
0x36: {  	p1 =	seq.s32 s10, $0x1;
	s10 =	sld [smem:$0x3FB6];
	_ =	sdelay $0x3  }
0x37: {  	[smem:$0x3FB6] =	sst s10  }
0x38: {  	s10 =	sld [smem:$0x3FB7]  }
0x39: {  	_ = 	snop;
	(pc) =	sbr.ind lr, $3  }
0x3a: {  	_ = 	snop  }
0x3b: {  	_ = 	snop  }
0x3c: {  	p2 =	seq.s32 s10, $0x1;
	s10 =	sld [smem:$0x3FB6]  }
0x3d: {  	_ =	shalt  }
0x3e: {  	_ =	shalt  }
0x3f: {  	_ =	shalt  }
0x40: {  	_ =	shalt  }
0x41: {  	_ =	shalt  }
0x42: {  	_ =	shalt  }
0x43: {  	_ =	shalt  }
0x44: {  	_ =	shalt  }
0x45: {  	_ =	shalt  }
0x46: {  	_ =	shalt  }
0x47: {  	_ =	shalt  }
0x48: {  	_ =	shalt  }
0x49: {  	_ =	shalt  }
0x4a: {  	_ =	shalt  }
0x4b: {  	_ =	shalt  }
0x4c: {  	_ =	shalt  }
0x4d: {  	_ =	shalt  }
0x4e: {  	_ =	shalt  }
0x4f: {  	_ =	shalt  }
0x50: {  	_ =	shalt  }
0x51: {  	_ =	shalt  }
0x52: {  	_ =	shalt  }
0x53: {  	_ =	shalt  }
0x54: {  	_ =	shalt  }
0x55: {  	_ =	shalt  }
0x56: {  	_ =	shalt  }
0x57: {  	_ =	shalt  }
0x58: {  	_ =	shalt  }
0x59: {  	_ =	shalt  }
0x5a: {  	_ =	shalt  }
0x5b: {  	_ =	shalt  }
0x5c: {  	_ =	shalt  }
0x5d: {  	_ =	shalt  }
0x5e: {  	_ =	shalt  }
0x5f: {  	_ =	shalt  }
0x60: {  	_ =	shalt  }
0x61: {  	_ =	shalt  }
0x62: {  	_ =	shalt  }
0x63: {  	_ =	shalt  }
0x64: {  	_ =	shalt  }
0x65: {  	_ =	shalt  }
0x66: {  	_ =	shalt  }
0x67: {  	_ =	shalt  }
0x68: {  	_ =	shalt  }
0x69: {  	_ =	shalt  }
0x6a: {  	_ =	shalt  }
0x6b: {  	_ =	shalt  }
0x6c: {  	_ =	shalt  }
0x6d: {  	_ =	shalt  }
0x6e: {  	_ =	shalt  }
0x6f: {  	_ =	shalt  }
0x70: {  	_ =	shalt  }
0x71: {  	_ =	shalt  }
0x72: {  	_ =	shalt  }
0x73: {  	_ =	shalt  }
0x74: {  	_ =	shalt  }
0x75: {  	_ =	shalt  }
0x76: {  	_ =	shalt  }
0x77: {  	_ =	shalt  }
0x78: {  	_ =	shalt  }
0x79: {  	_ =	shalt  }
0x7a: {  	_ =	shalt  }
0x7b: {  	_ =	shalt  }
0x7c: {  	_ =	shalt  }
0x7d: {  	_ =	shalt  }
0x7e: {  	_ =	shalt  }
0x7f: {  	_ =	shalt  }
0x80: {  	_ =	shalt  }
0x81: {  	_ =	shalt  }
0x82: {  	_ =	shalt  }
0x83: {  	_ =	shalt  }
0x84: {  	_ =	shalt  }
0x85: {  	_ =	shalt  }
0x86: {  	_ =	shalt  }
0x87: {  	_ =	shalt  }
.Lfunc_end0:
.L_simem_size_0:
called_computation.2_lowered:
.L_overlay_start_0:
0x88: {  	s2 =	sld [smem:$0x3FD9]  }
0x89: {  	s3 =	sld [smem:$0x3FFE];
	_ =	sdelay $0x1  }
0x8a: {  	s1 =	srdreg.scid  }
0x8b: {  	s0 =	sand.u32 $0x1, s1  }
0x8c: {  	s17 =	sshll.u32 s0, $0xA;
	s2 =	sadd.s32 s3, s2  }
0x8d: {  	s2 =	sadd.s32 s2, s17  }
0x8e: {  	[smem:$0x3FC2] =	sst s2  }
0x8f: {  	_ = 	snop  }
0x90: {  	s2 =	sld [smem:$0x3FD0];
	(tm) =	ssettm $0x1  }
0x91: {  	s18 =	sld [smem:$0x3FFB];
	_ =	sdelay $0x3  }
0x92: {  	_ =	strace s18  }
0x93: {  	s3 =	sld [smem:$0x3FFC];
	_ =	sdelay $0x3  }
0x94: {  	_ =	strace s3  }
0x95: {  	s3 =	sld [smem:$0x3FFD];
	_ =	sdelay $0x3  }
0x96: {  	_ =	strace s3  }
0x97: {  	_ =	strace $0x8FFFFFFF  }
0x98: {  	s19 =	sld [smem:$0x3FDB];
	_ =	sdelay $0x1  }
0x99: {  	s4 =	simm.s32 $_scs_section_size  }
0x9a: {  	s5 =	simm.s32 $_size__tile_overlayer_lowered;
	s6 =	simm.s32 $_tile_overlayer_lowered  }
0x9b: {  	s22 =	simm.s32 $0x1BFF;
	s21 =	sshll.u32 s6, $0x1;
	s3 =	sadd.s32 s4, s19  }
0x9c: {  	s7 =	simm.s32 $0x0;
	s20 =	sshll.u32 s5, $0x1;
	s5 =	sadd.s32 s21, s3  }
0x9d: {  	[timem:s7], [sflag:s22] =	dma.local [hbm:s5], s20  }
0x9e: {  	_ =	swait.ge [sflag:s22], s20  }
0x9f: {  	s4 =	ssub.s32 $0x0, s20;
	[sflag:s22] =	ssyncset.done $0x0  }
0xa0: {  	[sflag:s22] =	ssyncadd.s32 s4;
	_ =	sdelay $0x1  }
0xa1: {  	s23 =	simm.s32 $0x1B8B  }
0xa2: {  	_ =	swait.ge [sflag:s23], $0x1  }
0xa3: {  	[sflag:s23] =	ssyncset.done $0x0  }
0xa4: {  	s25 =	simm.s32 $0x1B8E;
	s24 =	sld [smem:$0x3FFE];
	[sflag:s23] =	ssyncadd.s32 $0xFFFFFFFF  }
0xa5: {  	s26 =	simm.s32 $execute0_lowered;
	[smem:$0x3FD2] =	sst s25  }
0xa6: {  	s5 =	sshll.u32 s26, $0x1;
	_ =	strace $0x8000004C;
	[dreg:$0x1] =	wrdreg $0xFFFFFFFF  }
0xa7: {  	s28 =	simm.s32 $_size_execute0_lowered;
	s3 =	sadd.s32 s3, s5;
	[dreg:$0x0] =	wrdreg $0x0  }
0xa8: {  	s5 =	sshll.u32 s28, $0x1;
	[dreg:$0x2] =	wrdreg s3  }
0xa9: {  	[dreg:$0x3] =	wrdreg s5  }
0xaa: {  	[dreg:$0x4] =	wrdreg $0xC0  }
0xab: {  	_ =	task [dreg:s7], $0x5FFFF  }
0xac: {  	[dreg:$0x1] =	wrdreg $0xFFFFFFFF  }
0xad: {  	[dreg:$0x0] =	wrdreg $0x60  }
0xae: {  	[dreg:$0x2] =	wrdreg s24  }
0xaf: {  	[dreg:$0x3] =	wrdreg s2  }
0xb0: {  	[dreg:$0x4] =	wrdreg $0xC0000  }
0xb1: {  	[dreg:$0x5] =	wrdreg $0x9  }
0xb2: {  	_ =	task.clear_ibuf [dreg:s7], $0x6FFFF;
	_ =	strace $0x9000004C  }
0xb3: {  	s29 =	simm.s32 $0x9;
	_ =	strace $0x8000004E  }
0xb4: {  	_ =	swait.ge [sflag:s29], $0x1  }
0xb5: {  	[sflag:s29] =	ssyncadd.s32 $0xFFFFFFFF  }
0xb6: {  	_ =	strace $0x9000004E  }
0xb7: {  	_ =	sfence  }
0xb8: {  	s30 =	sld [smem:$0x0];
	_ =	sdelay $0x2  }
0xb9: {  	s31 =	sshll.u32 s1, $0xD;
	s1 =	sshrl.u32 s1, $0x2  }
0xba: {  	s3 =	sand.u32 $0x4000, s31;
	s1 =	sadd.s32 s1, s30  }
0xbb: {  	s0 =	sor.u32 s3, s0;
	s1 =	sshll.u32 s1, $0x11  }
0xbc: {  	s0 =	sor.u32 s1, s0  }
0xbd: {  	s0 =	sadd.s32 $0x8F2B, s0  }
0xbe: {  	[sflag:s0] =	ssyncadd.remote.s32 $0x1  }
0xbf: {  	_ =	sfence.sel $0xFFFF  }
0xc0: {  	[dreg:$0x0] =	wrdreg $0xFFFFFFFF;
	(pc) =	sbr.abs _section_cstart, $3  }
0xc1: {  	[dreg:$0x1] =	wrdreg $0xFFFFFFFF  }
0xc2: {  	_ =	task.clear_ibuf [dreg:s7], $0x2FFFF;
	_ =	strace $0x9FFFFFFF  }
0xc3: {  	(tm) =	ssettm $0x7FFFFFFF  }
tec
execute0_lowered:
.L_overlay_start_1:
0x0: {  	(tag) =	ssettag $0x1  }
0x1: {  	s0 =	rddreg [dreg:$0x0]  }
0x2: {  	s2 =	rddreg [dreg:$0x2]  }
0x3: {  	s1 =	srdreg.scid;
	s4 =	simm.s32 $0x0;
	s9 =	stileid.u32  }
0x4: {  	s10 =	simm.s32 $0x7800;
	s28 =	simm.s32 $0x6000;
	s29 =	simm.s32 $0x100  }
0x5: {  	s30 =	simm.s32 $0x8000;
	s31 =	simm.s32 $0x0;
	s1 =	sand.u32 $0x1, s1  }
0x6: {  	[smem:$0x7FF] =	sst s4;
	s17 =	smul.u32 $0x14000, s9;
	s5 =	sadd.s32 $0x5BA00, s0  }
0x7: {  	s6 =	sadd.s32 $0x33A00, s0;
	s7 =	sadd.s32 $0xBA00, s0;
	s3 =	smul.u32 $0x140000, s1  }
0x8: {  	_ =	strace $0x8000004D;
	s18 =	ssub.s32 $0x2, s1;
	s8 =	sshll.u32 s1, $0x4  }
0x9: {  	p0 =	seq.s32 s1, $0x0;
	s20 =	sor.u32 s9, s8;
	s3 =	sadd.s32 s17, s3  }
0xa: {  	s9 =	smul.u32 $0x50000, s9;
	s10 =	simm.s32 @!p0 $0x2000;
	s3 =	sshrl.u32 s3, $0x3  }
0xb: {  	s19 =	sshrl.u32 s18, $0x1;
	[dreg:$0x4] =	wrdreg s10;
	s0 =	sadd.s32 s3, s0  }
0xc: {  	s9 =	sshrl.u32 s9, $0x2;
	s3 =	ssub.s32 s18, s19;
	s0 =	sadd.s32 $0x83A00, s0  }
0xd: {  	s9 =	sadd.s32 s9, s2;
	s21 =	smax.u32 s3, $0x1;
	[dreg:$0x5] =	wrdreg s0  }
0xe: {  	s8 =	simm.s32 $0x3C;
	s22 =	sadd.s32 $0x2000, s9;
	[dreg:$0x6] =	wrdreg s21  }
0xf: {  	s8 =	simm.s32 @!p0 $0xD;
	s23 =	sadd.s32 $0x4000, s9;
	[dreg:$0x7] =	wrdreg s22  }
0x10: {  	s10 =	smul.u32 $0xA000, s20;
	s24 =	sadd.s32 $0x6000, s9;
	[dreg:$0x8] =	wrdreg s23  }
0x11: {  	p0 =	sne.s32 s1, $0x0;
	s25 =	sadd.s32 $0x8000, s9;
	[dreg:$0x9] =	wrdreg s24  }
0x12: {  	s26 =	sadd.s32 $0xA000, s9;
	s18 =	sadd.s32 $0xC000, s9;
	[dreg:$0xa] =	wrdreg s25  }
0x13: {  	s19 =	sadd.s32 $0xE000, s9;
	s20 =	sadd.s32 $0x10000, s9;
	[dreg:$0xb] =	wrdreg s26  }
0x14: {  	s21 =	sadd.s32 $0x12000, s9;
	s22 =	simm.s32 $0x4000;
	s23 =	simm.s32 $0x5  }
0x15: {  	s24 =	simm.s32 $0x2000;
	s25 =	simm.s32 $0x40;
	s26 =	simm.s32 $0x80  }
.LBB2_1:
0x16: {  	s0 =	rddreg [dreg:$0x1];
	s1 =	simm.s32 $0x0  }
0x17: {  	[tilespmem:s22], [sflag:$0x5] =	stream.linear.gather [hbm4b:s0+s1], $0x2000, $0x38;
	v63 =	vld [tilespmem:$0x0]  }
0x18: {  	_ =	swait.ge [sflag:s23], $0x2000  }
0x19: {  	[sflag:s23] =	ssyncset.done $0x0  }
0x1a: {  	[sflag:s23] =	ssyncadd.s32 $0xFFFFE000  }
0x1b: {  	[spmem:s9] =	stream.linear.scatter [tilespmem:s22], [sflag:$0x5], $0x2000, $0x38;
	v63 =	vld [tilespmem:$0x0]  }
0x1c: {  	_ =	swait.ge [sflag:s23], $0x2000  }
0x1d: {  	[sflag:s23] =	ssyncset.done $0x0  }
0x1e: {  	s13 =	rddreg [dreg:$0x7];
	[sflag:s23] =	ssyncadd.s32 $0xFFFFE000  }
0x1f: {  	[spmem:s13] =	stream.linear.scatter [tilespmem:s22], [sflag:$0x5], $0x2000, $0x38;
	v63 =	vld [tilespmem:$0x0]  }
0x20: {  	_ =	swait.ge [sflag:s23], $0x2000  }
0x21: {  	[sflag:s23] =	ssyncset.done $0x0  }
0x22: {  	s14 =	rddreg [dreg:$0x8];
	[sflag:s23] =	ssyncadd.s32 $0xFFFFE000  }
0x23: {  	[spmem:s14] =	stream.linear.scatter [tilespmem:s22], [sflag:$0x5], $0x2000, $0x38;
	v63 =	vld [tilespmem:$0x0]  }
0x24: {  	_ =	swait.ge [sflag:s23], $0x2000  }
0x25: {  	[sflag:s23] =	ssyncset.done $0x0  }
0x26: {  	s15 =	rddreg [dreg:$0x9];
	[sflag:s23] =	ssyncadd.s32 $0xFFFFE000  }
0x27: {  	[spmem:s15] =	stream.linear.scatter [tilespmem:s22], [sflag:$0x5], $0x2000, $0x38;
	v63 =	vld [tilespmem:$0x0]  }
0x28: {  	_ =	swait.ge [sflag:s23], $0x2000  }
0x29: {  	[sflag:s23] =	ssyncset.done $0x0  }
0x2a: {  	s16 =	rddreg [dreg:$0xa];
	[sflag:s23] =	ssyncadd.s32 $0xFFFFE000  }
0x2b: {  	[spmem:s16] =	stream.linear.scatter [tilespmem:s22], [sflag:$0x5], $0x2000, $0x38;
	v63 =	vld [tilespmem:$0x0]  }
0x2c: {  	_ =	swait.ge [sflag:s23], $0x2000  }
0x2d: {  	[sflag:s23] =	ssyncset.done $0x0  }
0x2e: {  	s17 =	rddreg [dreg:$0xb];
	[sflag:s23] =	ssyncadd.s32 $0xFFFFE000  }
0x2f: {  	[spmem:s17] =	stream.linear.scatter [tilespmem:s22], [sflag:$0x5], $0x2000, $0x38;
	v63 =	vld [tilespmem:$0x0]  }
0x30: {  	_ =	swait.ge [sflag:s23], $0x2000  }
0x31: {  	[sflag:s23] =	ssyncset.done $0x0  }
0x32: {  	[sflag:s23] =	ssyncadd.s32 $0xFFFFE000  }
0x33: {  	[spmem:s18] =	stream.linear.scatter [tilespmem:s22], [sflag:$0x5], $0x2000, $0x38;
	v63 =	vld [tilespmem:$0x0]  }
0x34: {  	_ =	swait.ge [sflag:s23], $0x2000  }
0x35: {  	[sflag:s23] =	ssyncset.done $0x0  }
0x36: {  	[sflag:s23] =	ssyncadd.s32 $0xFFFFE000  }
0x37: {  	[spmem:s19] =	stream.linear.scatter [tilespmem:s22], [sflag:$0x5], $0x2000, $0x38;
	v63 =	vld [tilespmem:$0x0]  }
0x38: {  	_ =	swait.ge [sflag:s23], $0x2000  }
0x39: {  	[sflag:s23] =	ssyncset.done $0x0  }
0x3a: {  	[sflag:s23] =	ssyncadd.s32 $0xFFFFE000  }
0x3b: {  	[spmem:s20] =	stream.linear.scatter [tilespmem:s22], [sflag:$0x5], $0x2000, $0x38;
	v63 =	vld [tilespmem:$0x0]  }
0x3c: {  	_ =	swait.ge [sflag:s23], $0x2000  }
0x3d: {  	[sflag:s23] =	ssyncset.done $0x0  }
0x3e: {  	[sflag:s23] =	ssyncadd.s32 $0xFFFFE000  }
0x3f: {  	[spmem:s21] =	stream.linear.scatter [tilespmem:s22], [sflag:$0x5], $0x2000, $0x38;
	v63 =	vld [tilespmem:$0x0]  }
0x40: {  	_ =	swait.ge [sflag:s23], $0x2000  }
0x41: {  	[sflag:s23] =	ssyncset.done $0x0  }
0x42: {  	[sflag:s23] =	ssyncadd.s32 $0xFFFFE000  }
0x43: {  	s0 =	simm.s32 $0x0;
	[bflag:$0x0] =	sbarrier.arrive $0xFFFF  }
.LBB2_2:
0x44: {  	s1 =	sshll.u32 s0, $0xD  }
0x45: {  	s1 =	sadd.s32 s10, s1  }
0x46: {  	s1 =	sshrl.u32 s1, $0x3  }
0x47: {  	s4 =	simm.s32 $0x0;
	s3 =	sadd.s32 s6, s1  }
0x48: {  	[tilespmem:s4], [sflag:$0x5] =	stream.linear.gather [hbm4b:s3+s4], $0x1E00, $0x38;
	v63 =	vld [tilespmem:$0x0]  }
0x49: {  	_ =	swait.ge [sflag:s23], $0x1E00  }
0x4a: {  	[sflag:s23] =	ssyncset.done $0x0  }
0x4b: {  	s1 =	sadd.s32 s7, s1;
	[sflag:s23] =	ssyncadd.s32 $0xFFFFE200  }
0x4c: {  	[tilespmem:s24], [sflag:$0x5] =	stream.linear.gather [hbm4b:s1+s4], $0x1E00, $0x38;
	v63 =	vld [tilespmem:$0x0]  }
0x4d: {  	_ =	swait.ge [sflag:s23], $0x1E00  }
0x4e: {  	[sflag:s23] =	ssyncset.done $0x0  }
0x4f: {  	[sflag:s23] =	ssyncadd.s32 $0xFFFFE200  }
0x50: {  	[tilespmem:s22], [sflag:$0x1] =	stream.indirect.gather [hbm4b:s5+s25], $0x80, s4, s25, $0xb8;
	v63 =	vld [tilespmem:$0x0]  }
0x51: {  	_ = 	snop  }
0x52: {  	[tilespmem:s28], [sflag:$0x2] =	stream.indirect.gather [hbm4b:s5+s25], $0x80, s26, s25, $0xb8;
	v63 =	vld [tilespmem:$0x0]  }
0x53: {  	s1 =	simm.s32 $0x0  }
0x54: {  	[tilespmem:s30], [sflag:$0x3] =	stream.indirect.gather [hbm4b:s5+s25], $0x80, s29, s25, $0xb8;
	v63 =	vld [tilespmem:$0x0]  }
.LBB2_3:
0x55: {  	s3 =	sadd.s32 $0x3, s4  }
0x56: {  	p1 =	sge.u32 s3, s8  }
0x57: {  	p2 =	sge.u32 s4, s8;
	s3 =	sshra.s32 @!p1 s1, $0x2  }
0x58: {  	s11 =	simm.s32 @!p1 $0x40;
	s12 =	simm.s32 @!p1 $0xA000;
	s13 =	sadd.s32 @!p1 $0x180, s3  }
0x59: {  	[tilespmem:s12], [sflag:$0x4] =	stream.indirect.gather @!p1 [hbm4b:s5+s11], $0x80, s13, s11, $0xb8;
	v63 =	vld [tilespmem:$0x0]  }
0x5a: {  	s13 =	simm.s32 @!p2 $0x1  }
0x5b: {  	_ =	swait.ge @!p2 [sflag:s13], $0x2000  }
0x5c: {  	[sflag:s13] =	ssyncset.done @!p2 $0x0  }
0x5d: {  	[sflag:s13] =	ssyncadd.s32 @!p2 $0xFFFFE000;
	s13 =	sshra.s32 @!p2 s1, $0x2  }
0x5e: {  	s14 =	simm.s32 @!p2 $0x40;
	s15 =	simm.s32 @!p2 $0x4000;
	s13 =	sadd.s32 @!p2 $0x2000, s13  }
0x5f: {  	[spmem:s2] =	stream.indirect.scatter.add.f32 @!p2 [tilespmem:s15], [sflag:$0x6], $0x80, s13, s14, $0xb8;
	v63 =	vld [tilespmem:$0x0]  }
0x60: {  	s14 =	simm.s32 @!p2 $0x6  }
0x61: {  	s13 =	sadd.s32 $0x4, s4;
	_ =	swait.ge @!p2 [sflag:s14], $0x2000  }
0x62: {  	p3 =	sge.u32 s13, s8;
	[sflag:s14] =	ssyncset.done @!p2 $0x0  }
0x63: {  	s15 =	sshra.s32 @!p3 s1, $0x2;
	s16 =	simm.s32 @!p3 $0x40;
	s17 =	simm.s32 @!p3 $0x4000  }
0x64: {  	[sflag:s14] =	ssyncadd.s32 @!p2 $0xFFFFE000;
	s14 =	sadd.s32 $0x1, s4;
	s15 =	sadd.s32 @!p3 $0x200, s15  }
0x65: {  	[tilespmem:s17], [sflag:$0x1] =	stream.indirect.gather @!p3 [hbm4b:s5+s16], $0x80, s15, s16, $0xb8;
	v63 =	vld [tilespmem:$0x0]  }
0x66: {  	p2 =	sge.u32 s14, s8  }
0x67: {  	s14 =	simm.s32 @!p2 $0x2  }
0x68: {  	_ =	swait.ge @!p2 [sflag:s14], $0x2000  }
0x69: {  	[sflag:s14] =	ssyncset.done @!p2 $0x0  }
0x6a: {  	s17 =	sadd.s32 $0x5, s4;
	[sflag:s14] =	ssyncadd.s32 @!p2 $0xFFFFE000;
	s14 =	sshra.s32 @!p2 s1, $0x2  }
0x6b: {  	s15 =	simm.s32 @!p2 $0x40;
	s16 =	simm.s32 @!p2 $0x6000;
	s14 =	sadd.s32 @!p2 $0x2080, s14  }
0x6c: {  	[spmem:s2] =	stream.indirect.scatter.add.f32 @!p2 [tilespmem:s16], [sflag:$0x6], $0x80, s14, s15, $0xb8;
	v63 =	vld [tilespmem:$0x0]  }
0x6d: {  	p3 =	sge.u32 s17, s8;
	s14 =	simm.s32 @!p2 $0x6  }
0x6e: {  	s17 =	simm.s32 @!p3 $0x6000;
	_ =	swait.ge @!p2 [sflag:s14], $0x2000  }
0x6f: {  	s15 =	sshra.s32 @!p3 s1, $0x2;
	s16 =	simm.s32 @!p3 $0x40;
	[sflag:s14] =	ssyncset.done @!p2 $0x0  }
0x70: {  	s15 =	sadd.s32 @!p3 $0x280, s15;
	[sflag:s14] =	ssyncadd.s32 @!p2 $0xFFFFE000;
	s14 =	sadd.s32 $0x2, s4  }
0x71: {  	[tilespmem:s17], [sflag:$0x2] =	stream.indirect.gather @!p3 [hbm4b:s5+s16], $0x80, s15, s16, $0xb8;
	v63 =	vld [tilespmem:$0x0]  }
0x72: {  	p2 =	sge.u32 s14, s8  }
0x73: {  	s14 =	simm.s32 @!p2 $0x3  }
0x74: {  	_ =	swait.ge @!p2 [sflag:s14], $0x2000  }
0x75: {  	[sflag:s14] =	ssyncset.done @!p2 $0x0  }
0x76: {  	[sflag:s14] =	ssyncadd.s32 @!p2 $0xFFFFE000;
	s14 =	sshra.s32 @!p2 s1, $0x2  }
0x77: {  	s15 =	simm.s32 @!p2 $0x40;
	s16 =	simm.s32 @!p2 $0x8000;
	s14 =	sadd.s32 @!p2 $0x2100, s14  }
0x78: {  	[spmem:s2] =	stream.indirect.scatter.add.f32 @!p2 [tilespmem:s16], [sflag:$0x6], $0x80, s14, s15, $0xb8;
	v63 =	vld [tilespmem:$0x0]  }
0x79: {  	s14 =	simm.s32 @!p2 $0x6;
	s16 =	sadd.s32 $0x6, s4  }
0x7a: {  	_ =	swait.ge @!p2 [sflag:s14], $0x2000;
	p3 =	sge.u32 s16, s8  }
0x7b: {  	[sflag:s14] =	ssyncset.done @!p2 $0x0;
	s4 =	sshra.s32 @!p3 s1, $0x2;
	s15 =	simm.s32 @!p3 $0x8000  }
0x7c: {  	[sflag:s14] =	ssyncadd.s32 @!p2 $0xFFFFE000;
	s4 =	sadd.s32 @!p3 $0x300, s4;
	s14 =	simm.s32 @!p3 $0x40  }
0x7d: {  	[tilespmem:s15], [sflag:$0x3] =	stream.indirect.gather @!p3 [hbm4b:s5+s14], $0x80, s4, s14, $0xb8;
	v63 =	vld [tilespmem:$0x0]  }
0x7e: {  	s4 =	simm.s32 @!p1 $0x4  }
0x7f: {  	_ =	swait.ge @!p1 [sflag:s4], $0x2000  }
0x80: {  	[sflag:s4] =	ssyncset.done @!p1 $0x0  }
0x81: {  	s3 =	sadd.s32 @!p1 $0x2180, s3;
	[sflag:s4] =	ssyncadd.s32 @!p1 $0xFFFFE000  }
0x82: {  	[spmem:s2] =	stream.indirect.scatter.add.f32 @!p1 [tilespmem:s12], [sflag:$0x5], $0x80, s3, s11, $0xb8;
	v63 =	vld [tilespmem:$0x0]  }
0x83: {  	s3 =	simm.s32 @!p1 $0x5  }
0x84: {  	_ =	swait.ge @!p1 [sflag:s3], $0x2000  }
0x85: {  	s1 =	sadd.s32 $0x800, s1;
	s17 =	rddreg [dreg:$0x4]  }
0x86: {  	p2 =	sne.s32 s17, s1  }
.Ltmp0:
0x87: {  	_ = 	snop;
	(pc) =	sbr.rel @p2 .LBB2_3-.Ltmp0, $3  }
0x88: {  	_ =	sdelay $0x1  }
0x89: {  	[sflag:s3] =	ssyncset.done @!p1 $0x0  }
0x8a: {  	s4 =	smov.u32 s13;
	[sflag:s3] =	ssyncadd.s32 @!p1 $0xFFFFE000  }
0x8b: {  	p1 =	slt.u32 @!p0 s0, $0x4  }
0x8c: {  	p1 =	por p0, !p1  }
.Ltmp1:
0x8d: {  	_ = 	snop;
	(pc) =	sbr.rel @!p1 .LBB2_2-.Ltmp1, $2  }
0x8e: {  	_ =	sdelay $0x2  }
0x8f: {  	s0 =	sadd.s32 $0x1, s0  }
0x90: {  	s0 =	stileid.u32  }
0x91: {  	[bflag:$0x0] =	sbarrier.arrive $0xFFFF;
	s0 =	sshll.u32 s0, $0x6  }
0x92: {  	s1 =	sshrl.u32 s9, $0x3;
	s3 =	rddreg [dreg:$0x5];
	s0 =	sor.u32 $0x1C05, s0  }
0x93: {  	[hbm:s3], [sflag:s0] =	dma.local [spmem:s1], $0x2800  }
0x94: {  	_ =	swait.ge [sflag:s23], $0x2800  }
0x95: {  	s31 =	sadd.s32 $0x1, s31;
	s17 =	rddreg [dreg:$0x6]  }
0x96: {  	p1 =	sne.s32 s31, s17  }
.Ltmp2:
0x97: {  	_ = 	snop;
	(pc) =	sbr.rel @p1 .LBB2_1-.Ltmp2, $3  }
0x98: {  	_ =	sdelay $0x1  }
0x99: {  	[sflag:s23] =	ssyncset.done $0x0  }
0x9a: {  	[sflag:s23] =	ssyncadd.s32 $0xFFFFD800  }
0x9b: {  	_ =	sfence.sel $0x180000  }
0x9c: {  	[bflag:$0x0] =	sbarrier.arrive $0xFFFF  }
0x9d: {  	_ =	strace $0x9000004D  }
0x9e: {  	s0 =	stileid.u32;
	[bflag:$0x2] =	sbarrier.arrive $0xFFFF  }
0x9f: {  	p0 =	sne.s32 s0, $0x0;
	s0 =	rddreg [dreg:$0x3]  }
0xa0: {  	s0 =	sadd.s32 @!p0 $0x100000, s0  }
0xa1: {  	[sflag:s0] =	ssyncadd.tile.s32 @!p0 $0x1;
	_ =	shalt  }
.Lfunc_end2:
_tile_overlayer_lowered:
.L_overlay_start_2:
0xa2: {  	(tag) =	ssettag $0x2  }
0xa3: {  	s0 =	rddreg [dreg:$0x0];
	s2 =	stileid.u32  }
0xa4: {  	s1 =	rddreg [dreg:$0x1];
	p0 =	sne.s32 s2, $0x0  }
0xa5: {  	s3 =	rddreg [dreg:$0x2];
	[bflag:$0x3] =	sbarrier.arrive $0xFFFF;
	s2 =	simm.s32 @!p0 $0x1C05  }
0xa6: {  	[timem:s3], [sflag:s2] =	dma.local @!p0 [hbm:s0], s1  }
0xa7: {  	s0 =	simm.s32 @!p0 $0x5  }
0xa8: {  	_ =	swait.ge @!p0 [sflag:s0], s1  }
0xa9: {  	s1 =	ssub.s32 @!p0 $0x0, s1;
	[sflag:s0] =	ssyncset.done @!p0 $0x0  }
0xaa: {  	[sflag:s0] =	ssyncadd.s32 @!p0 s1  }
0xab: {  	[bflag:$0x3] =	sbarrier.arrive $0xFFFF  }
0xac: {  	_ =	shalt  }

// kernel: kernel.8.cloned.1.call-start
scs
__scs_entry_jumppad:
0x0: {  	(pc) =	sbr.rel $0x88, $3  }
0x1: {  	(tag) =	ssettag $0x0;
	lr =	simm.s32 $0x1  }
0x2: {  	[smem:$0x3F9B] =	sst lr;
	_ =	strace $0xD0000000  }
0x3: {  	_ = 	snop  }
0x4: {  	_ = 	snop  }
0x5: {  	_ = 	snop  }
0x6: {  	_ = 	snop  }
0x7: {  	_ = 	snop  }
__scs_overlays_trampoline_lowered:
0x8: {  	[smem:$0x3FAA] =	sst s0  }
0x9: {  	[smem:$0x3FAB] =	sst s1  }
0xa: {  	[smem:$0x3FAC] =	sst s2  }
0xb: {  	[smem:$0x3FAD] =	sst s3  }
0xc: {  	[smem:$0x3FAE] =	sst s4  }
0xd: {  	[smem:$0x3FAF] =	sst s5  }
0xe: {  	[smem:$0x3FB0] =	sst s6  }
0xf: {  	[smem:$0x3FB1] =	sst s7  }
0x10: {  	[smem:$0x3FB2] =	sst s8  }
0x11: {  	[smem:$0x3FB3] =	sst s9;
	s0 =	simm.s32 @!p0 $0x0  }
0x12: {  	s1 =	sld [smem:$0x3F99];
	s0 =	simm.s32 @p0 $0x1  }
0x13: {  	[smem:$0x3FB4] =	sst s0;
	s0 =	simm.s32 @!p1 $0x0  }
0x14: {  	s2 =	sld [smem:$0x3F98];
	s0 =	simm.s32 @p1 $0x1  }
0x15: {  	[smem:$0x3FB5] =	sst s0;
	s0 =	simm.s32 @!p2 $0x0  }
0x16: {  	s3 =	sld [smem:$0x3FDB];
	s0 =	simm.s32 @p2 $0x1  }
0x17: {  	s4 =	simm.s32 $0x1BF5;
	[smem:$0x3FB7] =	sst s0  }
0x18: {  	s0 =	sld [smem:$0x3F9A];
	_ =	swait.ge [sflag:s4], $0x0  }
0x19: {  	s7 =	sld [smem:$0x3F9B]  }
0x1a: {  	s8 =	sadd.s32 $0xFFFFE003, lr  }
0x1b: {  	s9 =	sadd.s32 $0xFFFFFEF7, lr;
	s5 =	simm.s32 $0xFFFFFFFF;
	p2 =	slt.u32 s8, $0xFFFFF086  }
0x1c: {  	p1 =	slt.u32 s9, $0xF7A;
	s5 =	simm.s32 @!p2 $0x0  }
0x1d: {  	s5 =	simm.s32 @p1 $0x1;
	p0 =	seq.s32 s7, s2  }
0x1e: {  	s7 =	smul.u32 @!p0 $0xF7A, s2;
	p2 =	seq.s32 @!p0 s5, $0x0  }
0x1f: {  	s9 =	smul.u32 $0xF7A, s1;
	s8 =	simm.s32 @!p0 $0x1BF5;
	p2 =	por !p2, p0  }
0x20: {  	[sflag:s8] =	ssyncset.s32 @!p0 $0xFFFFF086;
	s6 =	sadd.s32 @!p0 s3, s7;
	s7 =	simm.s32 @!p0 $0x108  }
0x21: {  	s3 =	sadd.s32 s3, s9;
	s6 =	sadd.s32 @!p0 $0x88, s6;
	s7 =	simm.s32 @p2 $0x1082  }
0x22: {  	[simem:s7], [sflag:s8] =	dma.local @!p0 [hbm:s6], $0xF7A  }
0x23: {  	s9 =	sor.u32 $0xD0000000, s2;
	s6 =	simm.s32 $0x108;
	_ =	swait.ge @!p0 [sflag:s8], $0x0  }
0x24: {  	s3 =	sadd.s32 $0x88, s3;
	s6 =	simm.s32 @!p1 $0x1082;
	[sflag:s4] =	ssyncset.s32 $0xFFFFF086  }
0x25: {  	[simem:s6], [sflag:s4] =	dma.local [hbm:s3], $0xF7A  }
0x26: {  	[smem:$0x3F9B] =	sst s1;
	(tag) =	ssettag s2;
	_ =	strace s9  }
0x27: {  	s1 =	sld [smem:$0x3FAB]  }
0x28: {  	s2 =	sld [smem:$0x3FAC]  }
0x29: {  	s4 =	sld [smem:$0x3FAE]  }
0x2a: {  	p0 =	seq.s32 s5, $0x0;
	s5 =	sld [smem:$0x3FAF]  }
0x2b: {  	s6 =	sld [smem:$0x3FB0]  }
0x2c: {  	s7 =	sld [smem:$0x3FB1]  }
0x2d: {  	s3 =	simm.s32 $0x108;
	s8 =	sld [smem:$0x3FB2]  }
0x2e: {  	s3 =	simm.s32 @!p0 $0x1082;
	s9 =	sld [smem:$0x3FB3]  }
0x2f: {  	lr =	sadd.s32 s0, s3;
	s0 =	sld [smem:$0x3FAA]  }
0x30: {  	s3 =	sld [smem:$0x3FAD]  }
0x31: {  	[smem:$0x3FB6] =	sst s10  }
0x32: {  	s10 =	sld [smem:$0x3FB4];
	_ =	sdelay $0x3  }
0x33: {  	p0 =	seq.s32 s10, $0x1;
	s10 =	sld [smem:$0x3FB6];
	_ =	sdelay $0x3  }
0x34: {  	[smem:$0x3FB6] =	sst s10  }
0x35: {  	s10 =	sld [smem:$0x3FB5];
	_ =	sdelay $0x3  }
0x36: {  	p1 =	seq.s32 s10, $0x1;
	s10 =	sld [smem:$0x3FB6];
	_ =	sdelay $0x3  }
0x37: {  	[smem:$0x3FB6] =	sst s10  }
0x38: {  	s10 =	sld [smem:$0x3FB7]  }
0x39: {  	_ = 	snop;
	(pc) =	sbr.ind lr, $3  }
0x3a: {  	_ = 	snop  }
0x3b: {  	_ = 	snop  }
0x3c: {  	p2 =	seq.s32 s10, $0x1;
	s10 =	sld [smem:$0x3FB6]  }
0x3d: {  	_ =	shalt  }
0x3e: {  	_ =	shalt  }
0x3f: {  	_ =	shalt  }
0x40: {  	_ =	shalt  }
0x41: {  	_ =	shalt  }
0x42: {  	_ =	shalt  }
0x43: {  	_ =	shalt  }
0x44: {  	_ =	shalt  }
0x45: {  	_ =	shalt  }
0x46: {  	_ =	shalt  }
0x47: {  	_ =	shalt  }
0x48: {  	_ =	shalt  }
0x49: {  	_ =	shalt  }
0x4a: {  	_ =	shalt  }
0x4b: {  	_ =	shalt  }
0x4c: {  	_ =	shalt  }
0x4d: {  	_ =	shalt  }
0x4e: {  	_ =	shalt  }
0x4f: {  	_ =	shalt  }
0x50: {  	_ =	shalt  }
0x51: {  	_ =	shalt  }
0x52: {  	_ =	shalt  }
0x53: {  	_ =	shalt  }
0x54: {  	_ =	shalt  }
0x55: {  	_ =	shalt  }
0x56: {  	_ =	shalt  }
0x57: {  	_ =	shalt  }
0x58: {  	_ =	shalt  }
0x59: {  	_ =	shalt  }
0x5a: {  	_ =	shalt  }
0x5b: {  	_ =	shalt  }
0x5c: {  	_ =	shalt  }
0x5d: {  	_ =	shalt  }
0x5e: {  	_ =	shalt  }
0x5f: {  	_ =	shalt  }
0x60: {  	_ =	shalt  }
0x61: {  	_ =	shalt  }
0x62: {  	_ =	shalt  }
0x63: {  	_ =	shalt  }
0x64: {  	_ =	shalt  }
0x65: {  	_ =	shalt  }
0x66: {  	_ =	shalt  }
0x67: {  	_ =	shalt  }
0x68: {  	_ =	shalt  }
0x69: {  	_ =	shalt  }
0x6a: {  	_ =	shalt  }
0x6b: {  	_ =	shalt  }
0x6c: {  	_ =	shalt  }
0x6d: {  	_ =	shalt  }
0x6e: {  	_ =	shalt  }
0x6f: {  	_ =	shalt  }
0x70: {  	_ =	shalt  }
0x71: {  	_ =	shalt  }
0x72: {  	_ =	shalt  }
0x73: {  	_ =	shalt  }
0x74: {  	_ =	shalt  }
0x75: {  	_ =	shalt  }
0x76: {  	_ =	shalt  }
0x77: {  	_ =	shalt  }
0x78: {  	_ =	shalt  }
0x79: {  	_ =	shalt  }
0x7a: {  	_ =	shalt  }
0x7b: {  	_ =	shalt  }
0x7c: {  	_ =	shalt  }
0x7d: {  	_ =	shalt  }
0x7e: {  	_ =	shalt  }
0x7f: {  	_ =	shalt  }
0x80: {  	_ =	shalt  }
0x81: {  	_ =	shalt  }
0x82: {  	_ =	shalt  }
0x83: {  	_ =	shalt  }
0x84: {  	_ =	shalt  }
0x85: {  	_ =	shalt  }
0x86: {  	_ =	shalt  }
0x87: {  	_ =	shalt  }
.Lfunc_end0:
.L_simem_size_0:
called_computation_lowered:
.L_overlay_start_0:
0x88: {  	s2 =	sld [smem:$0x3FD9]  }
0x89: {  	s3 =	sld [smem:$0x3FFE];
	_ =	sdelay $0x1  }
0x8a: {  	s1 =	srdreg.scid  }
0x8b: {  	s0 =	sand.u32 $0x1, s1  }
0x8c: {  	s17 =	sshll.u32 s0, $0xA;
	s2 =	sadd.s32 s3, s2  }
0x8d: {  	s2 =	sadd.s32 s2, s17  }
0x8e: {  	[smem:$0x3FC2] =	sst s2  }
0x8f: {  	_ = 	snop  }
0x90: {  	s2 =	sld [smem:$0x3FD0];
	(tm) =	ssettm $0x1  }
0x91: {  	s18 =	sld [smem:$0x3FFB];
	_ =	sdelay $0x3  }
0x92: {  	_ =	strace s18  }
0x93: {  	s3 =	sld [smem:$0x3FFC];
	_ =	sdelay $0x3  }
0x94: {  	_ =	strace s3  }
0x95: {  	s3 =	sld [smem:$0x3FFD];
	_ =	sdelay $0x3  }
0x96: {  	_ =	strace s3  }
0x97: {  	_ =	strace $0x8FFFFFFF  }
0x98: {  	s19 =	sld [smem:$0x3FDB];
	_ =	sdelay $0x1  }
0x99: {  	s4 =	simm.s32 $_scs_section_size  }
0x9a: {  	s5 =	simm.s32 $_size__tile_overlayer_lowered;
	s6 =	simm.s32 $_tile_overlayer_lowered  }
0x9b: {  	s22 =	simm.s32 $0x1BFF;
	s21 =	sshll.u32 s6, $0x1;
	s3 =	sadd.s32 s4, s19  }
0x9c: {  	s7 =	simm.s32 $0x0;
	s20 =	sshll.u32 s5, $0x1;
	s5 =	sadd.s32 s21, s3  }
0x9d: {  	[timem:s7], [sflag:s22] =	dma.local [hbm:s5], s20  }
0x9e: {  	_ =	swait.ge [sflag:s22], s20  }
0x9f: {  	s4 =	ssub.s32 $0x0, s20;
	[sflag:s22] =	ssyncset.done $0x0  }
0xa0: {  	[sflag:s22] =	ssyncadd.s32 s4;
	_ =	sdelay $0x1  }
0xa1: {  	s23 =	simm.s32 $0x1B8B  }
0xa2: {  	_ =	swait.ge [sflag:s23], $0x1  }
0xa3: {  	[sflag:s23] =	ssyncset.done $0x0  }
0xa4: {  	s25 =	simm.s32 $0x1B8E;
	s24 =	sld [smem:$0x3FFE];
	[sflag:s23] =	ssyncadd.s32 $0xFFFFFFFF  }
0xa5: {  	s26 =	simm.s32 $execute0_lowered;
	[smem:$0x3FD2] =	sst s25  }
0xa6: {  	s5 =	sshll.u32 s26, $0x1;
	_ =	strace $0x80000046;
	[dreg:$0x1] =	wrdreg $0xFFFFFFFF  }
0xa7: {  	s28 =	simm.s32 $_size_execute0_lowered;
	s3 =	sadd.s32 s3, s5;
	[dreg:$0x0] =	wrdreg $0x0  }
0xa8: {  	s5 =	sshll.u32 s28, $0x1;
	[dreg:$0x2] =	wrdreg s3  }
0xa9: {  	[dreg:$0x3] =	wrdreg s5  }
0xaa: {  	[dreg:$0x4] =	wrdreg $0xC0  }
0xab: {  	_ =	task [dreg:s7], $0x5FFFF  }
0xac: {  	[dreg:$0x1] =	wrdreg $0xFFFFFFFF  }
0xad: {  	[dreg:$0x0] =	wrdreg $0x60  }
0xae: {  	[dreg:$0x2] =	wrdreg s24  }
0xaf: {  	[dreg:$0x3] =	wrdreg s2  }
0xb0: {  	[dreg:$0x4] =	wrdreg $0x9  }
0xb1: {  	_ =	task.clear_ibuf [dreg:s7], $0x5FFFF;
	_ =	strace $0x90000046  }
0xb2: {  	s29 =	simm.s32 $0x9;
	_ =	strace $0x80000048  }
0xb3: {  	_ =	swait.ge [sflag:s29], $0x1  }
0xb4: {  	[sflag:s29] =	ssyncadd.s32 $0xFFFFFFFF  }
0xb5: {  	_ =	strace $0x90000048  }
0xb6: {  	_ =	sfence  }
0xb7: {  	s30 =	sld [smem:$0x0];
	_ =	sdelay $0x2  }
0xb8: {  	s31 =	sshll.u32 s1, $0xD;
	s1 =	sshrl.u32 s1, $0x2  }
0xb9: {  	s3 =	sand.u32 $0x4000, s31;
	s1 =	sadd.s32 s1, s30  }
0xba: {  	s0 =	sor.u32 s3, s0;
	s1 =	sshll.u32 s1, $0x11  }
0xbb: {  	s0 =	sor.u32 s1, s0  }
0xbc: {  	s0 =	sadd.s32 $0x8F2B, s0  }
0xbd: {  	[sflag:s0] =	ssyncadd.remote.s32 $0x1  }
0xbe: {  	_ =	sfence.sel $0xFFFF  }
0xbf: {  	[dreg:$0x0] =	wrdreg $0xFFFFFFFF;
	(pc) =	sbr.abs _section_cstart, $3  }
0xc0: {  	[dreg:$0x1] =	wrdreg $0xFFFFFFFF  }
0xc1: {  	_ =	task.clear_ibuf [dreg:s7], $0x2FFFF;
	_ =	strace $0x9FFFFFFF  }
0xc2: {  	(tm) =	ssettm $0x7FFFFFFF  }
0xc3: {  	_ =	shalt  }
tec
execute0_lowered:
.L_overlay_start_1:
0x0: {  	(tag) =	ssettag $0x1  }
0x1: {  	s3 =	rddreg [dreg:$0x0]  }
0x2: {  	s1 =	srdreg.scid;
	s0 =	stileid.u32  }
0x3: {  	s4 =	rddreg [dreg:$0x1];
	s9 =	simm.s32 $0x400;
	s10 =	simm.s32 $0x0  }
0x4: {  	s5 =	sand.u32 $0x1, s1;
	s2 =	sshll.u32 s0, $0x1;
	s1 =	rddreg [dreg:$0x2]  }
0x5: {  	s7 =	sshrl.u32 s0, $0x2;
	s6 =	sor.u32 s5, s2;
	s2 =	simm.s32 $0x0  }
0x6: {  	s7 =	smul.u32 $0x14000, s7;
	s5 =	ssub.s32 $0x2, s5;
	s8 =	sshll.u32 s6, $0x7  }
0x7: {  	[smem:$0x7FF] =	sst s2;
	s6 =	smul.u32 $0x4E4, s6;
	s31 =	sshrl.u32 s5, $0x1  }
0x8: {  	s8 =	sand.u32 $0x380, s8;
	_ =	strace $0x80000047;
	s5 =	ssub.s32 s5, s31  }
0x9: {  	s7 =	sor.u32 s7, s8;
	s3 =	sadd.s32 s6, s3;
	s5 =	smax.u32 s5, $0x1  }
0xa: {  	s6 =	simm.s32 $0x1;
	s8 =	simm.s32 $0x80;
	s7 =	sshrl.u32 s7, $0x3  }
0xb: {  	v0 =	vimm.f32 $0.0e+00;
	v1 =	vimm.f32 $1.000000000e+00;
	s3 =	sadd.s32 $0x1C00, s3;
	s4 =	sadd.s32 s4, s7;
	s7 =	simm.s32 $0x2780  }
.LBB2_1:
0xc: {  	[tilespmem:s2], [sflag:$0x1] =	stream.linear.gather [hbm4b:s3+s2], $0x2720, $0x38;
	[tilespmem:$0x4F80] =	vst v63  }
0xd: {  	_ =	swait.ge [sflag:s6], $0x2720  }
0xe: {  	[sflag:s6] =	ssyncset.done $0x0  }
0xf: {  	s11 =	simm.s32 $0x0;
	[sflag:s6] =	ssyncadd.s32 $0xFFFFD8E0  }
.LBB2_2:
0x10: {  	p0 =	sne.s32 s11, $0x9FC0  }
.Ltmp0:
0x11: {  	_ = 	snop;
	(pc) =	sbr.rel @p0 .LBB2_2-.Ltmp0, $3  }
0x12: {  	_ =	sdelay $0x1  }
0x13: {  	s12 =	sshra.s32 s11, $0x2  }
0x14: {  	s11 =	sadd.s32 $0x40, s11;
	[tilespmem:s12+$0x2780] =	vst v0  }
0x15: {  	s12 =	simm.s32 $0x0;
	s11 =	simm.s32 $0x40  }
.LBB2_4:
0x16: {  	p0 =	sne.s32 s11, $0x9C40;
	v2 =	vld [tilespmem:s12+$0x0];
	_ =	sdelay $0x3  }
.Ltmp1:
0x17: {  	(pc) =	sbr.rel @p0 .LBB2_4-.Ltmp1, $2  }
0x18: {  	_ =	sdelay $0x2  }
0x19: {  	s12 =	sshra.s32 s11, $0x2;
	s11 =	sadd.s32 $0x40, s11;
	[tilespmem:v2+s7+$0x0] =	vst.idx.add.f32.msk $0xffff, v1  }
0x1a: {  	v2 =	vld [tilespmem:s12+$0x0];
	_ =	sdelay $0x5  }
0x1b: {  	s10 =	sadd.s32 $0x1, s10  }
0x1c: {  	p0 =	sne.s32 s10, s5  }
.Ltmp2:
0x1d: {  	[tilespmem:v2+s7+$0x0] =	vst.idx.add.f32.msk $0xffff, v1;
	(pc) =	sbr.rel @p0 .LBB2_1-.Ltmp2, $4  }
0x1e: {  	[hbm4b:s4+s8] =	stream.strided.scatter [tilespmem:s7], [sflag:$0x1], $0x2800, s9, s8, $0x38;
	[tilespmem:$0x4F80] =	vst v63  }
0x1f: {  	_ =	swait.ge [sflag:s6], $0x2800  }
0x20: {  	[sflag:s6] =	ssyncset.done $0x0  }
0x21: {  	[sflag:s6] =	ssyncadd.s32 $0xFFFFD800  }
0x22: {  	_ =	sfence.sel $0x180000  }
0x23: {  	[bflag:$0x0] =	sbarrier.arrive $0xFFFF  }
0x24: {  	p0 =	sne.s32 s0, $0x0;
	_ =	strace $0x90000047  }
0x25: {  	s0 =	sadd.s32 @!p0 $0x100000, s1;
	[bflag:$0x2] =	sbarrier.arrive $0xFFFF  }
0x26: {  	[sflag:s0] =	ssyncadd.tile.s32 @!p0 $0x1;
	_ =	shalt  }
.Lfunc_end2:
_tile_overlayer_lowered:
.L_overlay_start_2:
0x27: {  	(tag) =	ssettag $0x2  }
0x28: {  	s0 =	rddreg [dreg:$0x0];
	s2 =	stileid.u32  }
0x29: {  	s1 =	rddreg [dreg:$0x1];
	p0 =	sne.s32 s2, $0x0  }
0x2a: {  	s3 =	rddreg [dreg:$0x2];
	[bflag:$0x3] =	sbarrier.arrive $0xFFFF;
	s2 =	simm.s32 @!p0 $0x1C01  }
0x2b: {  	[timem:s3], [sflag:s2] =	dma.local @!p0 [hbm:s0], s1  }
0x2c: {  	s0 =	simm.s32 @!p0 $0x1  }
0x2d: {  	_ =	swait.ge @!p0 [sflag:s0], s1  }
0x2e: {  	s1 =	ssub.s32 @!p0 $0x0, s1;
	[sflag:s0] =	ssyncset.done @!p0 $0x0  }
0x2f: {  	[sflag:s0] =	ssyncadd.s32 @!p0 s1  }
0x30: {  	[bflag:$0x3] =	sbarrier.arrive $0xFFFF  }
0x31: {  	_ =	shalt  }

</sc_bundles>
